<compile_context>
chip_gen: v7x
topology: tpu7x:2x2x1
jax: 0.10.2.dev20260603
libtpu: 0.0.44.dev20260713+nightly
codegen_flags: <defaults>
</compile_context>

<pallas_src>
import jax
import jax.numpy as jnp
from jax import lax
from jax.experimental import pallas as pl
from jax.experimental.pallas import tpu as pltpu
from jax.experimental.pallas import tpu_sc as plsc

NC = 2
NS = 16
L = 16

H_SP = 64
W_SP = 64
HEADS = 8
D = 32
Q = 4096
P = 4
PAIRS = 32
NWORD = D // 2
R = 128
GROUPS = R // L
NCHUNK = Q // R


def _floor_i32(v):
    t = v.astype(jnp.int32)
    tf = t.astype(jnp.float32)
    return jnp.where(v < tf, t - 1, t)


def _body(slab_hbm, lc_hbm, aw_hbm, out_hbm, slab_v, loc_c, aw_c, out_v):
    wid = lax.axis_index("c") * NS + lax.axis_index("s")
    b = lax.shift_right_logical(wid, 3)
    h = lax.bitwise_and(wid, HEADS - 1)

    pltpu.sync_copy(slab_hbm.at[wid], slab_v)

    def chunk_body(c, carry):
        pltpu.sync_copy(lc_hbm.at[b, h, 0, :, :, pl.ds(c * R, R)], loc_c)
        pltpu.sync_copy(aw_hbm.at[b, h, 0, :, pl.ds(c * R, R)], aw_c)

        def group_body(g, gcarry):
            wbfs = []
            tbases = []
            for p in range(P):
                xx = loc_c[p, 0, pl.ds(g * L, L)]
                yy = loc_c[p, 1, pl.ds(g * L, L)]
                aa = aw_c[p, pl.ds(g * L, L)]
                ix = xx * jnp.float32(W_SP) - 0.5
                iy = yy * jnp.float32(H_SP) - 0.5
                x0 = _floor_i32(ix)
                y0 = _floor_i32(iy)
                wx1 = ix - x0.astype(jnp.float32)
                wx0 = 1.0 - wx1
                wy1 = iy - y0.astype(jnp.float32)
                wy0 = 1.0 - wy1
                for sy in (0, 1):
                    yc = y0 + sy
                    wy = wy1 if sy else wy0
                    vy = (yc >= 0) & (yc <= H_SP - 1)
                    ycc = jnp.clip(yc, 0, H_SP - 1)
                    for sx in (0, 1):
                        xc = x0 + sx
                        wx = wx1 if sx else wx0
                        ok = vy & (xc >= 0) & (xc <= W_SP - 1)
                        xcc = jnp.clip(xc, 0, W_SP - 1)
                        t = ycc * W_SP + xcc
                        w = jnp.where(ok, aa * wx * wy, 0.0)
                        wbfs.append(
                            plsc.pack(w, w, format=plsc.PackFormat.INTERLEAVED)
                        )
                        tbases.append(t)
            for wp in range(NWORD):
                wpv = jnp.full((L,), wp, jnp.int32)
                words = [plsc.load_gather(slab_v, [wpv, tbases[s]])
                         for s in range(16)]
                accs = [jnp.zeros((2 * L,), jnp.bfloat16) for _ in range(4)]
                for s in range(16):
                    accs[s % 4] = accs[s % 4] + (
                        plsc.bitcast(words[s], jnp.bfloat16) * wbfs[s])
                out_v[wp, pl.ds(g * L, L)] = plsc.bitcast(
                    (accs[0] + accs[1]) + (accs[2] + accs[3]), jnp.int32)
            return gcarry

        lax.fori_loop(0, GROUPS, group_body, 0)
        pltpu.sync_copy(out_v, out_hbm.at[wid, :, pl.ds(c * R, R)])
        return carry

    lax.fori_loop(0, NCHUNK, chunk_body, 0)


def _bf16_bits(x):
    u = lax.bitcast_convert_type(x, jnp.uint32)
    rounded = u + jnp.uint32(0x7FFF) + (lax.shift_right_logical(u, jnp.uint32(16)) & jnp.uint32(1))
    return lax.shift_right_logical(rounded, jnp.uint32(16)).astype(jnp.int32)


@jax.jit
def _run(value, loc6, aw5):
    vt = value.transpose(0, 2, 3, 1)
    lc = loc6.transpose(0, 2, 3, 4, 5, 1)
    aw = aw5.transpose(0, 2, 3, 4, 1)
    bits = _bf16_bits(vt).reshape(4, HEADS, NWORD, 2 * Q)
    slab = (bits[..., :Q] | lax.shift_left(bits[..., Q:], 16)).reshape(
        PAIRS, NWORD, Q)

    kfn = pl.kernel(
        _body,
        out_type=jax.ShapeDtypeStruct((PAIRS, NWORD, Q), jnp.int32),
        mesh=plsc.VectorSubcoreMesh(
            core_axis_name="c", subcore_axis_name="s",
            num_cores=NC, num_subcores=NS,
        ),
        scratch_types=[
            pltpu.VMEM((NWORD, Q), jnp.int32),
            pltpu.VMEM((P, 2, R), jnp.float32),
            pltpu.VMEM((P, R), jnp.float32),
            pltpu.VMEM((NWORD, R), jnp.int32),
        ],
        compiler_params=pltpu.CompilerParams(needs_layout_passes=False),
    )
    out = kfn(slab, lc, aw)
    out_bf = lax.bitcast_convert_type(
        out.reshape(4, HEADS, NWORD, Q), jnp.bfloat16)
    return (
        out_bf.transpose(0, 3, 1, 2, 4)
        .reshape(4, Q, HEADS * D)
        .astype(jnp.float32)
    )


def kernel(value, value_spatial_shapes, sampling_locations, attention_weights):
    return _run(value, sampling_locations, attention_weights)

# --- scband reference (transcript-rebuilt; emitter-appended) ---
"""Pipeline reference for scband-single-scale-fixed-size-deform-attn-onnx-59983513256472 (READ-ONLY COPY).

The authoritative reference and input builder live on the scoring server;
editing this copy changes nothing except your own understanding.
"""

import jax, jax.numpy as jnp
import numpy as np

H_SP, W_SP = 64, 64  # value_spatial_shapes_list[0]


def _grid_sample_bilinear_zeros(im, grid):
    # im: (N, C, H, W), grid: (N, Hg, Wg, 2) with normalized coords in [-1, 1], (x, y) order.
    # Matches torch.nn.functional.grid_sample(mode='bilinear', padding_mode='zeros', align_corners=False).
    N, C, H, W = im.shape
    x = grid[..., 0]
    y = grid[..., 1]
    ix = ((x + 1.0) * W - 1.0) / 2.0
    iy = ((y + 1.0) * H - 1.0) / 2.0
    ix0 = jnp.floor(ix)
    iy0 = jnp.floor(iy)
    ix1 = ix0 + 1.0
    iy1 = iy0 + 1.0

    def gather(iyf, ixf):
        valid = (ixf >= 0) & (ixf <= W - 1) & (iyf >= 0) & (iyf <= H - 1)
        iyc = jnp.clip(iyf.astype(jnp.int32), 0, H - 1)
        ixc = jnp.clip(ixf.astype(jnp.int32), 0, W - 1)
        b = jnp.arange(N).reshape(N, 1, 1)
        v = im[b, :, iyc, ixc]  # (N, Hg, Wg, C)
        return v * valid[..., None].astype(im.dtype)

    v00 = gather(iy0, ix0)
    v01 = gather(iy0, ix1)
    v10 = gather(iy1, ix0)
    v11 = gather(iy1, ix1)
    wx1 = ix - ix0
    wx0 = 1.0 - wx1
    wy1 = iy - iy0
    wy0 = 1.0 - wy1
    out = (v00 * (wx0 * wy0)[..., None] + v01 * (wx1 * wy0)[..., None]
           + v10 * (wx0 * wy1)[..., None] + v11 * (wx1 * wy1)[..., None])
    return jnp.transpose(out, (0, 3, 1, 2))  # (N, C, Hg, Wg)


def setup_inputs(seed: int = 0):
    key = jax.random.key(seed)
    k1, k2, k3 = jax.random.split(key, 3)
    bs, heads, d = 4, 8, 32
    K = H_SP * W_SP  # 4096 keys
    Q, L, P = 4096, 1, 4
    value = jax.random.normal(k1, (bs, K, heads, d), dtype=jnp.float32)
    value_spatial_shapes = jnp.array([[H_SP, W_SP]], dtype=jnp.int64)
    sampling_locations = jax.random.uniform(k2, (bs, Q, heads, L, P, 2), dtype=jnp.float32)
    aw = jax.random.uniform(k3, (bs, Q, heads, L, P), dtype=jnp.float32)
    attention_weights = aw / jnp.sum(aw, axis=(-1, -2), keepdims=True)
    return {"value": value, "value_spatial_shapes": value_spatial_shapes,
            "sampling_locations": sampling_locations, "attention_weights": attention_weights}


def reference(value, value_spatial_shapes, sampling_locations, attention_weights):
    bs, K, heads, d = value.shape
    _, Q, _, L, P, _ = sampling_locations.shape
    # value_spatial_shapes is ignored: module uses fixed value_spatial_shapes_list[0]
    sampling_grids = 2.0 * sampling_locations - 1.0
    value_l = value.reshape(bs, K, heads * d).transpose(0, 2, 1).reshape(bs * heads, d, H_SP, W_SP)
    grid_l = jnp.transpose(sampling_grids[:, :, :, 0], (0, 2, 1, 3, 4)).reshape(bs * heads, Q, P, 2)
    sv = _grid_sample_bilinear_zeros(value_l, grid_l)  # (bs*heads, d, Q, P)
    aw = jnp.transpose(attention_weights, (0, 2, 1, 3, 4)).reshape(bs * heads, 1, Q, L * P)
    out = (sv * aw).sum(-1).reshape(bs, heads * d, Q)
    return jnp.transpose(out, (0, 2, 1))  # (bs, Q, heads*d)

if __name__ == "__main__":
    import jax
    _d = setup_inputs()
    print(jax.jit(kernel)(*tuple(_d.values())))

</pallas_src>

<mosaic_0001>
#map = affine_map<(d0, d1) -> (0, 0, 0)>
#map1 = affine_map<(d0, d1) -> (0, 0, 0, 0, 0, 0)>
#map2 = affine_map<(d0, d1) -> (0, 0, 0, 0, 0)>
module attributes {stable_mosaic.version = 14 : i64} {
  func.func @_body(%arg0: i32, %arg1: i32, %arg2: memref<32x16x4096xi32, #tpu.memory_space<hbm>>, %arg3: memref<4x8x1x4x2x4096xf32, #tpu.memory_space<hbm>>, %arg4: memref<4x8x1x4x4096xf32, #tpu.memory_space<hbm>>, %arg5: memref<32x16x4096xi32, #tpu.memory_space<hbm>>, %arg6: memref<16x4096xi32, #tpu.memory_space<vmem>>, %arg7: memref<4x2x128xf32, #tpu.memory_space<vmem>>, %arg8: memref<4x128xf32, #tpu.memory_space<vmem>>, %arg9: memref<16x128xi32, #tpu.memory_space<vmem>>) attributes {dimension_semantics = [#tpu.dimension_semantics<core_parallel>, #tpu.dimension_semantics<subcore_parallel>], iteration_bounds = array<i64: 2, 16>, scalar_prefetch = 0 : i64, scratch_operands = 4 : i64, tpu.core_type = #tpu.core_type<sc_vector_subcore>, window_params = [{transform_indices = #map}, {transform_indices = #map1}, {transform_indices = #map2}, {transform_indices = #map}]} {
    %mul3A = arith.constant 16 : i32
    %mul3A_0 = arith.muli %arg0, %mul3A : i32
    %add3A = arith.addi %mul3A_0, %arg1 : i32
    %shift_right_logical3A = arith.constant 3 : i32
    %shift_right_logical3A_1 = arith.shrui %add3A, %shift_right_logical3A : i32
    %and3A = arith.constant 7 : i32
    %and3A_2 = arith.andi %add3A, %and3A : i32
    "tpu.region"() ({
      %run_scoped3A = tpu.sem_alloc : memref<!tpu.dma_semaphore, #tpu.memory_space<semaphore_mem>>
      %dma_start3A = arith.constant 0 : i32
      %dma_start3A_8 = arith.constant 0 : i32
      %dma_start3A_9 = tpu.memref_slice %arg2[%add3A, %dma_start3A, %dma_start3A_8] : memref<32x16x4096xi32, #tpu.memory_space<hbm>> -> memref<1x16x4096xi32, #tpu.memory_space<hbm>>
      %dma_start3A_10 = tpu.memref_squeeze %dma_start3A_9 : memref<1x16x4096xi32, #tpu.memory_space<hbm>> -> memref<16x4096xi32, #tpu.memory_space<hbm>>
      %dma_start3A_11 = arith.constant 0 : i32
      %dma_start3A_12 = arith.constant 0 : i32
      %dma_start3A_13 = tpu.memref_slice %arg2[%add3A, %dma_start3A_11, %dma_start3A_12] : memref<32x16x4096xi32, #tpu.memory_space<hbm>> -> memref<1x16x4096xi32, #tpu.memory_space<hbm>>
      %dma_start3A_14 = tpu.memref_squeeze %dma_start3A_13 : memref<1x16x4096xi32, #tpu.memory_space<hbm>> -> memref<16x4096xi32, #tpu.memory_space<hbm>>
      tpu.enqueue_dma source(%dma_start3A_14 : memref<16x4096xi32, #tpu.memory_space<hbm>>) target(%arg6 : memref<16x4096xi32, #tpu.memory_space<vmem>>) target_semaphore(%run_scoped3A : memref<!tpu.dma_semaphore, #tpu.memory_space<semaphore_mem>>)
      %dma_wait3A = arith.constant 0 : i32
      %dma_wait3A_15 = arith.constant 0 : i32
      %dma_wait3A_16 = tpu.memref_slice %arg2[%add3A, %dma_wait3A, %dma_wait3A_15] : memref<32x16x4096xi32, #tpu.memory_space<hbm>> -> memref<1x16x4096xi32, #tpu.memory_space<hbm>>
      %dma_wait3A_17 = tpu.memref_squeeze %dma_wait3A_16 : memref<1x16x4096xi32, #tpu.memory_space<hbm>> -> memref<16x4096xi32, #tpu.memory_space<hbm>>
      %dma_wait3A_18 = arith.constant 0 : i32
      %dma_wait3A_19 = arith.constant 0 : i32
      %dma_wait3A_20 = tpu.memref_slice %arg2[%add3A, %dma_wait3A_18, %dma_wait3A_19] : memref<32x16x4096xi32, #tpu.memory_space<hbm>> -> memref<1x16x4096xi32, #tpu.memory_space<hbm>>
      %dma_wait3A_21 = tpu.memref_squeeze %dma_wait3A_20 : memref<1x16x4096xi32, #tpu.memory_space<hbm>> -> memref<16x4096xi32, #tpu.memory_space<hbm>>
      tpu.wait_dma2 semaphore(%run_scoped3A : memref<!tpu.dma_semaphore, #tpu.memory_space<semaphore_mem>>) src(%dma_wait3A_21 : memref<16x4096xi32, #tpu.memory_space<hbm>>) dst(%arg6 : memref<16x4096xi32, #tpu.memory_space<vmem>>)
      tpu.yield
    }) : () -> ()
    %scan3A = arith.constant 0 : i32
    %scan3A_3 = arith.constant 0 : i32
    %scan3A_4 = arith.constant 32 : i32
    %scan3A_5 = arith.addi %scan3A_3, %scan3A_4 : i32
    %scan3A_6 = arith.constant 1 : i32
    scf.for %scan3A_8 = %scan3A_3 to %scan3A_5 step %scan3A_6  : i32 {
      %mul3A_9 = arith.constant 128 : i32
      %mul3A_10 = arith.muli %scan3A_8, %mul3A_9 : i32
      %run_scoped3A = arith.constant 0 : i32
      "tpu.region"() ({
        %run_scoped3A_22 = tpu.sem_alloc : memref<!tpu.dma_semaphore, #tpu.memory_space<semaphore_mem>>
        %dma_start3A = arith.constant 0 : i32
        %dma_start3A_23 = arith.constant 0 : i32
        %dma_start3A_24 = tpu.memref_slice %arg3[%shift_right_logical3A_1, %and3A_2, %run_scoped3A, %dma_start3A, %dma_start3A_23, %mul3A_10] : memref<4x8x1x4x2x4096xf32, #tpu.memory_space<hbm>> -> memref<1x1x1x4x2x128xf32, #tpu.memory_space<hbm>>
        %dma_start3A_25 = tpu.memref_squeeze %dma_start3A_24 : memref<1x1x1x4x2x128xf32, #tpu.memory_space<hbm>> -> memref<4x2x128xf32, #tpu.memory_space<hbm>>
        %dma_start3A_26 = arith.constant 0 : i32
        %dma_start3A_27 = arith.constant 0 : i32
        %dma_start3A_28 = tpu.memref_slice %arg3[%shift_right_logical3A_1, %and3A_2, %run_scoped3A, %dma_start3A_26, %dma_start3A_27, %mul3A_10] : memref<4x8x1x4x2x4096xf32, #tpu.memory_space<hbm>> -> memref<1x1x1x4x2x128xf32, #tpu.memory_space<hbm>>
        %dma_start3A_29 = tpu.memref_squeeze %dma_start3A_28 : memref<1x1x1x4x2x128xf32, #tpu.memory_space<hbm>> -> memref<4x2x128xf32, #tpu.memory_space<hbm>>
        tpu.enqueue_dma source(%dma_start3A_29 : memref<4x2x128xf32, #tpu.memory_space<hbm>>) target(%arg7 : memref<4x2x128xf32, #tpu.memory_space<vmem>>) target_semaphore(%run_scoped3A_22 : memref<!tpu.dma_semaphore, #tpu.memory_space<semaphore_mem>>)
        %dma_wait3A = arith.constant 0 : i32
        %dma_wait3A_30 = arith.constant 0 : i32
        %dma_wait3A_31 = tpu.memref_slice %arg3[%shift_right_logical3A_1, %and3A_2, %run_scoped3A, %dma_wait3A, %dma_wait3A_30, %mul3A_10] : memref<4x8x1x4x2x4096xf32, #tpu.memory_space<hbm>> -> memref<1x1x1x4x2x128xf32, #tpu.memory_space<hbm>>
        %dma_wait3A_32 = tpu.memref_squeeze %dma_wait3A_31 : memref<1x1x1x4x2x128xf32, #tpu.memory_space<hbm>> -> memref<4x2x128xf32, #tpu.memory_space<hbm>>
        %dma_wait3A_33 = arith.constant 0 : i32
        %dma_wait3A_34 = arith.constant 0 : i32
        %dma_wait3A_35 = tpu.memref_slice %arg3[%shift_right_logical3A_1, %and3A_2, %run_scoped3A, %dma_wait3A_33, %dma_wait3A_34, %mul3A_10] : memref<4x8x1x4x2x4096xf32, #tpu.memory_space<hbm>> -> memref<1x1x1x4x2x128xf32, #tpu.memory_space<hbm>>
        %dma_wait3A_36 = tpu.memref_squeeze %dma_wait3A_35 : memref<1x1x1x4x2x128xf32, #tpu.memory_space<hbm>> -> memref<4x2x128xf32, #tpu.memory_space<hbm>>
        tpu.wait_dma2 semaphore(%run_scoped3A_22 : memref<!tpu.dma_semaphore, #tpu.memory_space<semaphore_mem>>) src(%dma_wait3A_36 : memref<4x2x128xf32, #tpu.memory_space<hbm>>) dst(%arg7 : memref<4x2x128xf32, #tpu.memory_space<vmem>>)
        tpu.yield
      }) : () -> ()
      %mul3A_11 = arith.constant 128 : i32
      %mul3A_12 = arith.muli %scan3A_8, %mul3A_11 : i32
      %run_scoped3A_13 = arith.constant 0 : i32
      "tpu.region"() ({
        %run_scoped3A_22 = tpu.sem_alloc : memref<!tpu.dma_semaphore, #tpu.memory_space<semaphore_mem>>
        %dma_start3A = arith.constant 0 : i32
        %dma_start3A_23 = tpu.memref_slice %arg4[%shift_right_logical3A_1, %and3A_2, %run_scoped3A_13, %dma_start3A, %mul3A_12] : memref<4x8x1x4x4096xf32, #tpu.memory_space<hbm>> -> memref<1x1x1x4x128xf32, #tpu.memory_space<hbm>>
        %dma_start3A_24 = tpu.memref_squeeze %dma_start3A_23 : memref<1x1x1x4x128xf32, #tpu.memory_space<hbm>> -> memref<4x128xf32, #tpu.memory_space<hbm>>
        %dma_start3A_25 = arith.constant 0 : i32
        %dma_start3A_26 = tpu.memref_slice %arg4[%shift_right_logical3A_1, %and3A_2, %run_scoped3A_13, %dma_start3A_25, %mul3A_12] : memref<4x8x1x4x4096xf32, #tpu.memory_space<hbm>> -> memref<1x1x1x4x128xf32, #tpu.memory_space<hbm>>
        %dma_start3A_27 = tpu.memref_squeeze %dma_start3A_26 : memref<1x1x1x4x128xf32, #tpu.memory_space<hbm>> -> memref<4x128xf32, #tpu.memory_space<hbm>>
        tpu.enqueue_dma source(%dma_start3A_27 : memref<4x128xf32, #tpu.memory_space<hbm>>) target(%arg8 : memref<4x128xf32, #tpu.memory_space<vmem>>) target_semaphore(%run_scoped3A_22 : memref<!tpu.dma_semaphore, #tpu.memory_space<semaphore_mem>>)
        %dma_wait3A = arith.constant 0 : i32
        %dma_wait3A_28 = tpu.memref_slice %arg4[%shift_right_logical3A_1, %and3A_2, %run_scoped3A_13, %dma_wait3A, %mul3A_12] : memref<4x8x1x4x4096xf32, #tpu.memory_space<hbm>> -> memref<1x1x1x4x128xf32, #tpu.memory_space<hbm>>
        %dma_wait3A_29 = tpu.memref_squeeze %dma_wait3A_28 : memref<1x1x1x4x128xf32, #tpu.memory_space<hbm>> -> memref<4x128xf32, #tpu.memory_space<hbm>>
        %dma_wait3A_30 = arith.constant 0 : i32
        %dma_wait3A_31 = tpu.memref_slice %arg4[%shift_right_logical3A_1, %and3A_2, %run_scoped3A_13, %dma_wait3A_30, %mul3A_12] : memref<4x8x1x4x4096xf32, #tpu.memory_space<hbm>> -> memref<1x1x1x4x128xf32, #tpu.memory_space<hbm>>
        %dma_wait3A_32 = tpu.memref_squeeze %dma_wait3A_31 : memref<1x1x1x4x128xf32, #tpu.memory_space<hbm>> -> memref<4x128xf32, #tpu.memory_space<hbm>>
        tpu.wait_dma2 semaphore(%run_scoped3A_22 : memref<!tpu.dma_semaphore, #tpu.memory_space<semaphore_mem>>) src(%dma_wait3A_32 : memref<4x128xf32, #tpu.memory_space<hbm>>) dst(%arg8 : memref<4x128xf32, #tpu.memory_space<vmem>>)
        tpu.yield
      }) : () -> ()
      %scan3A_14 = arith.constant 0 : i32
      %scan3A_15 = arith.constant 0 : i32
      %scan3A_16 = arith.constant 8 : i32
      %scan3A_17 = arith.addi %scan3A_15, %scan3A_16 : i32
      %scan3A_18 = arith.constant 1 : i32
      scf.for %scan3A_22 = %scan3A_15 to %scan3A_17 step %scan3A_18  : i32 {
        %mul3A_23 = arith.constant 16 : i32
        %mul3A_24 = arith.muli %scan3A_22, %mul3A_23 : i32
        %get3A = arith.constant 0 : i32
        %get3A_25 = arith.constant 0 : i32
        %get3A_26 = arith.index_cast %get3A : i32 to index
        %get3A_27 = arith.index_cast %get3A_25 : i32 to index
        %get3A_28 = arith.index_cast %mul3A_24 : i32 to index
        %get3A_29 = tpu.vector_load %arg7[%get3A_26, %get3A_27, %get3A_28] {strides = array<i32>} : memref<4x2x128xf32, #tpu.memory_space<vmem>>, vector<16xf32>,
        %mul3A_30 = arith.constant 16 : i32
        %mul3A_31 = arith.muli %scan3A_22, %mul3A_30 : i32
        %get3A_32 = arith.constant 0 : i32
        %get3A_33 = arith.constant 1 : i32
        %get3A_34 = arith.index_cast %get3A_32 : i32 to index
        %get3A_35 = arith.index_cast %get3A_33 : i32 to index
        %get3A_36 = arith.index_cast %mul3A_31 : i32 to index
        %get3A_37 = tpu.vector_load %arg7[%get3A_34, %get3A_35, %get3A_36] {strides = array<i32>} : memref<4x2x128xf32, #tpu.memory_space<vmem>>, vector<16xf32>,
        %mul3A_38 = arith.constant 16 : i32
        %mul3A_39 = arith.muli %scan3A_22, %mul3A_38 : i32
        %get3A_40 = arith.constant 0 : i32
        %get3A_41 = arith.index_cast %get3A_40 : i32 to index
        %get3A_42 = arith.index_cast %mul3A_39 : i32 to index
        %get3A_43 = tpu.vector_load %arg8[%get3A_41, %get3A_42] {strides = array<i32>} : memref<4x128xf32, #tpu.memory_space<vmem>>, vector<16xf32>,
        %mul3A_44 = arith.constant 6.400000e+01 : f32
        %mul3A_45 = vector.broadcast %mul3A_44 : f32 to vector<16xf32>
        %mul3A_46 = arith.mulf %get3A_29, %mul3A_45 : vector<16xf32>
        %sub3A = arith.constant 5.000000e-01 : f32
        %sub3A_47 = vector.broadcast %sub3A : f32 to vector<16xf32>
        %sub3A_48 = arith.subf %mul3A_46, %sub3A_47 : vector<16xf32>
        %mul3A_49 = arith.constant 6.400000e+01 : f32
        %mul3A_50 = vector.broadcast %mul3A_49 : f32 to vector<16xf32>
        %mul3A_51 = arith.mulf %get3A_37, %mul3A_50 : vector<16xf32>
        %sub3A_52 = arith.constant 5.000000e-01 : f32
        %sub3A_53 = vector.broadcast %sub3A_52 : f32 to vector<16xf32>
        %sub3A_54 = arith.subf %mul3A_51, %sub3A_53 : vector<16xf32>
        %convert_element_type3A = arith.fptosi %sub3A_48 : vector<16xf32> to vector<16xi32>
        %convert_element_type3A_55 = arith.sitofp %convert_element_type3A : vector<16xi32> to vector<16xf32>
        %lt3A = arith.cmpf olt, %sub3A_48, %convert_element_type3A_55 : vector<16xf32>
        %sub3A_56 = arith.constant 1 : i32
        %sub3A_57 = vector.broadcast %sub3A_56 : i32 to vector<16xi32>
        %sub3A_58 = arith.subi %convert_element_type3A, %sub3A_57 : vector<16xi32>
        %select_n3A = arith.select %lt3A, %sub3A_58, %convert_element_type3A : vector<16xi1>, vector<16xi32>
        %convert_element_type3A_59 = arith.fptosi %sub3A_54 : vector<16xf32> to vector<16xi32>
        %convert_element_type3A_60 = arith.sitofp %convert_element_type3A_59 : vector<16xi32> to vector<16xf32>
        %lt3A_61 = arith.cmpf olt, %sub3A_54, %convert_element_type3A_60 : vector<16xf32>
        %sub3A_62 = arith.constant 1 : i32
        %sub3A_63 = vector.broadcast %sub3A_62 : i32 to vector<16xi32>
        %sub3A_64 = arith.subi %convert_element_type3A_59, %sub3A_63 : vector<16xi32>
        %select_n3A_65 = arith.select %lt3A_61, %sub3A_64, %convert_element_type3A_59 : vector<16xi1>, vector<16xi32>
        %convert_element_type3A_66 = arith.sitofp %select_n3A : vector<16xi32> to vector<16xf32>
        %sub3A_67 = arith.subf %sub3A_48, %convert_element_type3A_66 : vector<16xf32>
        %sub3A_68 = arith.constant 1.000000e+00 : f32
        %sub3A_69 = vector.broadcast %sub3A_68 : f32 to vector<16xf32>
        %sub3A_70 = arith.subf %sub3A_69, %sub3A_67 : vector<16xf32>
        %convert_element_type3A_71 = arith.sitofp %select_n3A_65 : vector<16xi32> to vector<16xf32>
        %sub3A_72 = arith.subf %sub3A_54, %convert_element_type3A_71 : vector<16xf32>
        %sub3A_73 = arith.constant 1.000000e+00 : f32
        %sub3A_74 = vector.broadcast %sub3A_73 : f32 to vector<16xf32>
        %sub3A_75 = arith.subf %sub3A_74, %sub3A_72 : vector<16xf32>
        %add3A_76 = arith.constant 0 : i32
        %add3A_77 = vector.broadcast %add3A_76 : i32 to vector<16xi32>
        %add3A_78 = arith.addi %select_n3A_65, %add3A_77 : vector<16xi32>
        %ge3A = arith.constant 0 : i32
        %ge3A_79 = vector.broadcast %ge3A : i32 to vector<16xi32>
        %ge3A_80 = arith.cmpi sge, %add3A_78, %ge3A_79 : vector<16xi32>
        %le3A = arith.constant 63 : i32
        %le3A_81 = vector.broadcast %le3A : i32 to vector<16xi32>
        %le3A_82 = arith.cmpi sle, %add3A_78, %le3A_81 : vector<16xi32>
        %and3A_83 = arith.andi %ge3A_80, %le3A_82 : vector<16xi1>
        %jit3A = arith.constant 0 : i32
        %jit3A_84 = arith.constant 63 : i32
        %max3A = vector.broadcast %jit3A : i32 to vector<16xi32>
        %max3A_85 = arith.maxsi %max3A, %add3A_78 : vector<16xi32>
        %min3A = vector.broadcast %jit3A_84 : i32 to vector<16xi32>
        %min3A_86 = arith.minsi %min3A, %max3A_85 : vector<16xi32>
        %add3A_87 = arith.constant 0 : i32
        %add3A_88 = vector.broadcast %add3A_87 : i32 to vector<16xi32>
        %add3A_89 = arith.addi %select_n3A, %add3A_88 : vector<16xi32>
        %ge3A_90 = arith.constant 0 : i32
        %ge3A_91 = vector.broadcast %ge3A_90 : i32 to vector<16xi32>
        %ge3A_92 = arith.cmpi sge, %add3A_89, %ge3A_91 : vector<16xi32>
        %and3A_93 = arith.andi %and3A_83, %ge3A_92 : vector<16xi1>
        %le3A_94 = arith.constant 63 : i32
        %le3A_95 = vector.broadcast %le3A_94 : i32 to vector<16xi32>
        %le3A_96 = arith.cmpi sle, %add3A_89, %le3A_95 : vector<16xi32>
        %and3A_97 = arith.andi %and3A_93, %le3A_96 : vector<16xi1>
        %jit3A_98 = arith.constant 0 : i32
        %jit3A_99 = arith.constant 63 : i32
        %max3A_100 = vector.broadcast %jit3A_98 : i32 to vector<16xi32>
        %max3A_101 = arith.maxsi %max3A_100, %add3A_89 : vector<16xi32>
        %min3A_102 = vector.broadcast %jit3A_99 : i32 to vector<16xi32>
        %min3A_103 = arith.minsi %min3A_102, %max3A_101 : vector<16xi32>
        %mul3A_104 = arith.constant 64 : i32
        %mul3A_105 = vector.broadcast %mul3A_104 : i32 to vector<16xi32>
        %mul3A_106 = arith.muli %min3A_86, %mul3A_105 : vector<16xi32>
        %add3A_107 = arith.addi %mul3A_106, %min3A_103 : vector<16xi32>
        %mul3A_108 = arith.mulf %get3A_43, %sub3A_70 : vector<16xf32>
        %mul3A_109 = arith.mulf %mul3A_108, %sub3A_75 : vector<16xf32>
        %jit3A_110 = arith.constant 0.000000e+00 : f32
        %broadcast_in_dim3A = vector.broadcast %jit3A_110 : f32 to vector<16xf32>
        %select_n3A_111 = arith.select %and3A_97, %mul3A_109, %broadcast_in_dim3A : vector<16xi1>, vector<16xf32>
        %pack3A = tpu.pack_subelements %select_n3A_111, %select_n3A_111 {pack_format = #tpu.pack_format<interleaved>, positions = array<i32: 0, 1>} : vector<16xf32>, vector<16xf32> -> vector<32xbf16>
        %add3A_112 = arith.constant 1 : i32
        %add3A_113 = vector.broadcast %add3A_112 : i32 to vector<16xi32>
        %add3A_114 = arith.addi %select_n3A, %add3A_113 : vector<16xi32>
        %ge3A_115 = arith.constant 0 : i32
        %ge3A_116 = vector.broadcast %ge3A_115 : i32 to vector<16xi32>
        %ge3A_117 = arith.cmpi sge, %add3A_114, %ge3A_116 : vector<16xi32>
        %and3A_118 = arith.andi %and3A_83, %ge3A_117 : vector<16xi1>
        %le3A_119 = arith.constant 63 : i32
        %le3A_120 = vector.broadcast %le3A_119 : i32 to vector<16xi32>
        %le3A_121 = arith.cmpi sle, %add3A_114, %le3A_120 : vector<16xi32>
        %and3A_122 = arith.andi %and3A_118, %le3A_121 : vector<16xi1>
        %jit3A_123 = arith.constant 0 : i32
        %jit3A_124 = arith.constant 63 : i32
        %max3A_125 = vector.broadcast %jit3A_123 : i32 to vector<16xi32>
        %max3A_126 = arith.maxsi %max3A_125, %add3A_114 : vector<16xi32>
        %min3A_127 = vector.broadcast %jit3A_124 : i32 to vector<16xi32>
        %min3A_128 = arith.minsi %min3A_127, %max3A_126 : vector<16xi32>
        %mul3A_129 = arith.constant 64 : i32
        %mul3A_130 = vector.broadcast %mul3A_129 : i32 to vector<16xi32>
        %mul3A_131 = arith.muli %min3A_86, %mul3A_130 : vector<16xi32>
        %add3A_132 = arith.addi %mul3A_131, %min3A_128 : vector<16xi32>
        %mul3A_133 = arith.mulf %get3A_43, %sub3A_67 : vector<16xf32>
        %mul3A_134 = arith.mulf %mul3A_133, %sub3A_75 : vector<16xf32>
        %jit3A_135 = arith.constant 0.000000e+00 : f32
        %broadcast_in_dim3A_136 = vector.broadcast %jit3A_135 : f32 to vector<16xf32>
        %select_n3A_137 = arith.select %and3A_122, %mul3A_134, %broadcast_in_dim3A_136 : vector<16xi1>, vector<16xf32>
        %pack3A_138 = tpu.pack_subelements %select_n3A_137, %select_n3A_137 {pack_format = #tpu.pack_format<interleaved>, positions = array<i32: 0, 1>} : vector<16xf32>, vector<16xf32> -> vector<32xbf16>
        %add3A_139 = arith.constant 1 : i32
        %add3A_140 = vector.broadcast %add3A_139 : i32 to vector<16xi32>
        %add3A_141 = arith.addi %select_n3A_65, %add3A_140 : vector<16xi32>
        %ge3A_142 = arith.constant 0 : i32
        %ge3A_143 = vector.broadcast %ge3A_142 : i32 to vector<16xi32>
        %ge3A_144 = arith.cmpi sge, %add3A_141, %ge3A_143 : vector<16xi32>
        %le3A_145 = arith.constant 63 : i32
        %le3A_146 = vector.broadcast %le3A_145 : i32 to vector<16xi32>
        %le3A_147 = arith.cmpi sle, %add3A_141, %le3A_146 : vector<16xi32>
        %and3A_148 = arith.andi %ge3A_144, %le3A_147 : vector<16xi1>
        %jit3A_149 = arith.constant 0 : i32
        %jit3A_150 = arith.constant 63 : i32
        %max3A_151 = vector.broadcast %jit3A_149 : i32 to vector<16xi32>
        %max3A_152 = arith.maxsi %max3A_151, %add3A_141 : vector<16xi32>
        %min3A_153 = vector.broadcast %jit3A_150 : i32 to vector<16xi32>
        %min3A_154 = arith.minsi %min3A_153, %max3A_152 : vector<16xi32>
        %add3A_155 = arith.constant 0 : i32
        %add3A_156 = vector.broadcast %add3A_155 : i32 to vector<16xi32>
        %add3A_157 = arith.addi %select_n3A, %add3A_156 : vector<16xi32>
        %ge3A_158 = arith.constant 0 : i32
        %ge3A_159 = vector.broadcast %ge3A_158 : i32 to vector<16xi32>
        %ge3A_160 = arith.cmpi sge, %add3A_157, %ge3A_159 : vector<16xi32>
        %and3A_161 = arith.andi %and3A_148, %ge3A_160 : vector<16xi1>
        %le3A_162 = arith.constant 63 : i32
        %le3A_163 = vector.broadcast %le3A_162 : i32 to vector<16xi32>
        %le3A_164 = arith.cmpi sle, %add3A_157, %le3A_163 : vector<16xi32>
        %and3A_165 = arith.andi %and3A_161, %le3A_164 : vector<16xi1>
        %jit3A_166 = arith.constant 0 : i32
        %jit3A_167 = arith.constant 63 : i32
        %max3A_168 = vector.broadcast %jit3A_166 : i32 to vector<16xi32>
        %max3A_169 = arith.maxsi %max3A_168, %add3A_157 : vector<16xi32>
        %min3A_170 = vector.broadcast %jit3A_167 : i32 to vector<16xi32>
        %min3A_171 = arith.minsi %min3A_170, %max3A_169 : vector<16xi32>
        %mul3A_172 = arith.constant 64 : i32
        %mul3A_173 = vector.broadcast %mul3A_172 : i32 to vector<16xi32>
        %mul3A_174 = arith.muli %min3A_154, %mul3A_173 : vector<16xi32>
        %add3A_175 = arith.addi %mul3A_174, %min3A_171 : vector<16xi32>
        %mul3A_176 = arith.mulf %get3A_43, %sub3A_70 : vector<16xf32>
        %mul3A_177 = arith.mulf %mul3A_176, %sub3A_72 : vector<16xf32>
        %jit3A_178 = arith.constant 0.000000e+00 : f32
        %broadcast_in_dim3A_179 = vector.broadcast %jit3A_178 : f32 to vector<16xf32>
        %select_n3A_180 = arith.select %and3A_165, %mul3A_177, %broadcast_in_dim3A_179 : vector<16xi1>, vector<16xf32>
        %pack3A_181 = tpu.pack_subelements %select_n3A_180, %select_n3A_180 {pack_format = #tpu.pack_format<interleaved>, positions = array<i32: 0, 1>} : vector<16xf32>, vector<16xf32> -> vector<32xbf16>
        %add3A_182 = arith.constant 1 : i32
        %add3A_183 = vector.broadcast %add3A_182 : i32 to vector<16xi32>
        %add3A_184 = arith.addi %select_n3A, %add3A_183 : vector<16xi32>
        %ge3A_185 = arith.constant 0 : i32
        %ge3A_186 = vector.broadcast %ge3A_185 : i32 to vector<16xi32>
        %ge3A_187 = arith.cmpi sge, %add3A_184, %ge3A_186 : vector<16xi32>
        %and3A_188 = arith.andi %and3A_148, %ge3A_187 : vector<16xi1>
        %le3A_189 = arith.constant 63 : i32
        %le3A_190 = vector.broadcast %le3A_189 : i32 to vector<16xi32>
        %le3A_191 = arith.cmpi sle, %add3A_184, %le3A_190 : vector<16xi32>
        %and3A_192 = arith.andi %and3A_188, %le3A_191 : vector<16xi1>
        %jit3A_193 = arith.constant 0 : i32
        %jit3A_194 = arith.constant 63 : i32
        %max3A_195 = vector.broadcast %jit3A_193 : i32 to vector<16xi32>
        %max3A_196 = arith.maxsi %max3A_195, %add3A_184 : vector<16xi32>
        %min3A_197 = vector.broadcast %jit3A_194 : i32 to vector<16xi32>
        %min3A_198 = arith.minsi %min3A_197, %max3A_196 : vector<16xi32>
        %mul3A_199 = arith.constant 64 : i32
        %mul3A_200 = vector.broadcast %mul3A_199 : i32 to vector<16xi32>
        %mul3A_201 = arith.muli %min3A_154, %mul3A_200 : vector<16xi32>
        %add3A_202 = arith.addi %mul3A_201, %min3A_198 : vector<16xi32>
        %mul3A_203 = arith.mulf %get3A_43, %sub3A_67 : vector<16xf32>
        %mul3A_204 = arith.mulf %mul3A_203, %sub3A_72 : vector<16xf32>
        %jit3A_205 = arith.constant 0.000000e+00 : f32
        %broadcast_in_dim3A_206 = vector.broadcast %jit3A_205 : f32 to vector<16xf32>
        %select_n3A_207 = arith.select %and3A_192, %mul3A_204, %broadcast_in_dim3A_206 : vector<16xi1>, vector<16xf32>
        %pack3A_208 = tpu.pack_subelements %select_n3A_207, %select_n3A_207 {pack_format = #tpu.pack_format<interleaved>, positions = array<i32: 0, 1>} : vector<16xf32>, vector<16xf32> -> vector<32xbf16>
        %mul3A_209 = arith.constant 16 : i32
        %mul3A_210 = arith.muli %scan3A_22, %mul3A_209 : i32
        %get3A_211 = arith.constant 1 : i32
        %get3A_212 = arith.constant 0 : i32
        %get3A_213 = arith.index_cast %get3A_211 : i32 to index
        %get3A_214 = arith.index_cast %get3A_212 : i32 to index
        %get3A_215 = arith.index_cast %mul3A_210 : i32 to index
        %get3A_216 = tpu.vector_load %arg7[%get3A_213, %get3A_214, %get3A_215] {strides = array<i32>} : memref<4x2x128xf32, #tpu.memory_space<vmem>>, vector<16xf32>,
        %mul3A_217 = arith.constant 16 : i32
        %mul3A_218 = arith.muli %scan3A_22, %mul3A_217 : i32
        %get3A_219 = arith.constant 1 : i32
        %get3A_220 = arith.constant 1 : i32
        %get3A_221 = arith.index_cast %get3A_219 : i32 to index
        %get3A_222 = arith.index_cast %get3A_220 : i32 to index
        %get3A_223 = arith.index_cast %mul3A_218 : i32 to index
        %get3A_224 = tpu.vector_load %arg7[%get3A_221, %get3A_222, %get3A_223] {strides = array<i32>} : memref<4x2x128xf32, #tpu.memory_space<vmem>>, vector<16xf32>,
        %mul3A_225 = arith.constant 16 : i32
        %mul3A_226 = arith.muli %scan3A_22, %mul3A_225 : i32
        %get3A_227 = arith.constant 1 : i32
        %get3A_228 = arith.index_cast %get3A_227 : i32 to index
        %get3A_229 = arith.index_cast %mul3A_226 : i32 to index
        %get3A_230 = tpu.vector_load %arg8[%get3A_228, %get3A_229] {strides = array<i32>} : memref<4x128xf32, #tpu.memory_space<vmem>>, vector<16xf32>,
        %mul3A_231 = arith.constant 6.400000e+01 : f32
        %mul3A_232 = vector.broadcast %mul3A_231 : f32 to vector<16xf32>
        %mul3A_233 = arith.mulf %get3A_216, %mul3A_232 : vector<16xf32>
        %sub3A_234 = arith.constant 5.000000e-01 : f32
        %sub3A_235 = vector.broadcast %sub3A_234 : f32 to vector<16xf32>
        %sub3A_236 = arith.subf %mul3A_233, %sub3A_235 : vector<16xf32>
        %mul3A_237 = arith.constant 6.400000e+01 : f32
        %mul3A_238 = vector.broadcast %mul3A_237 : f32 to vector<16xf32>
        %mul3A_239 = arith.mulf %get3A_224, %mul3A_238 : vector<16xf32>
        %sub3A_240 = arith.constant 5.000000e-01 : f32
        %sub3A_241 = vector.broadcast %sub3A_240 : f32 to vector<16xf32>
        %sub3A_242 = arith.subf %mul3A_239, %sub3A_241 : vector<16xf32>
        %convert_element_type3A_243 = arith.fptosi %sub3A_236 : vector<16xf32> to vector<16xi32>
        %convert_element_type3A_244 = arith.sitofp %convert_element_type3A_243 : vector<16xi32> to vector<16xf32>
        %lt3A_245 = arith.cmpf olt, %sub3A_236, %convert_element_type3A_244 : vector<16xf32>
        %sub3A_246 = arith.constant 1 : i32
        %sub3A_247 = vector.broadcast %sub3A_246 : i32 to vector<16xi32>
        %sub3A_248 = arith.subi %convert_element_type3A_243, %sub3A_247 : vector<16xi32>
        %select_n3A_249 = arith.select %lt3A_245, %sub3A_248, %convert_element_type3A_243 : vector<16xi1>, vector<16xi32>
        %convert_element_type3A_250 = arith.fptosi %sub3A_242 : vector<16xf32> to vector<16xi32>
        %convert_element_type3A_251 = arith.sitofp %convert_element_type3A_250 : vector<16xi32> to vector<16xf32>
        %lt3A_252 = arith.cmpf olt, %sub3A_242, %convert_element_type3A_251 : vector<16xf32>
        %sub3A_253 = arith.constant 1 : i32
        %sub3A_254 = vector.broadcast %sub3A_253 : i32 to vector<16xi32>
        %sub3A_255 = arith.subi %convert_element_type3A_250, %sub3A_254 : vector<16xi32>
        %select_n3A_256 = arith.select %lt3A_252, %sub3A_255, %convert_element_type3A_250 : vector<16xi1>, vector<16xi32>
        %convert_element_type3A_257 = arith.sitofp %select_n3A_249 : vector<16xi32> to vector<16xf32>
        %sub3A_258 = arith.subf %sub3A_236, %convert_element_type3A_257 : vector<16xf32>
        %sub3A_259 = arith.constant 1.000000e+00 : f32
        %sub3A_260 = vector.broadcast %sub3A_259 : f32 to vector<16xf32>
        %sub3A_261 = arith.subf %sub3A_260, %sub3A_258 : vector<16xf32>
        %convert_element_type3A_262 = arith.sitofp %select_n3A_256 : vector<16xi32> to vector<16xf32>
        %sub3A_263 = arith.subf %sub3A_242, %convert_element_type3A_262 : vector<16xf32>
        %sub3A_264 = arith.constant 1.000000e+00 : f32
        %sub3A_265 = vector.broadcast %sub3A_264 : f32 to vector<16xf32>
        %sub3A_266 = arith.subf %sub3A_265, %sub3A_263 : vector<16xf32>
        %add3A_267 = arith.constant 0 : i32
        %add3A_268 = vector.broadcast %add3A_267 : i32 to vector<16xi32>
        %add3A_269 = arith.addi %select_n3A_256, %add3A_268 : vector<16xi32>
        %ge3A_270 = arith.constant 0 : i32
        %ge3A_271 = vector.broadcast %ge3A_270 : i32 to vector<16xi32>
        %ge3A_272 = arith.cmpi sge, %add3A_269, %ge3A_271 : vector<16xi32>
        %le3A_273 = arith.constant 63 : i32
        %le3A_274 = vector.broadcast %le3A_273 : i32 to vector<16xi32>
        %le3A_275 = arith.cmpi sle, %add3A_269, %le3A_274 : vector<16xi32>
        %and3A_276 = arith.andi %ge3A_272, %le3A_275 : vector<16xi1>
        %jit3A_277 = arith.constant 0 : i32
        %jit3A_278 = arith.constant 63 : i32
        %max3A_279 = vector.broadcast %jit3A_277 : i32 to vector<16xi32>
        %max3A_280 = arith.maxsi %max3A_279, %add3A_269 : vector<16xi32>
        %min3A_281 = vector.broadcast %jit3A_278 : i32 to vector<16xi32>
        %min3A_282 = arith.minsi %min3A_281, %max3A_280 : vector<16xi32>
        %add3A_283 = arith.constant 0 : i32
        %add3A_284 = vector.broadcast %add3A_283 : i32 to vector<16xi32>
        %add3A_285 = arith.addi %select_n3A_249, %add3A_284 : vector<16xi32>
        %ge3A_286 = arith.constant 0 : i32
        %ge3A_287 = vector.broadcast %ge3A_286 : i32 to vector<16xi32>
        %ge3A_288 = arith.cmpi sge, %add3A_285, %ge3A_287 : vector<16xi32>
        %and3A_289 = arith.andi %and3A_276, %ge3A_288 : vector<16xi1>
        %le3A_290 = arith.constant 63 : i32
        %le3A_291 = vector.broadcast %le3A_290 : i32 to vector<16xi32>
        %le3A_292 = arith.cmpi sle, %add3A_285, %le3A_291 : vector<16xi32>
        %and3A_293 = arith.andi %and3A_289, %le3A_292 : vector<16xi1>
        %jit3A_294 = arith.constant 0 : i32
        %jit3A_295 = arith.constant 63 : i32
        %max3A_296 = vector.broadcast %jit3A_294 : i32 to vector<16xi32>
        %max3A_297 = arith.maxsi %max3A_296, %add3A_285 : vector<16xi32>
        %min3A_298 = vector.broadcast %jit3A_295 : i32 to vector<16xi32>
        %min3A_299 = arith.minsi %min3A_298, %max3A_297 : vector<16xi32>
        %mul3A_300 = arith.constant 64 : i32
        %mul3A_301 = vector.broadcast %mul3A_300 : i32 to vector<16xi32>
        %mul3A_302 = arith.muli %min3A_282, %mul3A_301 : vector<16xi32>
        %add3A_303 = arith.addi %mul3A_302, %min3A_299 : vector<16xi32>
        %mul3A_304 = arith.mulf %get3A_230, %sub3A_261 : vector<16xf32>
        %mul3A_305 = arith.mulf %mul3A_304, %sub3A_266 : vector<16xf32>
        %jit3A_306 = arith.constant 0.000000e+00 : f32
        %broadcast_in_dim3A_307 = vector.broadcast %jit3A_306 : f32 to vector<16xf32>
        %select_n3A_308 = arith.select %and3A_293, %mul3A_305, %broadcast_in_dim3A_307 : vector<16xi1>, vector<16xf32>
        %pack3A_309 = tpu.pack_subelements %select_n3A_308, %select_n3A_308 {pack_format = #tpu.pack_format<interleaved>, positions = array<i32: 0, 1>} : vector<16xf32>, vector<16xf32> -> vector<32xbf16>
        %add3A_310 = arith.constant 1 : i32
        %add3A_311 = vector.broadcast %add3A_310 : i32 to vector<16xi32>
        %add3A_312 = arith.addi %select_n3A_249, %add3A_311 : vector<16xi32>
        %ge3A_313 = arith.constant 0 : i32
        %ge3A_314 = vector.broadcast %ge3A_313 : i32 to vector<16xi32>
        %ge3A_315 = arith.cmpi sge, %add3A_312, %ge3A_314 : vector<16xi32>
        %and3A_316 = arith.andi %and3A_276, %ge3A_315 : vector<16xi1>
        %le3A_317 = arith.constant 63 : i32
        %le3A_318 = vector.broadcast %le3A_317 : i32 to vector<16xi32>
        %le3A_319 = arith.cmpi sle, %add3A_312, %le3A_318 : vector<16xi32>
        %and3A_320 = arith.andi %and3A_316, %le3A_319 : vector<16xi1>
        %jit3A_321 = arith.constant 0 : i32
        %jit3A_322 = arith.constant 63 : i32
        %max3A_323 = vector.broadcast %jit3A_321 : i32 to vector<16xi32>
        %max3A_324 = arith.maxsi %max3A_323, %add3A_312 : vector<16xi32>
        %min3A_325 = vector.broadcast %jit3A_322 : i32 to vector<16xi32>
        %min3A_326 = arith.minsi %min3A_325, %max3A_324 : vector<16xi32>
        %mul3A_327 = arith.constant 64 : i32
        %mul3A_328 = vector.broadcast %mul3A_327 : i32 to vector<16xi32>
        %mul3A_329 = arith.muli %min3A_282, %mul3A_328 : vector<16xi32>
        %add3A_330 = arith.addi %mul3A_329, %min3A_326 : vector<16xi32>
        %mul3A_331 = arith.mulf %get3A_230, %sub3A_258 : vector<16xf32>
        %mul3A_332 = arith.mulf %mul3A_331, %sub3A_266 : vector<16xf32>
        %jit3A_333 = arith.constant 0.000000e+00 : f32
        %broadcast_in_dim3A_334 = vector.broadcast %jit3A_333 : f32 to vector<16xf32>
        %select_n3A_335 = arith.select %and3A_320, %mul3A_332, %broadcast_in_dim3A_334 : vector<16xi1>, vector<16xf32>
        %pack3A_336 = tpu.pack_subelements %select_n3A_335, %select_n3A_335 {pack_format = #tpu.pack_format<interleaved>, positions = array<i32: 0, 1>} : vector<16xf32>, vector<16xf32> -> vector<32xbf16>
        %add3A_337 = arith.constant 1 : i32
        %add3A_338 = vector.broadcast %add3A_337 : i32 to vector<16xi32>
        %add3A_339 = arith.addi %select_n3A_256, %add3A_338 : vector<16xi32>
        %ge3A_340 = arith.constant 0 : i32
        %ge3A_341 = vector.broadcast %ge3A_340 : i32 to vector<16xi32>
        %ge3A_342 = arith.cmpi sge, %add3A_339, %ge3A_341 : vector<16xi32>
        %le3A_343 = arith.constant 63 : i32
        %le3A_344 = vector.broadcast %le3A_343 : i32 to vector<16xi32>
        %le3A_345 = arith.cmpi sle, %add3A_339, %le3A_344 : vector<16xi32>
        %and3A_346 = arith.andi %ge3A_342, %le3A_345 : vector<16xi1>
        %jit3A_347 = arith.constant 0 : i32
        %jit3A_348 = arith.constant 63 : i32
        %max3A_349 = vector.broadcast %jit3A_347 : i32 to vector<16xi32>
        %max3A_350 = arith.maxsi %max3A_349, %add3A_339 : vector<16xi32>
        %min3A_351 = vector.broadcast %jit3A_348 : i32 to vector<16xi32>
        %min3A_352 = arith.minsi %min3A_351, %max3A_350 : vector<16xi32>
        %add3A_353 = arith.constant 0 : i32
        %add3A_354 = vector.broadcast %add3A_353 : i32 to vector<16xi32>
        %add3A_355 = arith.addi %select_n3A_249, %add3A_354 : vector<16xi32>
        %ge3A_356 = arith.constant 0 : i32
        %ge3A_357 = vector.broadcast %ge3A_356 : i32 to vector<16xi32>
        %ge3A_358 = arith.cmpi sge, %add3A_355, %ge3A_357 : vector<16xi32>
        %and3A_359 = arith.andi %and3A_346, %ge3A_358 : vector<16xi1>
        %le3A_360 = arith.constant 63 : i32
        %le3A_361 = vector.broadcast %le3A_360 : i32 to vector<16xi32>
        %le3A_362 = arith.cmpi sle, %add3A_355, %le3A_361 : vector<16xi32>
        %and3A_363 = arith.andi %and3A_359, %le3A_362 : vector<16xi1>
        %jit3A_364 = arith.constant 0 : i32
        %jit3A_365 = arith.constant 63 : i32
        %max3A_366 = vector.broadcast %jit3A_364 : i32 to vector<16xi32>
        %max3A_367 = arith.maxsi %max3A_366, %add3A_355 : vector<16xi32>
        %min3A_368 = vector.broadcast %jit3A_365 : i32 to vector<16xi32>
        %min3A_369 = arith.minsi %min3A_368, %max3A_367 : vector<16xi32>
        %mul3A_370 = arith.constant 64 : i32
        %mul3A_371 = vector.broadcast %mul3A_370 : i32 to vector<16xi32>
        %mul3A_372 = arith.muli %min3A_352, %mul3A_371 : vector<16xi32>
        %add3A_373 = arith.addi %mul3A_372, %min3A_369 : vector<16xi32>
        %mul3A_374 = arith.mulf %get3A_230, %sub3A_261 : vector<16xf32>
        %mul3A_375 = arith.mulf %mul3A_374, %sub3A_263 : vector<16xf32>
        %jit3A_376 = arith.constant 0.000000e+00 : f32
        %broadcast_in_dim3A_377 = vector.broadcast %jit3A_376 : f32 to vector<16xf32>
        %select_n3A_378 = arith.select %and3A_363, %mul3A_375, %broadcast_in_dim3A_377 : vector<16xi1>, vector<16xf32>
        %pack3A_379 = tpu.pack_subelements %select_n3A_378, %select_n3A_378 {pack_format = #tpu.pack_format<interleaved>, positions = array<i32: 0, 1>} : vector<16xf32>, vector<16xf32> -> vector<32xbf16>
        %add3A_380 = arith.constant 1 : i32
        %add3A_381 = vector.broadcast %add3A_380 : i32 to vector<16xi32>
        %add3A_382 = arith.addi %select_n3A_249, %add3A_381 : vector<16xi32>
        %ge3A_383 = arith.constant 0 : i32
        %ge3A_384 = vector.broadcast %ge3A_383 : i32 to vector<16xi32>
        %ge3A_385 = arith.cmpi sge, %add3A_382, %ge3A_384 : vector<16xi32>
        %and3A_386 = arith.andi %and3A_346, %ge3A_385 : vector<16xi1>
        %le3A_387 = arith.constant 63 : i32
        %le3A_388 = vector.broadcast %le3A_387 : i32 to vector<16xi32>
        %le3A_389 = arith.cmpi sle, %add3A_382, %le3A_388 : vector<16xi32>
        %and3A_390 = arith.andi %and3A_386, %le3A_389 : vector<16xi1>
        %jit3A_391 = arith.constant 0 : i32
        %jit3A_392 = arith.constant 63 : i32
        %max3A_393 = vector.broadcast %jit3A_391 : i32 to vector<16xi32>
        %max3A_394 = arith.maxsi %max3A_393, %add3A_382 : vector<16xi32>
        %min3A_395 = vector.broadcast %jit3A_392 : i32 to vector<16xi32>
        %min3A_396 = arith.minsi %min3A_395, %max3A_394 : vector<16xi32>
        %mul3A_397 = arith.constant 64 : i32
        %mul3A_398 = vector.broadcast %mul3A_397 : i32 to vector<16xi32>
        %mul3A_399 = arith.muli %min3A_352, %mul3A_398 : vector<16xi32>
        %add3A_400 = arith.addi %mul3A_399, %min3A_396 : vector<16xi32>
        %mul3A_401 = arith.mulf %get3A_230, %sub3A_258 : vector<16xf32>
        %mul3A_402 = arith.mulf %mul3A_401, %sub3A_263 : vector<16xf32>
        %jit3A_403 = arith.constant 0.000000e+00 : f32
        %broadcast_in_dim3A_404 = vector.broadcast %jit3A_403 : f32 to vector<16xf32>
        %select_n3A_405 = arith.select %and3A_390, %mul3A_402, %broadcast_in_dim3A_404 : vector<16xi1>, vector<16xf32>
        %pack3A_406 = tpu.pack_subelements %select_n3A_405, %select_n3A_405 {pack_format = #tpu.pack_format<interleaved>, positions = array<i32: 0, 1>} : vector<16xf32>, vector<16xf32> -> vector<32xbf16>
        %mul3A_407 = arith.constant 16 : i32
        %mul3A_408 = arith.muli %scan3A_22, %mul3A_407 : i32
        %get3A_409 = arith.constant 2 : i32
        %get3A_410 = arith.constant 0 : i32
        %get3A_411 = arith.index_cast %get3A_409 : i32 to index
        %get3A_412 = arith.index_cast %get3A_410 : i32 to index
        %get3A_413 = arith.index_cast %mul3A_408 : i32 to index
        %get3A_414 = tpu.vector_load %arg7[%get3A_411, %get3A_412, %get3A_413] {strides = array<i32>} : memref<4x2x128xf32, #tpu.memory_space<vmem>>, vector<16xf32>,
        %mul3A_415 = arith.constant 16 : i32
        %mul3A_416 = arith.muli %scan3A_22, %mul3A_415 : i32
        %get3A_417 = arith.constant 2 : i32
        %get3A_418 = arith.constant 1 : i32
        %get3A_419 = arith.index_cast %get3A_417 : i32 to index
        %get3A_420 = arith.index_cast %get3A_418 : i32 to index
        %get3A_421 = arith.index_cast %mul3A_416 : i32 to index
        %get3A_422 = tpu.vector_load %arg7[%get3A_419, %get3A_420, %get3A_421] {strides = array<i32>} : memref<4x2x128xf32, #tpu.memory_space<vmem>>, vector<16xf32>,
        %mul3A_423 = arith.constant 16 : i32
        %mul3A_424 = arith.muli %scan3A_22, %mul3A_423 : i32
        %get3A_425 = arith.constant 2 : i32
        %get3A_426 = arith.index_cast %get3A_425 : i32 to index
        %get3A_427 = arith.index_cast %mul3A_424 : i32 to index
        %get3A_428 = tpu.vector_load %arg8[%get3A_426, %get3A_427] {strides = array<i32>} : memref<4x128xf32, #tpu.memory_space<vmem>>, vector<16xf32>,
        %mul3A_429 = arith.constant 6.400000e+01 : f32
        %mul3A_430 = vector.broadcast %mul3A_429 : f32 to vector<16xf32>
        %mul3A_431 = arith.mulf %get3A_414, %mul3A_430 : vector<16xf32>
        %sub3A_432 = arith.constant 5.000000e-01 : f32
        %sub3A_433 = vector.broadcast %sub3A_432 : f32 to vector<16xf32>
        %sub3A_434 = arith.subf %mul3A_431, %sub3A_433 : vector<16xf32>
        %mul3A_435 = arith.constant 6.400000e+01 : f32
        %mul3A_436 = vector.broadcast %mul3A_435 : f32 to vector<16xf32>
        %mul3A_437 = arith.mulf %get3A_422, %mul3A_436 : vector<16xf32>
        %sub3A_438 = arith.constant 5.000000e-01 : f32
        %sub3A_439 = vector.broadcast %sub3A_438 : f32 to vector<16xf32>
        %sub3A_440 = arith.subf %mul3A_437, %sub3A_439 : vector<16xf32>
        %convert_element_type3A_441 = arith.fptosi %sub3A_434 : vector<16xf32> to vector<16xi32>
        %convert_element_type3A_442 = arith.sitofp %convert_element_type3A_441 : vector<16xi32> to vector<16xf32>
        %lt3A_443 = arith.cmpf olt, %sub3A_434, %convert_element_type3A_442 : vector<16xf32>
        %sub3A_444 = arith.constant 1 : i32
        %sub3A_445 = vector.broadcast %sub3A_444 : i32 to vector<16xi32>
        %sub3A_446 = arith.subi %convert_element_type3A_441, %sub3A_445 : vector<16xi32>
        %select_n3A_447 = arith.select %lt3A_443, %sub3A_446, %convert_element_type3A_441 : vector<16xi1>, vector<16xi32>
        %convert_element_type3A_448 = arith.fptosi %sub3A_440 : vector<16xf32> to vector<16xi32>
        %convert_element_type3A_449 = arith.sitofp %convert_element_type3A_448 : vector<16xi32> to vector<16xf32>
        %lt3A_450 = arith.cmpf olt, %sub3A_440, %convert_element_type3A_449 : vector<16xf32>
        %sub3A_451 = arith.constant 1 : i32
        %sub3A_452 = vector.broadcast %sub3A_451 : i32 to vector<16xi32>
        %sub3A_453 = arith.subi %convert_element_type3A_448, %sub3A_452 : vector<16xi32>
        %select_n3A_454 = arith.select %lt3A_450, %sub3A_453, %convert_element_type3A_448 : vector<16xi1>, vector<16xi32>
        %convert_element_type3A_455 = arith.sitofp %select_n3A_447 : vector<16xi32> to vector<16xf32>
        %sub3A_456 = arith.subf %sub3A_434, %convert_element_type3A_455 : vector<16xf32>
        %sub3A_457 = arith.constant 1.000000e+00 : f32
        %sub3A_458 = vector.broadcast %sub3A_457 : f32 to vector<16xf32>
        %sub3A_459 = arith.subf %sub3A_458, %sub3A_456 : vector<16xf32>
        %convert_element_type3A_460 = arith.sitofp %select_n3A_454 : vector<16xi32> to vector<16xf32>
        %sub3A_461 = arith.subf %sub3A_440, %convert_element_type3A_460 : vector<16xf32>
        %sub3A_462 = arith.constant 1.000000e+00 : f32
        %sub3A_463 = vector.broadcast %sub3A_462 : f32 to vector<16xf32>
        %sub3A_464 = arith.subf %sub3A_463, %sub3A_461 : vector<16xf32>
        %add3A_465 = arith.constant 0 : i32
        %add3A_466 = vector.broadcast %add3A_465 : i32 to vector<16xi32>
        %add3A_467 = arith.addi %select_n3A_454, %add3A_466 : vector<16xi32>
        %ge3A_468 = arith.constant 0 : i32
        %ge3A_469 = vector.broadcast %ge3A_468 : i32 to vector<16xi32>
        %ge3A_470 = arith.cmpi sge, %add3A_467, %ge3A_469 : vector<16xi32>
        %le3A_471 = arith.constant 63 : i32
        %le3A_472 = vector.broadcast %le3A_471 : i32 to vector<16xi32>
        %le3A_473 = arith.cmpi sle, %add3A_467, %le3A_472 : vector<16xi32>
        %and3A_474 = arith.andi %ge3A_470, %le3A_473 : vector<16xi1>
        %jit3A_475 = arith.constant 0 : i32
        %jit3A_476 = arith.constant 63 : i32
        %max3A_477 = vector.broadcast %jit3A_475 : i32 to vector<16xi32>
        %max3A_478 = arith.maxsi %max3A_477, %add3A_467 : vector<16xi32>
        %min3A_479 = vector.broadcast %jit3A_476 : i32 to vector<16xi32>
        %min3A_480 = arith.minsi %min3A_479, %max3A_478 : vector<16xi32>
        %add3A_481 = arith.constant 0 : i32
        %add3A_482 = vector.broadcast %add3A_481 : i32 to vector<16xi32>
        %add3A_483 = arith.addi %select_n3A_447, %add3A_482 : vector<16xi32>
        %ge3A_484 = arith.constant 0 : i32
        %ge3A_485 = vector.broadcast %ge3A_484 : i32 to vector<16xi32>
        %ge3A_486 = arith.cmpi sge, %add3A_483, %ge3A_485 : vector<16xi32>
        %and3A_487 = arith.andi %and3A_474, %ge3A_486 : vector<16xi1>
        %le3A_488 = arith.constant 63 : i32
        %le3A_489 = vector.broadcast %le3A_488 : i32 to vector<16xi32>
        %le3A_490 = arith.cmpi sle, %add3A_483, %le3A_489 : vector<16xi32>
        %and3A_491 = arith.andi %and3A_487, %le3A_490 : vector<16xi1>
        %jit3A_492 = arith.constant 0 : i32
        %jit3A_493 = arith.constant 63 : i32
        %max3A_494 = vector.broadcast %jit3A_492 : i32 to vector<16xi32>
        %max3A_495 = arith.maxsi %max3A_494, %add3A_483 : vector<16xi32>
        %min3A_496 = vector.broadcast %jit3A_493 : i32 to vector<16xi32>
        %min3A_497 = arith.minsi %min3A_496, %max3A_495 : vector<16xi32>
        %mul3A_498 = arith.constant 64 : i32
        %mul3A_499 = vector.broadcast %mul3A_498 : i32 to vector<16xi32>
        %mul3A_500 = arith.muli %min3A_480, %mul3A_499 : vector<16xi32>
        %add3A_501 = arith.addi %mul3A_500, %min3A_497 : vector<16xi32>
        %mul3A_502 = arith.mulf %get3A_428, %sub3A_459 : vector<16xf32>
        %mul3A_503 = arith.mulf %mul3A_502, %sub3A_464 : vector<16xf32>
        %jit3A_504 = arith.constant 0.000000e+00 : f32
        %broadcast_in_dim3A_505 = vector.broadcast %jit3A_504 : f32 to vector<16xf32>
        %select_n3A_506 = arith.select %and3A_491, %mul3A_503, %broadcast_in_dim3A_505 : vector<16xi1>, vector<16xf32>
        %pack3A_507 = tpu.pack_subelements %select_n3A_506, %select_n3A_506 {pack_format = #tpu.pack_format<interleaved>, positions = array<i32: 0, 1>} : vector<16xf32>, vector<16xf32> -> vector<32xbf16>
        %add3A_508 = arith.constant 1 : i32
        %add3A_509 = vector.broadcast %add3A_508 : i32 to vector<16xi32>
        %add3A_510 = arith.addi %select_n3A_447, %add3A_509 : vector<16xi32>
        %ge3A_511 = arith.constant 0 : i32
        %ge3A_512 = vector.broadcast %ge3A_511 : i32 to vector<16xi32>
        %ge3A_513 = arith.cmpi sge, %add3A_510, %ge3A_512 : vector<16xi32>
        %and3A_514 = arith.andi %and3A_474, %ge3A_513 : vector<16xi1>
        %le3A_515 = arith.constant 63 : i32
        %le3A_516 = vector.broadcast %le3A_515 : i32 to vector<16xi32>
        %le3A_517 = arith.cmpi sle, %add3A_510, %le3A_516 : vector<16xi32>
        %and3A_518 = arith.andi %and3A_514, %le3A_517 : vector<16xi1>
        %jit3A_519 = arith.constant 0 : i32
        %jit3A_520 = arith.constant 63 : i32
        %max3A_521 = vector.broadcast %jit3A_519 : i32 to vector<16xi32>
        %max3A_522 = arith.maxsi %max3A_521, %add3A_510 : vector<16xi32>
        %min3A_523 = vector.broadcast %jit3A_520 : i32 to vector<16xi32>
        %min3A_524 = arith.minsi %min3A_523, %max3A_522 : vector<16xi32>
        %mul3A_525 = arith.constant 64 : i32
        %mul3A_526 = vector.broadcast %mul3A_525 : i32 to vector<16xi32>
        %mul3A_527 = arith.muli %min3A_480, %mul3A_526 : vector<16xi32>
        %add3A_528 = arith.addi %mul3A_527, %min3A_524 : vector<16xi32>
        %mul3A_529 = arith.mulf %get3A_428, %sub3A_456 : vector<16xf32>
        %mul3A_530 = arith.mulf %mul3A_529, %sub3A_464 : vector<16xf32>
        %jit3A_531 = arith.constant 0.000000e+00 : f32
        %broadcast_in_dim3A_532 = vector.broadcast %jit3A_531 : f32 to vector<16xf32>
        %select_n3A_533 = arith.select %and3A_518, %mul3A_530, %broadcast_in_dim3A_532 : vector<16xi1>, vector<16xf32>
        %pack3A_534 = tpu.pack_subelements %select_n3A_533, %select_n3A_533 {pack_format = #tpu.pack_format<interleaved>, positions = array<i32: 0, 1>} : vector<16xf32>, vector<16xf32> -> vector<32xbf16>
        %add3A_535 = arith.constant 1 : i32
        %add3A_536 = vector.broadcast %add3A_535 : i32 to vector<16xi32>
        %add3A_537 = arith.addi %select_n3A_454, %add3A_536 : vector<16xi32>
        %ge3A_538 = arith.constant 0 : i32
        %ge3A_539 = vector.broadcast %ge3A_538 : i32 to vector<16xi32>
        %ge3A_540 = arith.cmpi sge, %add3A_537, %ge3A_539 : vector<16xi32>
        %le3A_541 = arith.constant 63 : i32
        %le3A_542 = vector.broadcast %le3A_541 : i32 to vector<16xi32>
        %le3A_543 = arith.cmpi sle, %add3A_537, %le3A_542 : vector<16xi32>
        %and3A_544 = arith.andi %ge3A_540, %le3A_543 : vector<16xi1>
        %jit3A_545 = arith.constant 0 : i32
        %jit3A_546 = arith.constant 63 : i32
        %max3A_547 = vector.broadcast %jit3A_545 : i32 to vector<16xi32>
        %max3A_548 = arith.maxsi %max3A_547, %add3A_537 : vector<16xi32>
        %min3A_549 = vector.broadcast %jit3A_546 : i32 to vector<16xi32>
        %min3A_550 = arith.minsi %min3A_549, %max3A_548 : vector<16xi32>
        %add3A_551 = arith.constant 0 : i32
        %add3A_552 = vector.broadcast %add3A_551 : i32 to vector<16xi32>
        %add3A_553 = arith.addi %select_n3A_447, %add3A_552 : vector<16xi32>
        %ge3A_554 = arith.constant 0 : i32
        %ge3A_555 = vector.broadcast %ge3A_554 : i32 to vector<16xi32>
        %ge3A_556 = arith.cmpi sge, %add3A_553, %ge3A_555 : vector<16xi32>
        %and3A_557 = arith.andi %and3A_544, %ge3A_556 : vector<16xi1>
        %le3A_558 = arith.constant 63 : i32
        %le3A_559 = vector.broadcast %le3A_558 : i32 to vector<16xi32>
        %le3A_560 = arith.cmpi sle, %add3A_553, %le3A_559 : vector<16xi32>
        %and3A_561 = arith.andi %and3A_557, %le3A_560 : vector<16xi1>
        %jit3A_562 = arith.constant 0 : i32
        %jit3A_563 = arith.constant 63 : i32
        %max3A_564 = vector.broadcast %jit3A_562 : i32 to vector<16xi32>
        %max3A_565 = arith.maxsi %max3A_564, %add3A_553 : vector<16xi32>
        %min3A_566 = vector.broadcast %jit3A_563 : i32 to vector<16xi32>
        %min3A_567 = arith.minsi %min3A_566, %max3A_565 : vector<16xi32>
        %mul3A_568 = arith.constant 64 : i32
        %mul3A_569 = vector.broadcast %mul3A_568 : i32 to vector<16xi32>
        %mul3A_570 = arith.muli %min3A_550, %mul3A_569 : vector<16xi32>
        %add3A_571 = arith.addi %mul3A_570, %min3A_567 : vector<16xi32>
        %mul3A_572 = arith.mulf %get3A_428, %sub3A_459 : vector<16xf32>
        %mul3A_573 = arith.mulf %mul3A_572, %sub3A_461 : vector<16xf32>
        %jit3A_574 = arith.constant 0.000000e+00 : f32
        %broadcast_in_dim3A_575 = vector.broadcast %jit3A_574 : f32 to vector<16xf32>
        %select_n3A_576 = arith.select %and3A_561, %mul3A_573, %broadcast_in_dim3A_575 : vector<16xi1>, vector<16xf32>
        %pack3A_577 = tpu.pack_subelements %select_n3A_576, %select_n3A_576 {pack_format = #tpu.pack_format<interleaved>, positions = array<i32: 0, 1>} : vector<16xf32>, vector<16xf32> -> vector<32xbf16>
        %add3A_578 = arith.constant 1 : i32
        %add3A_579 = vector.broadcast %add3A_578 : i32 to vector<16xi32>
        %add3A_580 = arith.addi %select_n3A_447, %add3A_579 : vector<16xi32>
        %ge3A_581 = arith.constant 0 : i32
        %ge3A_582 = vector.broadcast %ge3A_581 : i32 to vector<16xi32>
        %ge3A_583 = arith.cmpi sge, %add3A_580, %ge3A_582 : vector<16xi32>
        %and3A_584 = arith.andi %and3A_544, %ge3A_583 : vector<16xi1>
        %le3A_585 = arith.constant 63 : i32
        %le3A_586 = vector.broadcast %le3A_585 : i32 to vector<16xi32>
        %le3A_587 = arith.cmpi sle, %add3A_580, %le3A_586 : vector<16xi32>
        %and3A_588 = arith.andi %and3A_584, %le3A_587 : vector<16xi1>
        %jit3A_589 = arith.constant 0 : i32
        %jit3A_590 = arith.constant 63 : i32
        %max3A_591 = vector.broadcast %jit3A_589 : i32 to vector<16xi32>
        %max3A_592 = arith.maxsi %max3A_591, %add3A_580 : vector<16xi32>
        %min3A_593 = vector.broadcast %jit3A_590 : i32 to vector<16xi32>
        %min3A_594 = arith.minsi %min3A_593, %max3A_592 : vector<16xi32>
        %mul3A_595 = arith.constant 64 : i32
        %mul3A_596 = vector.broadcast %mul3A_595 : i32 to vector<16xi32>
        %mul3A_597 = arith.muli %min3A_550, %mul3A_596 : vector<16xi32>
        %add3A_598 = arith.addi %mul3A_597, %min3A_594 : vector<16xi32>
        %mul3A_599 = arith.mulf %get3A_428, %sub3A_456 : vector<16xf32>
        %mul3A_600 = arith.mulf %mul3A_599, %sub3A_461 : vector<16xf32>
        %jit3A_601 = arith.constant 0.000000e+00 : f32
        %broadcast_in_dim3A_602 = vector.broadcast %jit3A_601 : f32 to vector<16xf32>
        %select_n3A_603 = arith.select %and3A_588, %mul3A_600, %broadcast_in_dim3A_602 : vector<16xi1>, vector<16xf32>
        %pack3A_604 = tpu.pack_subelements %select_n3A_603, %select_n3A_603 {pack_format = #tpu.pack_format<interleaved>, positions = array<i32: 0, 1>} : vector<16xf32>, vector<16xf32> -> vector<32xbf16>
        %mul3A_605 = arith.constant 16 : i32
        %mul3A_606 = arith.muli %scan3A_22, %mul3A_605 : i32
        %get3A_607 = arith.constant 3 : i32
        %get3A_608 = arith.constant 0 : i32
        %get3A_609 = arith.index_cast %get3A_607 : i32 to index
        %get3A_610 = arith.index_cast %get3A_608 : i32 to index
        %get3A_611 = arith.index_cast %mul3A_606 : i32 to index
        %get3A_612 = tpu.vector_load %arg7[%get3A_609, %get3A_610, %get3A_611] {strides = array<i32>} : memref<4x2x128xf32, #tpu.memory_space<vmem>>, vector<16xf32>,
        %mul3A_613 = arith.constant 16 : i32
        %mul3A_614 = arith.muli %scan3A_22, %mul3A_613 : i32
        %get3A_615 = arith.constant 3 : i32
        %get3A_616 = arith.constant 1 : i32
        %get3A_617 = arith.index_cast %get3A_615 : i32 to index
        %get3A_618 = arith.index_cast %get3A_616 : i32 to index
        %get3A_619 = arith.index_cast %mul3A_614 : i32 to index
        %get3A_620 = tpu.vector_load %arg7[%get3A_617, %get3A_618, %get3A_619] {strides = array<i32>} : memref<4x2x128xf32, #tpu.memory_space<vmem>>, vector<16xf32>,
        %mul3A_621 = arith.constant 16 : i32
        %mul3A_622 = arith.muli %scan3A_22, %mul3A_621 : i32
        %get3A_623 = arith.constant 3 : i32
        %get3A_624 = arith.index_cast %get3A_623 : i32 to index
        %get3A_625 = arith.index_cast %mul3A_622 : i32 to index
        %get3A_626 = tpu.vector_load %arg8[%get3A_624, %get3A_625] {strides = array<i32>} : memref<4x128xf32, #tpu.memory_space<vmem>>, vector<16xf32>,
        %mul3A_627 = arith.constant 6.400000e+01 : f32
        %mul3A_628 = vector.broadcast %mul3A_627 : f32 to vector<16xf32>
        %mul3A_629 = arith.mulf %get3A_612, %mul3A_628 : vector<16xf32>
        %sub3A_630 = arith.constant 5.000000e-01 : f32
        %sub3A_631 = vector.broadcast %sub3A_630 : f32 to vector<16xf32>
        %sub3A_632 = arith.subf %mul3A_629, %sub3A_631 : vector<16xf32>
        %mul3A_633 = arith.constant 6.400000e+01 : f32
        %mul3A_634 = vector.broadcast %mul3A_633 : f32 to vector<16xf32>
        %mul3A_635 = arith.mulf %get3A_620, %mul3A_634 : vector<16xf32>
        %sub3A_636 = arith.constant 5.000000e-01 : f32
        %sub3A_637 = vector.broadcast %sub3A_636 : f32 to vector<16xf32>
        %sub3A_638 = arith.subf %mul3A_635, %sub3A_637 : vector<16xf32>
        %convert_element_type3A_639 = arith.fptosi %sub3A_632 : vector<16xf32> to vector<16xi32>
        %convert_element_type3A_640 = arith.sitofp %convert_element_type3A_639 : vector<16xi32> to vector<16xf32>
        %lt3A_641 = arith.cmpf olt, %sub3A_632, %convert_element_type3A_640 : vector<16xf32>
        %sub3A_642 = arith.constant 1 : i32
        %sub3A_643 = vector.broadcast %sub3A_642 : i32 to vector<16xi32>
        %sub3A_644 = arith.subi %convert_element_type3A_639, %sub3A_643 : vector<16xi32>
        %select_n3A_645 = arith.select %lt3A_641, %sub3A_644, %convert_element_type3A_639 : vector<16xi1>, vector<16xi32>
        %convert_element_type3A_646 = arith.fptosi %sub3A_638 : vector<16xf32> to vector<16xi32>
        %convert_element_type3A_647 = arith.sitofp %convert_element_type3A_646 : vector<16xi32> to vector<16xf32>
        %lt3A_648 = arith.cmpf olt, %sub3A_638, %convert_element_type3A_647 : vector<16xf32>
        %sub3A_649 = arith.constant 1 : i32
        %sub3A_650 = vector.broadcast %sub3A_649 : i32 to vector<16xi32>
        %sub3A_651 = arith.subi %convert_element_type3A_646, %sub3A_650 : vector<16xi32>
        %select_n3A_652 = arith.select %lt3A_648, %sub3A_651, %convert_element_type3A_646 : vector<16xi1>, vector<16xi32>
        %convert_element_type3A_653 = arith.sitofp %select_n3A_645 : vector<16xi32> to vector<16xf32>
        %sub3A_654 = arith.subf %sub3A_632, %convert_element_type3A_653 : vector<16xf32>
        %sub3A_655 = arith.constant 1.000000e+00 : f32
        %sub3A_656 = vector.broadcast %sub3A_655 : f32 to vector<16xf32>
        %sub3A_657 = arith.subf %sub3A_656, %sub3A_654 : vector<16xf32>
        %convert_element_type3A_658 = arith.sitofp %select_n3A_652 : vector<16xi32> to vector<16xf32>
        %sub3A_659 = arith.subf %sub3A_638, %convert_element_type3A_658 : vector<16xf32>
        %sub3A_660 = arith.constant 1.000000e+00 : f32
        %sub3A_661 = vector.broadcast %sub3A_660 : f32 to vector<16xf32>
        %sub3A_662 = arith.subf %sub3A_661, %sub3A_659 : vector<16xf32>
        %add3A_663 = arith.constant 0 : i32
        %add3A_664 = vector.broadcast %add3A_663 : i32 to vector<16xi32>
        %add3A_665 = arith.addi %select_n3A_652, %add3A_664 : vector<16xi32>
        %ge3A_666 = arith.constant 0 : i32
        %ge3A_667 = vector.broadcast %ge3A_666 : i32 to vector<16xi32>
        %ge3A_668 = arith.cmpi sge, %add3A_665, %ge3A_667 : vector<16xi32>
        %le3A_669 = arith.constant 63 : i32
        %le3A_670 = vector.broadcast %le3A_669 : i32 to vector<16xi32>
        %le3A_671 = arith.cmpi sle, %add3A_665, %le3A_670 : vector<16xi32>
        %and3A_672 = arith.andi %ge3A_668, %le3A_671 : vector<16xi1>
        %jit3A_673 = arith.constant 0 : i32
        %jit3A_674 = arith.constant 63 : i32
        %max3A_675 = vector.broadcast %jit3A_673 : i32 to vector<16xi32>
        %max3A_676 = arith.maxsi %max3A_675, %add3A_665 : vector<16xi32>
        %min3A_677 = vector.broadcast %jit3A_674 : i32 to vector<16xi32>
        %min3A_678 = arith.minsi %min3A_677, %max3A_676 : vector<16xi32>
        %add3A_679 = arith.constant 0 : i32
        %add3A_680 = vector.broadcast %add3A_679 : i32 to vector<16xi32>
        %add3A_681 = arith.addi %select_n3A_645, %add3A_680 : vector<16xi32>
        %ge3A_682 = arith.constant 0 : i32
        %ge3A_683 = vector.broadcast %ge3A_682 : i32 to vector<16xi32>
        %ge3A_684 = arith.cmpi sge, %add3A_681, %ge3A_683 : vector<16xi32>
        %and3A_685 = arith.andi %and3A_672, %ge3A_684 : vector<16xi1>
        %le3A_686 = arith.constant 63 : i32
        %le3A_687 = vector.broadcast %le3A_686 : i32 to vector<16xi32>
        %le3A_688 = arith.cmpi sle, %add3A_681, %le3A_687 : vector<16xi32>
        %and3A_689 = arith.andi %and3A_685, %le3A_688 : vector<16xi1>
        %jit3A_690 = arith.constant 0 : i32
        %jit3A_691 = arith.constant 63 : i32
        %max3A_692 = vector.broadcast %jit3A_690 : i32 to vector<16xi32>
        %max3A_693 = arith.maxsi %max3A_692, %add3A_681 : vector<16xi32>
        %min3A_694 = vector.broadcast %jit3A_691 : i32 to vector<16xi32>
        %min3A_695 = arith.minsi %min3A_694, %max3A_693 : vector<16xi32>
        %mul3A_696 = arith.constant 64 : i32
        %mul3A_697 = vector.broadcast %mul3A_696 : i32 to vector<16xi32>
        %mul3A_698 = arith.muli %min3A_678, %mul3A_697 : vector<16xi32>
        %add3A_699 = arith.addi %mul3A_698, %min3A_695 : vector<16xi32>
        %mul3A_700 = arith.mulf %get3A_626, %sub3A_657 : vector<16xf32>
        %mul3A_701 = arith.mulf %mul3A_700, %sub3A_662 : vector<16xf32>
        %jit3A_702 = arith.constant 0.000000e+00 : f32
        %broadcast_in_dim3A_703 = vector.broadcast %jit3A_702 : f32 to vector<16xf32>
        %select_n3A_704 = arith.select %and3A_689, %mul3A_701, %broadcast_in_dim3A_703 : vector<16xi1>, vector<16xf32>
        %pack3A_705 = tpu.pack_subelements %select_n3A_704, %select_n3A_704 {pack_format = #tpu.pack_format<interleaved>, positions = array<i32: 0, 1>} : vector<16xf32>, vector<16xf32> -> vector<32xbf16>
        %add3A_706 = arith.constant 1 : i32
        %add3A_707 = vector.broadcast %add3A_706 : i32 to vector<16xi32>
        %add3A_708 = arith.addi %select_n3A_645, %add3A_707 : vector<16xi32>
        %ge3A_709 = arith.constant 0 : i32
        %ge3A_710 = vector.broadcast %ge3A_709 : i32 to vector<16xi32>
        %ge3A_711 = arith.cmpi sge, %add3A_708, %ge3A_710 : vector<16xi32>
        %and3A_712 = arith.andi %and3A_672, %ge3A_711 : vector<16xi1>
        %le3A_713 = arith.constant 63 : i32
        %le3A_714 = vector.broadcast %le3A_713 : i32 to vector<16xi32>
        %le3A_715 = arith.cmpi sle, %add3A_708, %le3A_714 : vector<16xi32>
        %and3A_716 = arith.andi %and3A_712, %le3A_715 : vector<16xi1>
        %jit3A_717 = arith.constant 0 : i32
        %jit3A_718 = arith.constant 63 : i32
        %max3A_719 = vector.broadcast %jit3A_717 : i32 to vector<16xi32>
        %max3A_720 = arith.maxsi %max3A_719, %add3A_708 : vector<16xi32>
        %min3A_721 = vector.broadcast %jit3A_718 : i32 to vector<16xi32>
        %min3A_722 = arith.minsi %min3A_721, %max3A_720 : vector<16xi32>
        %mul3A_723 = arith.constant 64 : i32
        %mul3A_724 = vector.broadcast %mul3A_723 : i32 to vector<16xi32>
        %mul3A_725 = arith.muli %min3A_678, %mul3A_724 : vector<16xi32>
        %add3A_726 = arith.addi %mul3A_725, %min3A_722 : vector<16xi32>
        %mul3A_727 = arith.mulf %get3A_626, %sub3A_654 : vector<16xf32>
        %mul3A_728 = arith.mulf %mul3A_727, %sub3A_662 : vector<16xf32>
        %jit3A_729 = arith.constant 0.000000e+00 : f32
        %broadcast_in_dim3A_730 = vector.broadcast %jit3A_729 : f32 to vector<16xf32>
        %select_n3A_731 = arith.select %and3A_716, %mul3A_728, %broadcast_in_dim3A_730 : vector<16xi1>, vector<16xf32>
        %pack3A_732 = tpu.pack_subelements %select_n3A_731, %select_n3A_731 {pack_format = #tpu.pack_format<interleaved>, positions = array<i32: 0, 1>} : vector<16xf32>, vector<16xf32> -> vector<32xbf16>
        %add3A_733 = arith.constant 1 : i32
        %add3A_734 = vector.broadcast %add3A_733 : i32 to vector<16xi32>
        %add3A_735 = arith.addi %select_n3A_652, %add3A_734 : vector<16xi32>
        %ge3A_736 = arith.constant 0 : i32
        %ge3A_737 = vector.broadcast %ge3A_736 : i32 to vector<16xi32>
        %ge3A_738 = arith.cmpi sge, %add3A_735, %ge3A_737 : vector<16xi32>
        %le3A_739 = arith.constant 63 : i32
        %le3A_740 = vector.broadcast %le3A_739 : i32 to vector<16xi32>
        %le3A_741 = arith.cmpi sle, %add3A_735, %le3A_740 : vector<16xi32>
        %and3A_742 = arith.andi %ge3A_738, %le3A_741 : vector<16xi1>
        %jit3A_743 = arith.constant 0 : i32
        %jit3A_744 = arith.constant 63 : i32
        %max3A_745 = vector.broadcast %jit3A_743 : i32 to vector<16xi32>
        %max3A_746 = arith.maxsi %max3A_745, %add3A_735 : vector<16xi32>
        %min3A_747 = vector.broadcast %jit3A_744 : i32 to vector<16xi32>
        %min3A_748 = arith.minsi %min3A_747, %max3A_746 : vector<16xi32>
        %add3A_749 = arith.constant 0 : i32
        %add3A_750 = vector.broadcast %add3A_749 : i32 to vector<16xi32>
        %add3A_751 = arith.addi %select_n3A_645, %add3A_750 : vector<16xi32>
        %ge3A_752 = arith.constant 0 : i32
        %ge3A_753 = vector.broadcast %ge3A_752 : i32 to vector<16xi32>
        %ge3A_754 = arith.cmpi sge, %add3A_751, %ge3A_753 : vector<16xi32>
        %and3A_755 = arith.andi %and3A_742, %ge3A_754 : vector<16xi1>
        %le3A_756 = arith.constant 63 : i32
        %le3A_757 = vector.broadcast %le3A_756 : i32 to vector<16xi32>
        %le3A_758 = arith.cmpi sle, %add3A_751, %le3A_757 : vector<16xi32>
        %and3A_759 = arith.andi %and3A_755, %le3A_758 : vector<16xi1>
        %jit3A_760 = arith.constant 0 : i32
        %jit3A_761 = arith.constant 63 : i32
        %max3A_762 = vector.broadcast %jit3A_760 : i32 to vector<16xi32>
        %max3A_763 = arith.maxsi %max3A_762, %add3A_751 : vector<16xi32>
        %min3A_764 = vector.broadcast %jit3A_761 : i32 to vector<16xi32>
        %min3A_765 = arith.minsi %min3A_764, %max3A_763 : vector<16xi32>
        %mul3A_766 = arith.constant 64 : i32
        %mul3A_767 = vector.broadcast %mul3A_766 : i32 to vector<16xi32>
        %mul3A_768 = arith.muli %min3A_748, %mul3A_767 : vector<16xi32>
        %add3A_769 = arith.addi %mul3A_768, %min3A_765 : vector<16xi32>
        %mul3A_770 = arith.mulf %get3A_626, %sub3A_657 : vector<16xf32>
        %mul3A_771 = arith.mulf %mul3A_770, %sub3A_659 : vector<16xf32>
        %jit3A_772 = arith.constant 0.000000e+00 : f32
        %broadcast_in_dim3A_773 = vector.broadcast %jit3A_772 : f32 to vector<16xf32>
        %select_n3A_774 = arith.select %and3A_759, %mul3A_771, %broadcast_in_dim3A_773 : vector<16xi1>, vector<16xf32>
        %pack3A_775 = tpu.pack_subelements %select_n3A_774, %select_n3A_774 {pack_format = #tpu.pack_format<interleaved>, positions = array<i32: 0, 1>} : vector<16xf32>, vector<16xf32> -> vector<32xbf16>
        %add3A_776 = arith.constant 1 : i32
        %add3A_777 = vector.broadcast %add3A_776 : i32 to vector<16xi32>
        %add3A_778 = arith.addi %select_n3A_645, %add3A_777 : vector<16xi32>
        %ge3A_779 = arith.constant 0 : i32
        %ge3A_780 = vector.broadcast %ge3A_779 : i32 to vector<16xi32>
        %ge3A_781 = arith.cmpi sge, %add3A_778, %ge3A_780 : vector<16xi32>
        %and3A_782 = arith.andi %and3A_742, %ge3A_781 : vector<16xi1>
        %le3A_783 = arith.constant 63 : i32
        %le3A_784 = vector.broadcast %le3A_783 : i32 to vector<16xi32>
        %le3A_785 = arith.cmpi sle, %add3A_778, %le3A_784 : vector<16xi32>
        %and3A_786 = arith.andi %and3A_782, %le3A_785 : vector<16xi1>
        %jit3A_787 = arith.constant 0 : i32
        %jit3A_788 = arith.constant 63 : i32
        %max3A_789 = vector.broadcast %jit3A_787 : i32 to vector<16xi32>
        %max3A_790 = arith.maxsi %max3A_789, %add3A_778 : vector<16xi32>
        %min3A_791 = vector.broadcast %jit3A_788 : i32 to vector<16xi32>
        %min3A_792 = arith.minsi %min3A_791, %max3A_790 : vector<16xi32>
        %mul3A_793 = arith.constant 64 : i32
        %mul3A_794 = vector.broadcast %mul3A_793 : i32 to vector<16xi32>
        %mul3A_795 = arith.muli %min3A_748, %mul3A_794 : vector<16xi32>
        %add3A_796 = arith.addi %mul3A_795, %min3A_792 : vector<16xi32>
        %mul3A_797 = arith.mulf %get3A_626, %sub3A_654 : vector<16xf32>
        %mul3A_798 = arith.mulf %mul3A_797, %sub3A_659 : vector<16xf32>
        %jit3A_799 = arith.constant 0.000000e+00 : f32
        %broadcast_in_dim3A_800 = vector.broadcast %jit3A_799 : f32 to vector<16xf32>
        %select_n3A_801 = arith.select %and3A_786, %mul3A_798, %broadcast_in_dim3A_800 : vector<16xi1>, vector<16xf32>
        %pack3A_802 = tpu.pack_subelements %select_n3A_801, %select_n3A_801 {pack_format = #tpu.pack_format<interleaved>, positions = array<i32: 0, 1>} : vector<16xf32>, vector<16xf32> -> vector<32xbf16>
        %broadcast_in_dim3A_803 = arith.constant 0 : i32
        %broadcast_in_dim3A_804 = vector.broadcast %broadcast_in_dim3A_803 : i32 to vector<16xi32>
        %gather3A = tpu.vector_load_idx %arg6[%broadcast_in_dim3A_804, %add3A_107] : memref<16x4096xi32, #tpu.memory_space<vmem>>[vector<16xi32>, vector<16xi32>], vector<16xi32>,
        %gather3A_805 = tpu.vector_load_idx %arg6[%broadcast_in_dim3A_804, %add3A_132] : memref<16x4096xi32, #tpu.memory_space<vmem>>[vector<16xi32>, vector<16xi32>], vector<16xi32>,
        %gather3A_806 = tpu.vector_load_idx %arg6[%broadcast_in_dim3A_804, %add3A_175] : memref<16x4096xi32, #tpu.memory_space<vmem>>[vector<16xi32>, vector<16xi32>], vector<16xi32>,
        %gather3A_807 = tpu.vector_load_idx %arg6[%broadcast_in_dim3A_804, %add3A_202] : memref<16x4096xi32, #tpu.memory_space<vmem>>[vector<16xi32>, vector<16xi32>], vector<16xi32>,
        %gather3A_808 = tpu.vector_load_idx %arg6[%broadcast_in_dim3A_804, %add3A_303] : memref<16x4096xi32, #tpu.memory_space<vmem>>[vector<16xi32>, vector<16xi32>], vector<16xi32>,
        %gather3A_809 = tpu.vector_load_idx %arg6[%broadcast_in_dim3A_804, %add3A_330] : memref<16x4096xi32, #tpu.memory_space<vmem>>[vector<16xi32>, vector<16xi32>], vector<16xi32>,
        %gather3A_810 = tpu.vector_load_idx %arg6[%broadcast_in_dim3A_804, %add3A_373] : memref<16x4096xi32, #tpu.memory_space<vmem>>[vector<16xi32>, vector<16xi32>], vector<16xi32>,
        %gather3A_811 = tpu.vector_load_idx %arg6[%broadcast_in_dim3A_804, %add3A_400] : memref<16x4096xi32, #tpu.memory_space<vmem>>[vector<16xi32>, vector<16xi32>], vector<16xi32>,
        %gather3A_812 = tpu.vector_load_idx %arg6[%broadcast_in_dim3A_804, %add3A_501] : memref<16x4096xi32, #tpu.memory_space<vmem>>[vector<16xi32>, vector<16xi32>], vector<16xi32>,
        %gather3A_813 = tpu.vector_load_idx %arg6[%broadcast_in_dim3A_804, %add3A_528] : memref<16x4096xi32, #tpu.memory_space<vmem>>[vector<16xi32>, vector<16xi32>], vector<16xi32>,
        %gather3A_814 = tpu.vector_load_idx %arg6[%broadcast_in_dim3A_804, %add3A_571] : memref<16x4096xi32, #tpu.memory_space<vmem>>[vector<16xi32>, vector<16xi32>], vector<16xi32>,
        %gather3A_815 = tpu.vector_load_idx %arg6[%broadcast_in_dim3A_804, %add3A_598] : memref<16x4096xi32, #tpu.memory_space<vmem>>[vector<16xi32>, vector<16xi32>], vector<16xi32>,
        %gather3A_816 = tpu.vector_load_idx %arg6[%broadcast_in_dim3A_804, %add3A_699] : memref<16x4096xi32, #tpu.memory_space<vmem>>[vector<16xi32>, vector<16xi32>], vector<16xi32>,
        %gather3A_817 = tpu.vector_load_idx %arg6[%broadcast_in_dim3A_804, %add3A_726] : memref<16x4096xi32, #tpu.memory_space<vmem>>[vector<16xi32>, vector<16xi32>], vector<16xi32>,
        %gather3A_818 = tpu.vector_load_idx %arg6[%broadcast_in_dim3A_804, %add3A_769] : memref<16x4096xi32, #tpu.memory_space<vmem>>[vector<16xi32>, vector<16xi32>], vector<16xi32>,
        %gather3A_819 = tpu.vector_load_idx %arg6[%broadcast_in_dim3A_804, %add3A_796] : memref<16x4096xi32, #tpu.memory_space<vmem>>[vector<16xi32>, vector<16xi32>], vector<16xi32>,
        %broadcast_in_dim3A_820 = arith.constant 0.000000e+00 : bf16
        %broadcast_in_dim3A_821 = vector.broadcast %broadcast_in_dim3A_820 : bf16 to vector<32xbf16>
        %broadcast_in_dim3A_822 = arith.constant 0.000000e+00 : bf16
        %broadcast_in_dim3A_823 = vector.broadcast %broadcast_in_dim3A_822 : bf16 to vector<32xbf16>
        %broadcast_in_dim3A_824 = arith.constant 0.000000e+00 : bf16
        %broadcast_in_dim3A_825 = vector.broadcast %broadcast_in_dim3A_824 : bf16 to vector<32xbf16>
        %broadcast_in_dim3A_826 = arith.constant 0.000000e+00 : bf16
        %broadcast_in_dim3A_827 = vector.broadcast %broadcast_in_dim3A_826 : bf16 to vector<32xbf16>
        %bitcast3A = vector.bitcast %gather3A : vector<16xi32> to vector<32xbf16>
        %mul3A_828 = arith.mulf %bitcast3A, %pack3A : vector<32xbf16>
        %add3A_829 = arith.addf %broadcast_in_dim3A_821, %mul3A_828 : vector<32xbf16>
        %bitcast3A_830 = vector.bitcast %gather3A_805 : vector<16xi32> to vector<32xbf16>
        %mul3A_831 = arith.mulf %bitcast3A_830, %pack3A_138 : vector<32xbf16>
        %add3A_832 = arith.addf %broadcast_in_dim3A_823, %mul3A_831 : vector<32xbf16>
        %bitcast3A_833 = vector.bitcast %gather3A_806 : vector<16xi32> to vector<32xbf16>
        %mul3A_834 = arith.mulf %bitcast3A_833, %pack3A_181 : vector<32xbf16>
        %add3A_835 = arith.addf %broadcast_in_dim3A_825, %mul3A_834 : vector<32xbf16>
        %bitcast3A_836 = vector.bitcast %gather3A_807 : vector<16xi32> to vector<32xbf16>
        %mul3A_837 = arith.mulf %bitcast3A_836, %pack3A_208 : vector<32xbf16>
        %add3A_838 = arith.addf %broadcast_in_dim3A_827, %mul3A_837 : vector<32xbf16>
        %bitcast3A_839 = vector.bitcast %gather3A_808 : vector<16xi32> to vector<32xbf16>
        %mul3A_840 = arith.mulf %bitcast3A_839, %pack3A_309 : vector<32xbf16>
        %add3A_841 = arith.addf %add3A_829, %mul3A_840 : vector<32xbf16>
        %bitcast3A_842 = vector.bitcast %gather3A_809 : vector<16xi32> to vector<32xbf16>
        %mul3A_843 = arith.mulf %bitcast3A_842, %pack3A_336 : vector<32xbf16>
        %add3A_844 = arith.addf %add3A_832, %mul3A_843 : vector<32xbf16>
        %bitcast3A_845 = vector.bitcast %gather3A_810 : vector<16xi32> to vector<32xbf16>
        %mul3A_846 = arith.mulf %bitcast3A_845, %pack3A_379 : vector<32xbf16>
        %add3A_847 = arith.addf %add3A_835, %mul3A_846 : vector<32xbf16>
        %bitcast3A_848 = vector.bitcast %gather3A_811 : vector<16xi32> to vector<32xbf16>
        %mul3A_849 = arith.mulf %bitcast3A_848, %pack3A_406 : vector<32xbf16>
        %add3A_850 = arith.addf %add3A_838, %mul3A_849 : vector<32xbf16>
        %bitcast3A_851 = vector.bitcast %gather3A_812 : vector<16xi32> to vector<32xbf16>
        %mul3A_852 = arith.mulf %bitcast3A_851, %pack3A_507 : vector<32xbf16>
        %add3A_853 = arith.addf %add3A_841, %mul3A_852 : vector<32xbf16>
        %bitcast3A_854 = vector.bitcast %gather3A_813 : vector<16xi32> to vector<32xbf16>
        %mul3A_855 = arith.mulf %bitcast3A_854, %pack3A_534 : vector<32xbf16>
        %add3A_856 = arith.addf %add3A_844, %mul3A_855 : vector<32xbf16>
        %bitcast3A_857 = vector.bitcast %gather3A_814 : vector<16xi32> to vector<32xbf16>
        %mul3A_858 = arith.mulf %bitcast3A_857, %pack3A_577 : vector<32xbf16>
        %add3A_859 = arith.addf %add3A_847, %mul3A_858 : vector<32xbf16>
        %bitcast3A_860 = vector.bitcast %gather3A_815 : vector<16xi32> to vector<32xbf16>
        %mul3A_861 = arith.mulf %bitcast3A_860, %pack3A_604 : vector<32xbf16>
        %add3A_862 = arith.addf %add3A_850, %mul3A_861 : vector<32xbf16>
        %bitcast3A_863 = vector.bitcast %gather3A_816 : vector<16xi32> to vector<32xbf16>
        %mul3A_864 = arith.mulf %bitcast3A_863, %pack3A_705 : vector<32xbf16>
        %add3A_865 = arith.addf %add3A_853, %mul3A_864 : vector<32xbf16>
        %bitcast3A_866 = vector.bitcast %gather3A_817 : vector<16xi32> to vector<32xbf16>
        %mul3A_867 = arith.mulf %bitcast3A_866, %pack3A_732 : vector<32xbf16>
        %add3A_868 = arith.addf %add3A_856, %mul3A_867 : vector<32xbf16>
        %bitcast3A_869 = vector.bitcast %gather3A_818 : vector<16xi32> to vector<32xbf16>
        %mul3A_870 = arith.mulf %bitcast3A_869, %pack3A_775 : vector<32xbf16>
        %add3A_871 = arith.addf %add3A_859, %mul3A_870 : vector<32xbf16>
        %bitcast3A_872 = vector.bitcast %gather3A_819 : vector<16xi32> to vector<32xbf16>
        %mul3A_873 = arith.mulf %bitcast3A_872, %pack3A_802 : vector<32xbf16>
        %add3A_874 = arith.addf %add3A_862, %mul3A_873 : vector<32xbf16>
        %add3A_875 = arith.addf %add3A_865, %add3A_868 : vector<32xbf16>
        %add3A_876 = arith.addf %add3A_871, %add3A_874 : vector<32xbf16>
        %add3A_877 = arith.addf %add3A_875, %add3A_876 : vector<32xbf16>
        %bitcast3A_878 = vector.bitcast %add3A_877 : vector<32xbf16> to vector<16xi32>
        %mul3A_879 = arith.constant 16 : i32
        %mul3A_880 = arith.muli %scan3A_22, %mul3A_879 : i32
        %swap3A = arith.constant 0 : i32
        %swap3A_881 = arith.index_cast %swap3A : i32 to index
        %swap3A_882 = arith.index_cast %mul3A_880 : i32 to index
        %swap3A_883 = tpu.vector_load %arg9[%swap3A_881, %swap3A_882] {strides = array<i32>} : memref<16x128xi32, #tpu.memory_space<vmem>>, vector<16xi32>,
        tpu.vector_store %arg9[%swap3A_881, %swap3A_882], %bitcast3A_878 {strides = array<i32>} : memref<16x128xi32, #tpu.memory_space<vmem>>, vector<16xi32>,
        %broadcast_in_dim3A_884 = arith.constant 1 : i32
        %broadcast_in_dim3A_885 = vector.broadcast %broadcast_in_dim3A_884 : i32 to vector<16xi32>
        %gather3A_886 = tpu.vector_load_idx %arg6[%broadcast_in_dim3A_885, %add3A_107] : memref<16x4096xi32, #tpu.memory_space<vmem>>[vector<16xi32>, vector<16xi32>], vector<16xi32>,
        %gather3A_887 = tpu.vector_load_idx %arg6[%broadcast_in_dim3A_885, %add3A_132] : memref<16x4096xi32, #tpu.memory_space<vmem>>[vector<16xi32>, vector<16xi32>], vector<16xi32>,
        %gather3A_888 = tpu.vector_load_idx %arg6[%broadcast_in_dim3A_885, %add3A_175] : memref<16x4096xi32, #tpu.memory_space<vmem>>[vector<16xi32>, vector<16xi32>], vector<16xi32>,
        %gather3A_889 = tpu.vector_load_idx %arg6[%broadcast_in_dim3A_885, %add3A_202] : memref<16x4096xi32, #tpu.memory_space<vmem>>[vector<16xi32>, vector<16xi32>], vector<16xi32>,
        %gather3A_890 = tpu.vector_load_idx %arg6[%broadcast_in_dim3A_885, %add3A_303] : memref<16x4096xi32, #tpu.memory_space<vmem>>[vector<16xi32>, vector<16xi32>], vector<16xi32>,
        %gather3A_891 = tpu.vector_load_idx %arg6[%broadcast_in_dim3A_885, %add3A_330] : memref<16x4096xi32, #tpu.memory_space<vmem>>[vector<16xi32>, vector<16xi32>], vector<16xi32>,
        %gather3A_892 = tpu.vector_load_idx %arg6[%broadcast_in_dim3A_885, %add3A_373] : memref<16x4096xi32, #tpu.memory_space<vmem>>[vector<16xi32>, vector<16xi32>], vector<16xi32>,
        %gather3A_893 = tpu.vector_load_idx %arg6[%broadcast_in_dim3A_885, %add3A_400] : memref<16x4096xi32, #tpu.memory_space<vmem>>[vector<16xi32>, vector<16xi32>], vector<16xi32>,
        %gather3A_894 = tpu.vector_load_idx %arg6[%broadcast_in_dim3A_885, %add3A_501] : memref<16x4096xi32, #tpu.memory_space<vmem>>[vector<16xi32>, vector<16xi32>], vector<16xi32>,
        %gather3A_895 = tpu.vector_load_idx %arg6[%broadcast_in_dim3A_885, %add3A_528] : memref<16x4096xi32, #tpu.memory_space<vmem>>[vector<16xi32>, vector<16xi32>], vector<16xi32>,
        %gather3A_896 = tpu.vector_load_idx %arg6[%broadcast_in_dim3A_885, %add3A_571] : memref<16x4096xi32, #tpu.memory_space<vmem>>[vector<16xi32>, vector<16xi32>], vector<16xi32>,
        %gather3A_897 = tpu.vector_load_idx %arg6[%broadcast_in_dim3A_885, %add3A_598] : memref<16x4096xi32, #tpu.memory_space<vmem>>[vector<16xi32>, vector<16xi32>], vector<16xi32>,
        %gather3A_898 = tpu.vector_load_idx %arg6[%broadcast_in_dim3A_885, %add3A_699] : memref<16x4096xi32, #tpu.memory_space<vmem>>[vector<16xi32>, vector<16xi32>], vector<16xi32>,
        %gather3A_899 = tpu.vector_load_idx %arg6[%broadcast_in_dim3A_885, %add3A_726] : memref<16x4096xi32, #tpu.memory_space<vmem>>[vector<16xi32>, vector<16xi32>], vector<16xi32>,
        %gather3A_900 = tpu.vector_load_idx %arg6[%broadcast_in_dim3A_885, %add3A_769] : memref<16x4096xi32, #tpu.memory_space<vmem>>[vector<16xi32>, vector<16xi32>], vector<16xi32>,
        %gather3A_901 = tpu.vector_load_idx %arg6[%broadcast_in_dim3A_885, %add3A_796] : memref<16x4096xi32, #tpu.memory_space<vmem>>[vector<16xi32>, vector<16xi32>], vector<16xi32>,
        %broadcast_in_dim3A_902 = arith.constant 0.000000e+00 : bf16
        %broadcast_in_dim3A_903 = vector.broadcast %broadcast_in_dim3A_902 : bf16 to vector<32xbf16>
        %broadcast_in_dim3A_904 = arith.constant 0.000000e+00 : bf16
        %broadcast_in_dim3A_905 = vector.broadcast %broadcast_in_dim3A_904 : bf16 to vector<32xbf16>
        %broadcast_in_dim3A_906 = arith.constant 0.000000e+00 : bf16
        %broadcast_in_dim3A_907 = vector.broadcast %broadcast_in_dim3A_906 : bf16 to vector<32xbf16>
        %broadcast_in_dim3A_908 = arith.constant 0.000000e+00 : bf16
        %broadcast_in_dim3A_909 = vector.broadcast %broadcast_in_dim3A_908 : bf16 to vector<32xbf16>
        %bitcast3A_910 = vector.bitcast %gather3A_886 : vector<16xi32> to vector<32xbf16>
        %mul3A_911 = arith.mulf %bitcast3A_910, %pack3A : vector<32xbf16>
        %add3A_912 = arith.addf %broadcast_in_dim3A_903, %mul3A_911 : vector<32xbf16>
        %bitcast3A_913 = vector.bitcast %gather3A_887 : vector<16xi32> to vector<32xbf16>
        %mul3A_914 = arith.mulf %bitcast3A_913, %pack3A_138 : vector<32xbf16>
        %add3A_915 = arith.addf %broadcast_in_dim3A_905, %mul3A_914 : vector<32xbf16>
        %bitcast3A_916 = vector.bitcast %gather3A_888 : vector<16xi32> to vector<32xbf16>
        %mul3A_917 = arith.mulf %bitcast3A_916, %pack3A_181 : vector<32xbf16>
        %add3A_918 = arith.addf %broadcast_in_dim3A_907, %mul3A_917 : vector<32xbf16>
        %bitcast3A_919 = vector.bitcast %gather3A_889 : vector<16xi32> to vector<32xbf16>
        %mul3A_920 = arith.mulf %bitcast3A_919, %pack3A_208 : vector<32xbf16>
        %add3A_921 = arith.addf %broadcast_in_dim3A_909, %mul3A_920 : vector<32xbf16>
        %bitcast3A_922 = vector.bitcast %gather3A_890 : vector<16xi32> to vector<32xbf16>
        %mul3A_923 = arith.mulf %bitcast3A_922, %pack3A_309 : vector<32xbf16>
        %add3A_924 = arith.addf %add3A_912, %mul3A_923 : vector<32xbf16>
        %bitcast3A_925 = vector.bitcast %gather3A_891 : vector<16xi32> to vector<32xbf16>
        %mul3A_926 = arith.mulf %bitcast3A_925, %pack3A_336 : vector<32xbf16>
        %add3A_927 = arith.addf %add3A_915, %mul3A_926 : vector<32xbf16>
        %bitcast3A_928 = vector.bitcast %gather3A_892 : vector<16xi32> to vector<32xbf16>
        %mul3A_929 = arith.mulf %bitcast3A_928, %pack3A_379 : vector<32xbf16>
        %add3A_930 = arith.addf %add3A_918, %mul3A_929 : vector<32xbf16>
        %bitcast3A_931 = vector.bitcast %gather3A_893 : vector<16xi32> to vector<32xbf16>
        %mul3A_932 = arith.mulf %bitcast3A_931, %pack3A_406 : vector<32xbf16>
        %add3A_933 = arith.addf %add3A_921, %mul3A_932 : vector<32xbf16>
        %bitcast3A_934 = vector.bitcast %gather3A_894 : vector<16xi32> to vector<32xbf16>
        %mul3A_935 = arith.mulf %bitcast3A_934, %pack3A_507 : vector<32xbf16>
        %add3A_936 = arith.addf %add3A_924, %mul3A_935 : vector<32xbf16>
        %bitcast3A_937 = vector.bitcast %gather3A_895 : vector<16xi32> to vector<32xbf16>
        %mul3A_938 = arith.mulf %bitcast3A_937, %pack3A_534 : vector<32xbf16>
        %add3A_939 = arith.addf %add3A_927, %mul3A_938 : vector<32xbf16>
        %bitcast3A_940 = vector.bitcast %gather3A_896 : vector<16xi32> to vector<32xbf16>
        %mul3A_941 = arith.mulf %bitcast3A_940, %pack3A_577 : vector<32xbf16>
        %add3A_942 = arith.addf %add3A_930, %mul3A_941 : vector<32xbf16>
        %bitcast3A_943 = vector.bitcast %gather3A_897 : vector<16xi32> to vector<32xbf16>
        %mul3A_944 = arith.mulf %bitcast3A_943, %pack3A_604 : vector<32xbf16>
        %add3A_945 = arith.addf %add3A_933, %mul3A_944 : vector<32xbf16>
        %bitcast3A_946 = vector.bitcast %gather3A_898 : vector<16xi32> to vector<32xbf16>
        %mul3A_947 = arith.mulf %bitcast3A_946, %pack3A_705 : vector<32xbf16>
        %add3A_948 = arith.addf %add3A_936, %mul3A_947 : vector<32xbf16>
        %bitcast3A_949 = vector.bitcast %gather3A_899 : vector<16xi32> to vector<32xbf16>
        %mul3A_950 = arith.mulf %bitcast3A_949, %pack3A_732 : vector<32xbf16>
        %add3A_951 = arith.addf %add3A_939, %mul3A_950 : vector<32xbf16>
        %bitcast3A_952 = vector.bitcast %gather3A_900 : vector<16xi32> to vector<32xbf16>
        %mul3A_953 = arith.mulf %bitcast3A_952, %pack3A_775 : vector<32xbf16>
        %add3A_954 = arith.addf %add3A_942, %mul3A_953 : vector<32xbf16>
        %bitcast3A_955 = vector.bitcast %gather3A_901 : vector<16xi32> to vector<32xbf16>
        %mul3A_956 = arith.mulf %bitcast3A_955, %pack3A_802 : vector<32xbf16>
        %add3A_957 = arith.addf %add3A_945, %mul3A_956 : vector<32xbf16>
        %add3A_958 = arith.addf %add3A_948, %add3A_951 : vector<32xbf16>
        %add3A_959 = arith.addf %add3A_954, %add3A_957 : vector<32xbf16>
        %add3A_960 = arith.addf %add3A_958, %add3A_959 : vector<32xbf16>
        %bitcast3A_961 = vector.bitcast %add3A_960 : vector<32xbf16> to vector<16xi32>
        %mul3A_962 = arith.constant 16 : i32
        %mul3A_963 = arith.muli %scan3A_22, %mul3A_962 : i32
        %swap3A_964 = arith.constant 1 : i32
        %swap3A_965 = arith.index_cast %swap3A_964 : i32 to index
        %swap3A_966 = arith.index_cast %mul3A_963 : i32 to index
        %swap3A_967 = tpu.vector_load %arg9[%swap3A_965, %swap3A_966] {strides = array<i32>} : memref<16x128xi32, #tpu.memory_space<vmem>>, vector<16xi32>,
        tpu.vector_store %arg9[%swap3A_965, %swap3A_966], %bitcast3A_961 {strides = array<i32>} : memref<16x128xi32, #tpu.memory_space<vmem>>, vector<16xi32>,
        %broadcast_in_dim3A_968 = arith.constant 2 : i32
        %broadcast_in_dim3A_969 = vector.broadcast %broadcast_in_dim3A_968 : i32 to vector<16xi32>
        %gather3A_970 = tpu.vector_load_idx %arg6[%broadcast_in_dim3A_969, %add3A_107] : memref<16x4096xi32, #tpu.memory_space<vmem>>[vector<16xi32>, vector<16xi32>], vector<16xi32>,
        %gather3A_971 = tpu.vector_load_idx %arg6[%broadcast_in_dim3A_969, %add3A_132] : memref<16x4096xi32, #tpu.memory_space<vmem>>[vector<16xi32>, vector<16xi32>], vector<16xi32>,
        %gather3A_972 = tpu.vector_load_idx %arg6[%broadcast_in_dim3A_969, %add3A_175] : memref<16x4096xi32, #tpu.memory_space<vmem>>[vector<16xi32>, vector<16xi32>], vector<16xi32>,
        %gather3A_973 = tpu.vector_load_idx %arg6[%broadcast_in_dim3A_969, %add3A_202] : memref<16x4096xi32, #tpu.memory_space<vmem>>[vector<16xi32>, vector<16xi32>], vector<16xi32>,
        %gather3A_974 = tpu.vector_load_idx %arg6[%broadcast_in_dim3A_969, %add3A_303] : memref<16x4096xi32, #tpu.memory_space<vmem>>[vector<16xi32>, vector<16xi32>], vector<16xi32>,
        %gather3A_975 = tpu.vector_load_idx %arg6[%broadcast_in_dim3A_969, %add3A_330] : memref<16x4096xi32, #tpu.memory_space<vmem>>[vector<16xi32>, vector<16xi32>], vector<16xi32>,
        %gather3A_976 = tpu.vector_load_idx %arg6[%broadcast_in_dim3A_969, %add3A_373] : memref<16x4096xi32, #tpu.memory_space<vmem>>[vector<16xi32>, vector<16xi32>], vector<16xi32>,
        %gather3A_977 = tpu.vector_load_idx %arg6[%broadcast_in_dim3A_969, %add3A_400] : memref<16x4096xi32, #tpu.memory_space<vmem>>[vector<16xi32>, vector<16xi32>], vector<16xi32>,
        %gather3A_978 = tpu.vector_load_idx %arg6[%broadcast_in_dim3A_969, %add3A_501] : memref<16x4096xi32, #tpu.memory_space<vmem>>[vector<16xi32>, vector<16xi32>], vector<16xi32>,
        %gather3A_979 = tpu.vector_load_idx %arg6[%broadcast_in_dim3A_969, %add3A_528] : memref<16x4096xi32, #tpu.memory_space<vmem>>[vector<16xi32>, vector<16xi32>], vector<16xi32>,
        %gather3A_980 = tpu.vector_load_idx %arg6[%broadcast_in_dim3A_969, %add3A_571] : memref<16x4096xi32, #tpu.memory_space<vmem>>[vector<16xi32>, vector<16xi32>], vector<16xi32>,
        %gather3A_981 = tpu.vector_load_idx %arg6[%broadcast_in_dim3A_969, %add3A_598] : memref<16x4096xi32, #tpu.memory_space<vmem>>[vector<16xi32>, vector<16xi32>], vector<16xi32>,
        %gather3A_982 = tpu.vector_load_idx %arg6[%broadcast_in_dim3A_969, %add3A_699] : memref<16x4096xi32, #tpu.memory_space<vmem>>[vector<16xi32>, vector<16xi32>], vector<16xi32>,
        %gather3A_983 = tpu.vector_load_idx %arg6[%broadcast_in_dim3A_969, %add3A_726] : memref<16x4096xi32, #tpu.memory_space<vmem>>[vector<16xi32>, vector<16xi32>], vector<16xi32>,
        %gather3A_984 = tpu.vector_load_idx %arg6[%broadcast_in_dim3A_969, %add3A_769] : memref<16x4096xi32, #tpu.memory_space<vmem>>[vector<16xi32>, vector<16xi32>], vector<16xi32>,
        %gather3A_985 = tpu.vector_load_idx %arg6[%broadcast_in_dim3A_969, %add3A_796] : memref<16x4096xi32, #tpu.memory_space<vmem>>[vector<16xi32>, vector<16xi32>], vector<16xi32>,
        %broadcast_in_dim3A_986 = arith.constant 0.000000e+00 : bf16
        %broadcast_in_dim3A_987 = vector.broadcast %broadcast_in_dim3A_986 : bf16 to vector<32xbf16>
        %broadcast_in_dim3A_988 = arith.constant 0.000000e+00 : bf16
        %broadcast_in_dim3A_989 = vector.broadcast %broadcast_in_dim3A_988 : bf16 to vector<32xbf16>
        %broadcast_in_dim3A_990 = arith.constant 0.000000e+00 : bf16
        %broadcast_in_dim3A_991 = vector.broadcast %broadcast_in_dim3A_990 : bf16 to vector<32xbf16>
        %broadcast_in_dim3A_992 = arith.constant 0.000000e+00 : bf16
        %broadcast_in_dim3A_993 = vector.broadcast %broadcast_in_dim3A_992 : bf16 to vector<32xbf16>
        %bitcast3A_994 = vector.bitcast %gather3A_970 : vector<16xi32> to vector<32xbf16>
        %mul3A_995 = arith.mulf %bitcast3A_994, %pack3A : vector<32xbf16>
        %add3A_996 = arith.addf %broadcast_in_dim3A_987, %mul3A_995 : vector<32xbf16>
        %bitcast3A_997 = vector.bitcast %gather3A_971 : vector<16xi32> to vector<32xbf16>
        %mul3A_998 = arith.mulf %bitcast3A_997, %pack3A_138 : vector<32xbf16>
        %add3A_999 = arith.addf %broadcast_in_dim3A_989, %mul3A_998 : vector<32xbf16>
        %bitcast3A_1000 = vector.bitcast %gather3A_972 : vector<16xi32> to vector<32xbf16>
        %mul3A_1001 = arith.mulf %bitcast3A_1000, %pack3A_181 : vector<32xbf16>
        %add3A_1002 = arith.addf %broadcast_in_dim3A_991, %mul3A_1001 : vector<32xbf16>
        %bitcast3A_1003 = vector.bitcast %gather3A_973 : vector<16xi32> to vector<32xbf16>
        %mul3A_1004 = arith.mulf %bitcast3A_1003, %pack3A_208 : vector<32xbf16>
        %add3A_1005 = arith.addf %broadcast_in_dim3A_993, %mul3A_1004 : vector<32xbf16>
        %bitcast3A_1006 = vector.bitcast %gather3A_974 : vector<16xi32> to vector<32xbf16>
        %mul3A_1007 = arith.mulf %bitcast3A_1006, %pack3A_309 : vector<32xbf16>
        %add3A_1008 = arith.addf %add3A_996, %mul3A_1007 : vector<32xbf16>
        %bitcast3A_1009 = vector.bitcast %gather3A_975 : vector<16xi32> to vector<32xbf16>
        %mul3A_1010 = arith.mulf %bitcast3A_1009, %pack3A_336 : vector<32xbf16>
        %add3A_1011 = arith.addf %add3A_999, %mul3A_1010 : vector<32xbf16>
        %bitcast3A_1012 = vector.bitcast %gather3A_976 : vector<16xi32> to vector<32xbf16>
        %mul3A_1013 = arith.mulf %bitcast3A_1012, %pack3A_379 : vector<32xbf16>
        %add3A_1014 = arith.addf %add3A_1002, %mul3A_1013 : vector<32xbf16>
        %bitcast3A_1015 = vector.bitcast %gather3A_977 : vector<16xi32> to vector<32xbf16>
        %mul3A_1016 = arith.mulf %bitcast3A_1015, %pack3A_406 : vector<32xbf16>
        %add3A_1017 = arith.addf %add3A_1005, %mul3A_1016 : vector<32xbf16>
        %bitcast3A_1018 = vector.bitcast %gather3A_978 : vector<16xi32> to vector<32xbf16>
        %mul3A_1019 = arith.mulf %bitcast3A_1018, %pack3A_507 : vector<32xbf16>
        %add3A_1020 = arith.addf %add3A_1008, %mul3A_1019 : vector<32xbf16>
        %bitcast3A_1021 = vector.bitcast %gather3A_979 : vector<16xi32> to vector<32xbf16>
        %mul3A_1022 = arith.mulf %bitcast3A_1021, %pack3A_534 : vector<32xbf16>
        %add3A_1023 = arith.addf %add3A_1011, %mul3A_1022 : vector<32xbf16>
        %bitcast3A_1024 = vector.bitcast %gather3A_980 : vector<16xi32> to vector<32xbf16>
        %mul3A_1025 = arith.mulf %bitcast3A_1024, %pack3A_577 : vector<32xbf16>
        %add3A_1026 = arith.addf %add3A_1014, %mul3A_1025 : vector<32xbf16>
        %bitcast3A_1027 = vector.bitcast %gather3A_981 : vector<16xi32> to vector<32xbf16>
        %mul3A_1028 = arith.mulf %bitcast3A_1027, %pack3A_604 : vector<32xbf16>
        %add3A_1029 = arith.addf %add3A_1017, %mul3A_1028 : vector<32xbf16>
        %bitcast3A_1030 = vector.bitcast %gather3A_982 : vector<16xi32> to vector<32xbf16>
        %mul3A_1031 = arith.mulf %bitcast3A_1030, %pack3A_705 : vector<32xbf16>
        %add3A_1032 = arith.addf %add3A_1020, %mul3A_1031 : vector<32xbf16>
        %bitcast3A_1033 = vector.bitcast %gather3A_983 : vector<16xi32> to vector<32xbf16>
        %mul3A_1034 = arith.mulf %bitcast3A_1033, %pack3A_732 : vector<32xbf16>
        %add3A_1035 = arith.addf %add3A_1023, %mul3A_1034 : vector<32xbf16>
        %bitcast3A_1036 = vector.bitcast %gather3A_984 : vector<16xi32> to vector<32xbf16>
        %mul3A_1037 = arith.mulf %bitcast3A_1036, %pack3A_775 : vector<32xbf16>
        %add3A_1038 = arith.addf %add3A_1026, %mul3A_1037 : vector<32xbf16>
        %bitcast3A_1039 = vector.bitcast %gather3A_985 : vector<16xi32> to vector<32xbf16>
        %mul3A_1040 = arith.mulf %bitcast3A_1039, %pack3A_802 : vector<32xbf16>
        %add3A_1041 = arith.addf %add3A_1029, %mul3A_1040 : vector<32xbf16>
        %add3A_1042 = arith.addf %add3A_1032, %add3A_1035 : vector<32xbf16>
        %add3A_1043 = arith.addf %add3A_1038, %add3A_1041 : vector<32xbf16>
        %add3A_1044 = arith.addf %add3A_1042, %add3A_1043 : vector<32xbf16>
        %bitcast3A_1045 = vector.bitcast %add3A_1044 : vector<32xbf16> to vector<16xi32>
        %mul3A_1046 = arith.constant 16 : i32
        %mul3A_1047 = arith.muli %scan3A_22, %mul3A_1046 : i32
        %swap3A_1048 = arith.constant 2 : i32
        %swap3A_1049 = arith.index_cast %swap3A_1048 : i32 to index
        %swap3A_1050 = arith.index_cast %mul3A_1047 : i32 to index
        %swap3A_1051 = tpu.vector_load %arg9[%swap3A_1049, %swap3A_1050] {strides = array<i32>} : memref<16x128xi32, #tpu.memory_space<vmem>>, vector<16xi32>,
        tpu.vector_store %arg9[%swap3A_1049, %swap3A_1050], %bitcast3A_1045 {strides = array<i32>} : memref<16x128xi32, #tpu.memory_space<vmem>>, vector<16xi32>,
        %broadcast_in_dim3A_1052 = arith.constant 3 : i32
        %broadcast_in_dim3A_1053 = vector.broadcast %broadcast_in_dim3A_1052 : i32 to vector<16xi32>
        %gather3A_1054 = tpu.vector_load_idx %arg6[%broadcast_in_dim3A_1053, %add3A_107] : memref<16x4096xi32, #tpu.memory_space<vmem>>[vector<16xi32>, vector<16xi32>], vector<16xi32>,
        %gather3A_1055 = tpu.vector_load_idx %arg6[%broadcast_in_dim3A_1053, %add3A_132] : memref<16x4096xi32, #tpu.memory_space<vmem>>[vector<16xi32>, vector<16xi32>], vector<16xi32>,
        %gather3A_1056 = tpu.vector_load_idx %arg6[%broadcast_in_dim3A_1053, %add3A_175] : memref<16x4096xi32, #tpu.memory_space<vmem>>[vector<16xi32>, vector<16xi32>], vector<16xi32>,
        %gather3A_1057 = tpu.vector_load_idx %arg6[%broadcast_in_dim3A_1053, %add3A_202] : memref<16x4096xi32, #tpu.memory_space<vmem>>[vector<16xi32>, vector<16xi32>], vector<16xi32>,
        %gather3A_1058 = tpu.vector_load_idx %arg6[%broadcast_in_dim3A_1053, %add3A_303] : memref<16x4096xi32, #tpu.memory_space<vmem>>[vector<16xi32>, vector<16xi32>], vector<16xi32>,
        %gather3A_1059 = tpu.vector_load_idx %arg6[%broadcast_in_dim3A_1053, %add3A_330] : memref<16x4096xi32, #tpu.memory_space<vmem>>[vector<16xi32>, vector<16xi32>], vector<16xi32>,
        %gather3A_1060 = tpu.vector_load_idx %arg6[%broadcast_in_dim3A_1053, %add3A_373] : memref<16x4096xi32, #tpu.memory_space<vmem>>[vector<16xi32>, vector<16xi32>], vector<16xi32>,
        %gather3A_1061 = tpu.vector_load_idx %arg6[%broadcast_in_dim3A_1053, %add3A_400] : memref<16x4096xi32, #tpu.memory_space<vmem>>[vector<16xi32>, vector<16xi32>], vector<16xi32>,
        %gather3A_1062 = tpu.vector_load_idx %arg6[%broadcast_in_dim3A_1053, %add3A_501] : memref<16x4096xi32, #tpu.memory_space<vmem>>[vector<16xi32>, vector<16xi32>], vector<16xi32>,
        %gather3A_1063 = tpu.vector_load_idx %arg6[%broadcast_in_dim3A_1053, %add3A_528] : memref<16x4096xi32, #tpu.memory_space<vmem>>[vector<16xi32>, vector<16xi32>], vector<16xi32>,
        %gather3A_1064 = tpu.vector_load_idx %arg6[%broadcast_in_dim3A_1053, %add3A_571] : memref<16x4096xi32, #tpu.memory_space<vmem>>[vector<16xi32>, vector<16xi32>], vector<16xi32>,
        %gather3A_1065 = tpu.vector_load_idx %arg6[%broadcast_in_dim3A_1053, %add3A_598] : memref<16x4096xi32, #tpu.memory_space<vmem>>[vector<16xi32>, vector<16xi32>], vector<16xi32>,
        %gather3A_1066 = tpu.vector_load_idx %arg6[%broadcast_in_dim3A_1053, %add3A_699] : memref<16x4096xi32, #tpu.memory_space<vmem>>[vector<16xi32>, vector<16xi32>], vector<16xi32>,
        %gather3A_1067 = tpu.vector_load_idx %arg6[%broadcast_in_dim3A_1053, %add3A_726] : memref<16x4096xi32, #tpu.memory_space<vmem>>[vector<16xi32>, vector<16xi32>], vector<16xi32>,
        %gather3A_1068 = tpu.vector_load_idx %arg6[%broadcast_in_dim3A_1053, %add3A_769] : memref<16x4096xi32, #tpu.memory_space<vmem>>[vector<16xi32>, vector<16xi32>], vector<16xi32>,
        %gather3A_1069 = tpu.vector_load_idx %arg6[%broadcast_in_dim3A_1053, %add3A_796] : memref<16x4096xi32, #tpu.memory_space<vmem>>[vector<16xi32>, vector<16xi32>], vector<16xi32>,
        %broadcast_in_dim3A_1070 = arith.constant 0.000000e+00 : bf16
        %broadcast_in_dim3A_1071 = vector.broadcast %broadcast_in_dim3A_1070 : bf16 to vector<32xbf16>
        %broadcast_in_dim3A_1072 = arith.constant 0.000000e+00 : bf16
        %broadcast_in_dim3A_1073 = vector.broadcast %broadcast_in_dim3A_1072 : bf16 to vector<32xbf16>
        %broadcast_in_dim3A_1074 = arith.constant 0.000000e+00 : bf16
        %broadcast_in_dim3A_1075 = vector.broadcast %broadcast_in_dim3A_1074 : bf16 to vector<32xbf16>
        %broadcast_in_dim3A_1076 = arith.constant 0.000000e+00 : bf16
        %broadcast_in_dim3A_1077 = vector.broadcast %broadcast_in_dim3A_1076 : bf16 to vector<32xbf16>
        %bitcast3A_1078 = vector.bitcast %gather3A_1054 : vector<16xi32> to vector<32xbf16>
        %mul3A_1079 = arith.mulf %bitcast3A_1078, %pack3A : vector<32xbf16>
        %add3A_1080 = arith.addf %broadcast_in_dim3A_1071, %mul3A_1079 : vector<32xbf16>
        %bitcast3A_1081 = vector.bitcast %gather3A_1055 : vector<16xi32> to vector<32xbf16>
        %mul3A_1082 = arith.mulf %bitcast3A_1081, %pack3A_138 : vector<32xbf16>
        %add3A_1083 = arith.addf %broadcast_in_dim3A_1073, %mul3A_1082 : vector<32xbf16>
        %bitcast3A_1084 = vector.bitcast %gather3A_1056 : vector<16xi32> to vector<32xbf16>
        %mul3A_1085 = arith.mulf %bitcast3A_1084, %pack3A_181 : vector<32xbf16>
        %add3A_1086 = arith.addf %broadcast_in_dim3A_1075, %mul3A_1085 : vector<32xbf16>
        %bitcast3A_1087 = vector.bitcast %gather3A_1057 : vector<16xi32> to vector<32xbf16>
        %mul3A_1088 = arith.mulf %bitcast3A_1087, %pack3A_208 : vector<32xbf16>
        %add3A_1089 = arith.addf %broadcast_in_dim3A_1077, %mul3A_1088 : vector<32xbf16>
        %bitcast3A_1090 = vector.bitcast %gather3A_1058 : vector<16xi32> to vector<32xbf16>
        %mul3A_1091 = arith.mulf %bitcast3A_1090, %pack3A_309 : vector<32xbf16>
        %add3A_1092 = arith.addf %add3A_1080, %mul3A_1091 : vector<32xbf16>
        %bitcast3A_1093 = vector.bitcast %gather3A_1059 : vector<16xi32> to vector<32xbf16>
        %mul3A_1094 = arith.mulf %bitcast3A_1093, %pack3A_336 : vector<32xbf16>
        %add3A_1095 = arith.addf %add3A_1083, %mul3A_1094 : vector<32xbf16>
        %bitcast3A_1096 = vector.bitcast %gather3A_1060 : vector<16xi32> to vector<32xbf16>
        %mul3A_1097 = arith.mulf %bitcast3A_1096, %pack3A_379 : vector<32xbf16>
        %add3A_1098 = arith.addf %add3A_1086, %mul3A_1097 : vector<32xbf16>
        %bitcast3A_1099 = vector.bitcast %gather3A_1061 : vector<16xi32> to vector<32xbf16>
        %mul3A_1100 = arith.mulf %bitcast3A_1099, %pack3A_406 : vector<32xbf16>
        %add3A_1101 = arith.addf %add3A_1089, %mul3A_1100 : vector<32xbf16>
        %bitcast3A_1102 = vector.bitcast %gather3A_1062 : vector<16xi32> to vector<32xbf16>
        %mul3A_1103 = arith.mulf %bitcast3A_1102, %pack3A_507 : vector<32xbf16>
        %add3A_1104 = arith.addf %add3A_1092, %mul3A_1103 : vector<32xbf16>
        %bitcast3A_1105 = vector.bitcast %gather3A_1063 : vector<16xi32> to vector<32xbf16>
        %mul3A_1106 = arith.mulf %bitcast3A_1105, %pack3A_534 : vector<32xbf16>
        %add3A_1107 = arith.addf %add3A_1095, %mul3A_1106 : vector<32xbf16>
        %bitcast3A_1108 = vector.bitcast %gather3A_1064 : vector<16xi32> to vector<32xbf16>
        %mul3A_1109 = arith.mulf %bitcast3A_1108, %pack3A_577 : vector<32xbf16>
        %add3A_1110 = arith.addf %add3A_1098, %mul3A_1109 : vector<32xbf16>
        %bitcast3A_1111 = vector.bitcast %gather3A_1065 : vector<16xi32> to vector<32xbf16>
        %mul3A_1112 = arith.mulf %bitcast3A_1111, %pack3A_604 : vector<32xbf16>
        %add3A_1113 = arith.addf %add3A_1101, %mul3A_1112 : vector<32xbf16>
        %bitcast3A_1114 = vector.bitcast %gather3A_1066 : vector<16xi32> to vector<32xbf16>
        %mul3A_1115 = arith.mulf %bitcast3A_1114, %pack3A_705 : vector<32xbf16>
        %add3A_1116 = arith.addf %add3A_1104, %mul3A_1115 : vector<32xbf16>
        %bitcast3A_1117 = vector.bitcast %gather3A_1067 : vector<16xi32> to vector<32xbf16>
        %mul3A_1118 = arith.mulf %bitcast3A_1117, %pack3A_732 : vector<32xbf16>
        %add3A_1119 = arith.addf %add3A_1107, %mul3A_1118 : vector<32xbf16>
        %bitcast3A_1120 = vector.bitcast %gather3A_1068 : vector<16xi32> to vector<32xbf16>
        %mul3A_1121 = arith.mulf %bitcast3A_1120, %pack3A_775 : vector<32xbf16>
        %add3A_1122 = arith.addf %add3A_1110, %mul3A_1121 : vector<32xbf16>
        %bitcast3A_1123 = vector.bitcast %gather3A_1069 : vector<16xi32> to vector<32xbf16>
        %mul3A_1124 = arith.mulf %bitcast3A_1123, %pack3A_802 : vector<32xbf16>
        %add3A_1125 = arith.addf %add3A_1113, %mul3A_1124 : vector<32xbf16>
        %add3A_1126 = arith.addf %add3A_1116, %add3A_1119 : vector<32xbf16>
        %add3A_1127 = arith.addf %add3A_1122, %add3A_1125 : vector<32xbf16>
        %add3A_1128 = arith.addf %add3A_1126, %add3A_1127 : vector<32xbf16>
        %bitcast3A_1129 = vector.bitcast %add3A_1128 : vector<32xbf16> to vector<16xi32>
        %mul3A_1130 = arith.constant 16 : i32
        %mul3A_1131 = arith.muli %scan3A_22, %mul3A_1130 : i32
        %swap3A_1132 = arith.constant 3 : i32
        %swap3A_1133 = arith.index_cast %swap3A_1132 : i32 to index
        %swap3A_1134 = arith.index_cast %mul3A_1131 : i32 to index
        %swap3A_1135 = tpu.vector_load %arg9[%swap3A_1133, %swap3A_1134] {strides = array<i32>} : memref<16x128xi32, #tpu.memory_space<vmem>>, vector<16xi32>,
        tpu.vector_store %arg9[%swap3A_1133, %swap3A_1134], %bitcast3A_1129 {strides = array<i32>} : memref<16x128xi32, #tpu.memory_space<vmem>>, vector<16xi32>,
        %broadcast_in_dim3A_1136 = arith.constant 4 : i32
        %broadcast_in_dim3A_1137 = vector.broadcast %broadcast_in_dim3A_1136 : i32 to vector<16xi32>
        %gather3A_1138 = tpu.vector_load_idx %arg6[%broadcast_in_dim3A_1137, %add3A_107] : memref<16x4096xi32, #tpu.memory_space<vmem>>[vector<16xi32>, vector<16xi32>], vector<16xi32>,
        %gather3A_1139 = tpu.vector_load_idx %arg6[%broadcast_in_dim3A_1137, %add3A_132] : memref<16x4096xi32, #tpu.memory_space<vmem>>[vector<16xi32>, vector<16xi32>], vector<16xi32>,
        %gather3A_1140 = tpu.vector_load_idx %arg6[%broadcast_in_dim3A_1137, %add3A_175] : memref<16x4096xi32, #tpu.memory_space<vmem>>[vector<16xi32>, vector<16xi32>], vector<16xi32>,
        %gather3A_1141 = tpu.vector_load_idx %arg6[%broadcast_in_dim3A_1137, %add3A_202] : memref<16x4096xi32, #tpu.memory_space<vmem>>[vector<16xi32>, vector<16xi32>], vector<16xi32>,
        %gather3A_1142 = tpu.vector_load_idx %arg6[%broadcast_in_dim3A_1137, %add3A_303] : memref<16x4096xi32, #tpu.memory_space<vmem>>[vector<16xi32>, vector<16xi32>], vector<16xi32>,
        %gather3A_1143 = tpu.vector_load_idx %arg6[%broadcast_in_dim3A_1137, %add3A_330] : memref<16x4096xi32, #tpu.memory_space<vmem>>[vector<16xi32>, vector<16xi32>], vector<16xi32>,
        %gather3A_1144 = tpu.vector_load_idx %arg6[%broadcast_in_dim3A_1137, %add3A_373] : memref<16x4096xi32, #tpu.memory_space<vmem>>[vector<16xi32>, vector<16xi32>], vector<16xi32>,
        %gather3A_1145 = tpu.vector_load_idx %arg6[%broadcast_in_dim3A_1137, %add3A_400] : memref<16x4096xi32, #tpu.memory_space<vmem>>[vector<16xi32>, vector<16xi32>], vector<16xi32>,
        %gather3A_1146 = tpu.vector_load_idx %arg6[%broadcast_in_dim3A_1137, %add3A_501] : memref<16x4096xi32, #tpu.memory_space<vmem>>[vector<16xi32>, vector<16xi32>], vector<16xi32>,
        %gather3A_1147 = tpu.vector_load_idx %arg6[%broadcast_in_dim3A_1137, %add3A_528] : memref<16x4096xi32, #tpu.memory_space<vmem>>[vector<16xi32>, vector<16xi32>], vector<16xi32>,
        %gather3A_1148 = tpu.vector_load_idx %arg6[%broadcast_in_dim3A_1137, %add3A_571] : memref<16x4096xi32, #tpu.memory_space<vmem>>[vector<16xi32>, vector<16xi32>], vector<16xi32>,
        %gather3A_1149 = tpu.vector_load_idx %arg6[%broadcast_in_dim3A_1137, %add3A_598] : memref<16x4096xi32, #tpu.memory_space<vmem>>[vector<16xi32>, vector<16xi32>], vector<16xi32>,
        %gather3A_1150 = tpu.vector_load_idx %arg6[%broadcast_in_dim3A_1137, %add3A_699] : memref<16x4096xi32, #tpu.memory_space<vmem>>[vector<16xi32>, vector<16xi32>], vector<16xi32>,
        %gather3A_1151 = tpu.vector_load_idx %arg6[%broadcast_in_dim3A_1137, %add3A_726] : memref<16x4096xi32, #tpu.memory_space<vmem>>[vector<16xi32>, vector<16xi32>], vector<16xi32>,
        %gather3A_1152 = tpu.vector_load_idx %arg6[%broadcast_in_dim3A_1137, %add3A_769] : memref<16x4096xi32, #tpu.memory_space<vmem>>[vector<16xi32>, vector<16xi32>], vector<16xi32>,
        %gather3A_1153 = tpu.vector_load_idx %arg6[%broadcast_in_dim3A_1137, %add3A_796] : memref<16x4096xi32, #tpu.memory_space<vmem>>[vector<16xi32>, vector<16xi32>], vector<16xi32>,
        %broadcast_in_dim3A_1154 = arith.constant 0.000000e+00 : bf16
        %broadcast_in_dim3A_1155 = vector.broadcast %broadcast_in_dim3A_1154 : bf16 to vector<32xbf16>
        %broadcast_in_dim3A_1156 = arith.constant 0.000000e+00 : bf16
        %broadcast_in_dim3A_1157 = vector.broadcast %broadcast_in_dim3A_1156 : bf16 to vector<32xbf16>
        %broadcast_in_dim3A_1158 = arith.constant 0.000000e+00 : bf16
        %broadcast_in_dim3A_1159 = vector.broadcast %broadcast_in_dim3A_1158 : bf16 to vector<32xbf16>
        %broadcast_in_dim3A_1160 = arith.constant 0.000000e+00 : bf16
        %broadcast_in_dim3A_1161 = vector.broadcast %broadcast_in_dim3A_1160 : bf16 to vector<32xbf16>
        %bitcast3A_1162 = vector.bitcast %gather3A_1138 : vector<16xi32> to vector<32xbf16>
        %mul3A_1163 = arith.mulf %bitcast3A_1162, %pack3A : vector<32xbf16>
        %add3A_1164 = arith.addf %broadcast_in_dim3A_1155, %mul3A_1163 : vector<32xbf16>
        %bitcast3A_1165 = vector.bitcast %gather3A_1139 : vector<16xi32> to vector<32xbf16>
        %mul3A_1166 = arith.mulf %bitcast3A_1165, %pack3A_138 : vector<32xbf16>
        %add3A_1167 = arith.addf %broadcast_in_dim3A_1157, %mul3A_1166 : vector<32xbf16>
        %bitcast3A_1168 = vector.bitcast %gather3A_1140 : vector<16xi32> to vector<32xbf16>
        %mul3A_1169 = arith.mulf %bitcast3A_1168, %pack3A_181 : vector<32xbf16>
        %add3A_1170 = arith.addf %broadcast_in_dim3A_1159, %mul3A_1169 : vector<32xbf16>
        %bitcast3A_1171 = vector.bitcast %gather3A_1141 : vector<16xi32> to vector<32xbf16>
        %mul3A_1172 = arith.mulf %bitcast3A_1171, %pack3A_208 : vector<32xbf16>
        %add3A_1173 = arith.addf %broadcast_in_dim3A_1161, %mul3A_1172 : vector<32xbf16>
        %bitcast3A_1174 = vector.bitcast %gather3A_1142 : vector<16xi32> to vector<32xbf16>
        %mul3A_1175 = arith.mulf %bitcast3A_1174, %pack3A_309 : vector<32xbf16>
        %add3A_1176 = arith.addf %add3A_1164, %mul3A_1175 : vector<32xbf16>
        %bitcast3A_1177 = vector.bitcast %gather3A_1143 : vector<16xi32> to vector<32xbf16>
        %mul3A_1178 = arith.mulf %bitcast3A_1177, %pack3A_336 : vector<32xbf16>
        %add3A_1179 = arith.addf %add3A_1167, %mul3A_1178 : vector<32xbf16>
        %bitcast3A_1180 = vector.bitcast %gather3A_1144 : vector<16xi32> to vector<32xbf16>
        %mul3A_1181 = arith.mulf %bitcast3A_1180, %pack3A_379 : vector<32xbf16>
        %add3A_1182 = arith.addf %add3A_1170, %mul3A_1181 : vector<32xbf16>
        %bitcast3A_1183 = vector.bitcast %gather3A_1145 : vector<16xi32> to vector<32xbf16>
        %mul3A_1184 = arith.mulf %bitcast3A_1183, %pack3A_406 : vector<32xbf16>
        %add3A_1185 = arith.addf %add3A_1173, %mul3A_1184 : vector<32xbf16>
        %bitcast3A_1186 = vector.bitcast %gather3A_1146 : vector<16xi32> to vector<32xbf16>
        %mul3A_1187 = arith.mulf %bitcast3A_1186, %pack3A_507 : vector<32xbf16>
        %add3A_1188 = arith.addf %add3A_1176, %mul3A_1187 : vector<32xbf16>
        %bitcast3A_1189 = vector.bitcast %gather3A_1147 : vector<16xi32> to vector<32xbf16>
        %mul3A_1190 = arith.mulf %bitcast3A_1189, %pack3A_534 : vector<32xbf16>
        %add3A_1191 = arith.addf %add3A_1179, %mul3A_1190 : vector<32xbf16>
        %bitcast3A_1192 = vector.bitcast %gather3A_1148 : vector<16xi32> to vector<32xbf16>
        %mul3A_1193 = arith.mulf %bitcast3A_1192, %pack3A_577 : vector<32xbf16>
        %add3A_1194 = arith.addf %add3A_1182, %mul3A_1193 : vector<32xbf16>
        %bitcast3A_1195 = vector.bitcast %gather3A_1149 : vector<16xi32> to vector<32xbf16>
        %mul3A_1196 = arith.mulf %bitcast3A_1195, %pack3A_604 : vector<32xbf16>
        %add3A_1197 = arith.addf %add3A_1185, %mul3A_1196 : vector<32xbf16>
        %bitcast3A_1198 = vector.bitcast %gather3A_1150 : vector<16xi32> to vector<32xbf16>
        %mul3A_1199 = arith.mulf %bitcast3A_1198, %pack3A_705 : vector<32xbf16>
        %add3A_1200 = arith.addf %add3A_1188, %mul3A_1199 : vector<32xbf16>
        %bitcast3A_1201 = vector.bitcast %gather3A_1151 : vector<16xi32> to vector<32xbf16>
        %mul3A_1202 = arith.mulf %bitcast3A_1201, %pack3A_732 : vector<32xbf16>
        %add3A_1203 = arith.addf %add3A_1191, %mul3A_1202 : vector<32xbf16>
        %bitcast3A_1204 = vector.bitcast %gather3A_1152 : vector<16xi32> to vector<32xbf16>
        %mul3A_1205 = arith.mulf %bitcast3A_1204, %pack3A_775 : vector<32xbf16>
        %add3A_1206 = arith.addf %add3A_1194, %mul3A_1205 : vector<32xbf16>
        %bitcast3A_1207 = vector.bitcast %gather3A_1153 : vector<16xi32> to vector<32xbf16>
        %mul3A_1208 = arith.mulf %bitcast3A_1207, %pack3A_802 : vector<32xbf16>
        %add3A_1209 = arith.addf %add3A_1197, %mul3A_1208 : vector<32xbf16>
        %add3A_1210 = arith.addf %add3A_1200, %add3A_1203 : vector<32xbf16>
        %add3A_1211 = arith.addf %add3A_1206, %add3A_1209 : vector<32xbf16>
        %add3A_1212 = arith.addf %add3A_1210, %add3A_1211 : vector<32xbf16>
        %bitcast3A_1213 = vector.bitcast %add3A_1212 : vector<32xbf16> to vector<16xi32>
        %mul3A_1214 = arith.constant 16 : i32
        %mul3A_1215 = arith.muli %scan3A_22, %mul3A_1214 : i32
        %swap3A_1216 = arith.constant 4 : i32
        %swap3A_1217 = arith.index_cast %swap3A_1216 : i32 to index
        %swap3A_1218 = arith.index_cast %mul3A_1215 : i32 to index
        %swap3A_1219 = tpu.vector_load %arg9[%swap3A_1217, %swap3A_1218] {strides = array<i32>} : memref<16x128xi32, #tpu.memory_space<vmem>>, vector<16xi32>,
        tpu.vector_store %arg9[%swap3A_1217, %swap3A_1218], %bitcast3A_1213 {strides = array<i32>} : memref<16x128xi32, #tpu.memory_space<vmem>>, vector<16xi32>,
        %broadcast_in_dim3A_1220 = arith.constant 5 : i32
        %broadcast_in_dim3A_1221 = vector.broadcast %broadcast_in_dim3A_1220 : i32 to vector<16xi32>
        %gather3A_1222 = tpu.vector_load_idx %arg6[%broadcast_in_dim3A_1221, %add3A_107] : memref<16x4096xi32, #tpu.memory_space<vmem>>[vector<16xi32>, vector<16xi32>], vector<16xi32>,
        %gather3A_1223 = tpu.vector_load_idx %arg6[%broadcast_in_dim3A_1221, %add3A_132] : memref<16x4096xi32, #tpu.memory_space<vmem>>[vector<16xi32>, vector<16xi32>], vector<16xi32>,
        %gather3A_1224 = tpu.vector_load_idx %arg6[%broadcast_in_dim3A_1221, %add3A_175] : memref<16x4096xi32, #tpu.memory_space<vmem>>[vector<16xi32>, vector<16xi32>], vector<16xi32>,
        %gather3A_1225 = tpu.vector_load_idx %arg6[%broadcast_in_dim3A_1221, %add3A_202] : memref<16x4096xi32, #tpu.memory_space<vmem>>[vector<16xi32>, vector<16xi32>], vector<16xi32>,
        %gather3A_1226 = tpu.vector_load_idx %arg6[%broadcast_in_dim3A_1221, %add3A_303] : memref<16x4096xi32, #tpu.memory_space<vmem>>[vector<16xi32>, vector<16xi32>], vector<16xi32>,
        %gather3A_1227 = tpu.vector_load_idx %arg6[%broadcast_in_dim3A_1221, %add3A_330] : memref<16x4096xi32, #tpu.memory_space<vmem>>[vector<16xi32>, vector<16xi32>], vector<16xi32>,
        %gather3A_1228 = tpu.vector_load_idx %arg6[%broadcast_in_dim3A_1221, %add3A_373] : memref<16x4096xi32, #tpu.memory_space<vmem>>[vector<16xi32>, vector<16xi32>], vector<16xi32>,
        %gather3A_1229 = tpu.vector_load_idx %arg6[%broadcast_in_dim3A_1221, %add3A_400] : memref<16x4096xi32, #tpu.memory_space<vmem>>[vector<16xi32>, vector<16xi32>], vector<16xi32>,
        %gather3A_1230 = tpu.vector_load_idx %arg6[%broadcast_in_dim3A_1221, %add3A_501] : memref<16x4096xi32, #tpu.memory_space<vmem>>[vector<16xi32>, vector<16xi32>], vector<16xi32>,
        %gather3A_1231 = tpu.vector_load_idx %arg6[%broadcast_in_dim3A_1221, %add3A_528] : memref<16x4096xi32, #tpu.memory_space<vmem>>[vector<16xi32>, vector<16xi32>], vector<16xi32>,
        %gather3A_1232 = tpu.vector_load_idx %arg6[%broadcast_in_dim3A_1221, %add3A_571] : memref<16x4096xi32, #tpu.memory_space<vmem>>[vector<16xi32>, vector<16xi32>], vector<16xi32>,
        %gather3A_1233 = tpu.vector_load_idx %arg6[%broadcast_in_dim3A_1221, %add3A_598] : memref<16x4096xi32, #tpu.memory_space<vmem>>[vector<16xi32>, vector<16xi32>], vector<16xi32>,
        %gather3A_1234 = tpu.vector_load_idx %arg6[%broadcast_in_dim3A_1221, %add3A_699] : memref<16x4096xi32, #tpu.memory_space<vmem>>[vector<16xi32>, vector<16xi32>], vector<16xi32>,
        %gather3A_1235 = tpu.vector_load_idx %arg6[%broadcast_in_dim3A_1221, %add3A_726] : memref<16x4096xi32, #tpu.memory_space<vmem>>[vector<16xi32>, vector<16xi32>], vector<16xi32>,
        %gather3A_1236 = tpu.vector_load_idx %arg6[%broadcast_in_dim3A_1221, %add3A_769] : memref<16x4096xi32, #tpu.memory_space<vmem>>[vector<16xi32>, vector<16xi32>], vector<16xi32>,
        %gather3A_1237 = tpu.vector_load_idx %arg6[%broadcast_in_dim3A_1221, %add3A_796] : memref<16x4096xi32, #tpu.memory_space<vmem>>[vector<16xi32>, vector<16xi32>], vector<16xi32>,
        %broadcast_in_dim3A_1238 = arith.constant 0.000000e+00 : bf16
        %broadcast_in_dim3A_1239 = vector.broadcast %broadcast_in_dim3A_1238 : bf16 to vector<32xbf16>
        %broadcast_in_dim3A_1240 = arith.constant 0.000000e+00 : bf16
        %broadcast_in_dim3A_1241 = vector.broadcast %broadcast_in_dim3A_1240 : bf16 to vector<32xbf16>
        %broadcast_in_dim3A_1242 = arith.constant 0.000000e+00 : bf16
        %broadcast_in_dim3A_1243 = vector.broadcast %broadcast_in_dim3A_1242 : bf16 to vector<32xbf16>
        %broadcast_in_dim3A_1244 = arith.constant 0.000000e+00 : bf16
        %broadcast_in_dim3A_1245 = vector.broadcast %broadcast_in_dim3A_1244 : bf16 to vector<32xbf16>
        %bitcast3A_1246 = vector.bitcast %gather3A_1222 : vector<16xi32> to vector<32xbf16>
        %mul3A_1247 = arith.mulf %bitcast3A_1246, %pack3A : vector<32xbf16>
        %add3A_1248 = arith.addf %broadcast_in_dim3A_1239, %mul3A_1247 : vector<32xbf16>
        %bitcast3A_1249 = vector.bitcast %gather3A_1223 : vector<16xi32> to vector<32xbf16>
        %mul3A_1250 = arith.mulf %bitcast3A_1249, %pack3A_138 : vector<32xbf16>
        %add3A_1251 = arith.addf %broadcast_in_dim3A_1241, %mul3A_1250 : vector<32xbf16>
        %bitcast3A_1252 = vector.bitcast %gather3A_1224 : vector<16xi32> to vector<32xbf16>
        %mul3A_1253 = arith.mulf %bitcast3A_1252, %pack3A_181 : vector<32xbf16>
        %add3A_1254 = arith.addf %broadcast_in_dim3A_1243, %mul3A_1253 : vector<32xbf16>
        %bitcast3A_1255 = vector.bitcast %gather3A_1225 : vector<16xi32> to vector<32xbf16>
        %mul3A_1256 = arith.mulf %bitcast3A_1255, %pack3A_208 : vector<32xbf16>
        %add3A_1257 = arith.addf %broadcast_in_dim3A_1245, %mul3A_1256 : vector<32xbf16>
        %bitcast3A_1258 = vector.bitcast %gather3A_1226 : vector<16xi32> to vector<32xbf16>
        %mul3A_1259 = arith.mulf %bitcast3A_1258, %pack3A_309 : vector<32xbf16>
        %add3A_1260 = arith.addf %add3A_1248, %mul3A_1259 : vector<32xbf16>
        %bitcast3A_1261 = vector.bitcast %gather3A_1227 : vector<16xi32> to vector<32xbf16>
        %mul3A_1262 = arith.mulf %bitcast3A_1261, %pack3A_336 : vector<32xbf16>
        %add3A_1263 = arith.addf %add3A_1251, %mul3A_1262 : vector<32xbf16>
        %bitcast3A_1264 = vector.bitcast %gather3A_1228 : vector<16xi32> to vector<32xbf16>
        %mul3A_1265 = arith.mulf %bitcast3A_1264, %pack3A_379 : vector<32xbf16>
        %add3A_1266 = arith.addf %add3A_1254, %mul3A_1265 : vector<32xbf16>
        %bitcast3A_1267 = vector.bitcast %gather3A_1229 : vector<16xi32> to vector<32xbf16>
        %mul3A_1268 = arith.mulf %bitcast3A_1267, %pack3A_406 : vector<32xbf16>
        %add3A_1269 = arith.addf %add3A_1257, %mul3A_1268 : vector<32xbf16>
        %bitcast3A_1270 = vector.bitcast %gather3A_1230 : vector<16xi32> to vector<32xbf16>
        %mul3A_1271 = arith.mulf %bitcast3A_1270, %pack3A_507 : vector<32xbf16>
        %add3A_1272 = arith.addf %add3A_1260, %mul3A_1271 : vector<32xbf16>
        %bitcast3A_1273 = vector.bitcast %gather3A_1231 : vector<16xi32> to vector<32xbf16>
        %mul3A_1274 = arith.mulf %bitcast3A_1273, %pack3A_534 : vector<32xbf16>
        %add3A_1275 = arith.addf %add3A_1263, %mul3A_1274 : vector<32xbf16>
        %bitcast3A_1276 = vector.bitcast %gather3A_1232 : vector<16xi32> to vector<32xbf16>
        %mul3A_1277 = arith.mulf %bitcast3A_1276, %pack3A_577 : vector<32xbf16>
        %add3A_1278 = arith.addf %add3A_1266, %mul3A_1277 : vector<32xbf16>
        %bitcast3A_1279 = vector.bitcast %gather3A_1233 : vector<16xi32> to vector<32xbf16>
        %mul3A_1280 = arith.mulf %bitcast3A_1279, %pack3A_604 : vector<32xbf16>
        %add3A_1281 = arith.addf %add3A_1269, %mul3A_1280 : vector<32xbf16>
        %bitcast3A_1282 = vector.bitcast %gather3A_1234 : vector<16xi32> to vector<32xbf16>
        %mul3A_1283 = arith.mulf %bitcast3A_1282, %pack3A_705 : vector<32xbf16>
        %add3A_1284 = arith.addf %add3A_1272, %mul3A_1283 : vector<32xbf16>
        %bitcast3A_1285 = vector.bitcast %gather3A_1235 : vector<16xi32> to vector<32xbf16>
        %mul3A_1286 = arith.mulf %bitcast3A_1285, %pack3A_732 : vector<32xbf16>
        %add3A_1287 = arith.addf %add3A_1275, %mul3A_1286 : vector<32xbf16>
        %bitcast3A_1288 = vector.bitcast %gather3A_1236 : vector<16xi32> to vector<32xbf16>
        %mul3A_1289 = arith.mulf %bitcast3A_1288, %pack3A_775 : vector<32xbf16>
        %add3A_1290 = arith.addf %add3A_1278, %mul3A_1289 : vector<32xbf16>
        %bitcast3A_1291 = vector.bitcast %gather3A_1237 : vector<16xi32> to vector<32xbf16>
        %mul3A_1292 = arith.mulf %bitcast3A_1291, %pack3A_802 : vector<32xbf16>
        %add3A_1293 = arith.addf %add3A_1281, %mul3A_1292 : vector<32xbf16>
        %add3A_1294 = arith.addf %add3A_1284, %add3A_1287 : vector<32xbf16>
        %add3A_1295 = arith.addf %add3A_1290, %add3A_1293 : vector<32xbf16>
        %add3A_1296 = arith.addf %add3A_1294, %add3A_1295 : vector<32xbf16>
        %bitcast3A_1297 = vector.bitcast %add3A_1296 : vector<32xbf16> to vector<16xi32>
        %mul3A_1298 = arith.constant 16 : i32
        %mul3A_1299 = arith.muli %scan3A_22, %mul3A_1298 : i32
        %swap3A_1300 = arith.constant 5 : i32
        %swap3A_1301 = arith.index_cast %swap3A_1300 : i32 to index
        %swap3A_1302 = arith.index_cast %mul3A_1299 : i32 to index
        %swap3A_1303 = tpu.vector_load %arg9[%swap3A_1301, %swap3A_1302] {strides = array<i32>} : memref<16x128xi32, #tpu.memory_space<vmem>>, vector<16xi32>,
        tpu.vector_store %arg9[%swap3A_1301, %swap3A_1302], %bitcast3A_1297 {strides = array<i32>} : memref<16x128xi32, #tpu.memory_space<vmem>>, vector<16xi32>,
        %broadcast_in_dim3A_1304 = arith.constant 6 : i32
        %broadcast_in_dim3A_1305 = vector.broadcast %broadcast_in_dim3A_1304 : i32 to vector<16xi32>
        %gather3A_1306 = tpu.vector_load_idx %arg6[%broadcast_in_dim3A_1305, %add3A_107] : memref<16x4096xi32, #tpu.memory_space<vmem>>[vector<16xi32>, vector<16xi32>], vector<16xi32>,
        %gather3A_1307 = tpu.vector_load_idx %arg6[%broadcast_in_dim3A_1305, %add3A_132] : memref<16x4096xi32, #tpu.memory_space<vmem>>[vector<16xi32>, vector<16xi32>], vector<16xi32>,
        %gather3A_1308 = tpu.vector_load_idx %arg6[%broadcast_in_dim3A_1305, %add3A_175] : memref<16x4096xi32, #tpu.memory_space<vmem>>[vector<16xi32>, vector<16xi32>], vector<16xi32>,
        %gather3A_1309 = tpu.vector_load_idx %arg6[%broadcast_in_dim3A_1305, %add3A_202] : memref<16x4096xi32, #tpu.memory_space<vmem>>[vector<16xi32>, vector<16xi32>], vector<16xi32>,
        %gather3A_1310 = tpu.vector_load_idx %arg6[%broadcast_in_dim3A_1305, %add3A_303] : memref<16x4096xi32, #tpu.memory_space<vmem>>[vector<16xi32>, vector<16xi32>], vector<16xi32>,
        %gather3A_1311 = tpu.vector_load_idx %arg6[%broadcast_in_dim3A_1305, %add3A_330] : memref<16x4096xi32, #tpu.memory_space<vmem>>[vector<16xi32>, vector<16xi32>], vector<16xi32>,
        %gather3A_1312 = tpu.vector_load_idx %arg6[%broadcast_in_dim3A_1305, %add3A_373] : memref<16x4096xi32, #tpu.memory_space<vmem>>[vector<16xi32>, vector<16xi32>], vector<16xi32>,
        %gather3A_1313 = tpu.vector_load_idx %arg6[%broadcast_in_dim3A_1305, %add3A_400] : memref<16x4096xi32, #tpu.memory_space<vmem>>[vector<16xi32>, vector<16xi32>], vector<16xi32>,
        %gather3A_1314 = tpu.vector_load_idx %arg6[%broadcast_in_dim3A_1305, %add3A_501] : memref<16x4096xi32, #tpu.memory_space<vmem>>[vector<16xi32>, vector<16xi32>], vector<16xi32>,
        %gather3A_1315 = tpu.vector_load_idx %arg6[%broadcast_in_dim3A_1305, %add3A_528] : memref<16x4096xi32, #tpu.memory_space<vmem>>[vector<16xi32>, vector<16xi32>], vector<16xi32>,
        %gather3A_1316 = tpu.vector_load_idx %arg6[%broadcast_in_dim3A_1305, %add3A_571] : memref<16x4096xi32, #tpu.memory_space<vmem>>[vector<16xi32>, vector<16xi32>], vector<16xi32>,
        %gather3A_1317 = tpu.vector_load_idx %arg6[%broadcast_in_dim3A_1305, %add3A_598] : memref<16x4096xi32, #tpu.memory_space<vmem>>[vector<16xi32>, vector<16xi32>], vector<16xi32>,
        %gather3A_1318 = tpu.vector_load_idx %arg6[%broadcast_in_dim3A_1305, %add3A_699] : memref<16x4096xi32, #tpu.memory_space<vmem>>[vector<16xi32>, vector<16xi32>], vector<16xi32>,
        %gather3A_1319 = tpu.vector_load_idx %arg6[%broadcast_in_dim3A_1305, %add3A_726] : memref<16x4096xi32, #tpu.memory_space<vmem>>[vector<16xi32>, vector<16xi32>], vector<16xi32>,
        %gather3A_1320 = tpu.vector_load_idx %arg6[%broadcast_in_dim3A_1305, %add3A_769] : memref<16x4096xi32, #tpu.memory_space<vmem>>[vector<16xi32>, vector<16xi32>], vector<16xi32>,
        %gather3A_1321 = tpu.vector_load_idx %arg6[%broadcast_in_dim3A_1305, %add3A_796] : memref<16x4096xi32, #tpu.memory_space<vmem>>[vector<16xi32>, vector<16xi32>], vector<16xi32>,
        %broadcast_in_dim3A_1322 = arith.constant 0.000000e+00 : bf16
        %broadcast_in_dim3A_1323 = vector.broadcast %broadcast_in_dim3A_1322 : bf16 to vector<32xbf16>
        %broadcast_in_dim3A_1324 = arith.constant 0.000000e+00 : bf16
        %broadcast_in_dim3A_1325 = vector.broadcast %broadcast_in_dim3A_1324 : bf16 to vector<32xbf16>
        %broadcast_in_dim3A_1326 = arith.constant 0.000000e+00 : bf16
        %broadcast_in_dim3A_1327 = vector.broadcast %broadcast_in_dim3A_1326 : bf16 to vector<32xbf16>
        %broadcast_in_dim3A_1328 = arith.constant 0.000000e+00 : bf16
        %broadcast_in_dim3A_1329 = vector.broadcast %broadcast_in_dim3A_1328 : bf16 to vector<32xbf16>
        %bitcast3A_1330 = vector.bitcast %gather3A_1306 : vector<16xi32> to vector<32xbf16>
        %mul3A_1331 = arith.mulf %bitcast3A_1330, %pack3A : vector<32xbf16>
        %add3A_1332 = arith.addf %broadcast_in_dim3A_1323, %mul3A_1331 : vector<32xbf16>
        %bitcast3A_1333 = vector.bitcast %gather3A_1307 : vector<16xi32> to vector<32xbf16>
        %mul3A_1334 = arith.mulf %bitcast3A_1333, %pack3A_138 : vector<32xbf16>
        %add3A_1335 = arith.addf %broadcast_in_dim3A_1325, %mul3A_1334 : vector<32xbf16>
        %bitcast3A_1336 = vector.bitcast %gather3A_1308 : vector<16xi32> to vector<32xbf16>
        %mul3A_1337 = arith.mulf %bitcast3A_1336, %pack3A_181 : vector<32xbf16>
        %add3A_1338 = arith.addf %broadcast_in_dim3A_1327, %mul3A_1337 : vector<32xbf16>
        %bitcast3A_1339 = vector.bitcast %gather3A_1309 : vector<16xi32> to vector<32xbf16>
        %mul3A_1340 = arith.mulf %bitcast3A_1339, %pack3A_208 : vector<32xbf16>
        %add3A_1341 = arith.addf %broadcast_in_dim3A_1329, %mul3A_1340 : vector<32xbf16>
        %bitcast3A_1342 = vector.bitcast %gather3A_1310 : vector<16xi32> to vector<32xbf16>
        %mul3A_1343 = arith.mulf %bitcast3A_1342, %pack3A_309 : vector<32xbf16>
        %add3A_1344 = arith.addf %add3A_1332, %mul3A_1343 : vector<32xbf16>
        %bitcast3A_1345 = vector.bitcast %gather3A_1311 : vector<16xi32> to vector<32xbf16>
        %mul3A_1346 = arith.mulf %bitcast3A_1345, %pack3A_336 : vector<32xbf16>
        %add3A_1347 = arith.addf %add3A_1335, %mul3A_1346 : vector<32xbf16>
        %bitcast3A_1348 = vector.bitcast %gather3A_1312 : vector<16xi32> to vector<32xbf16>
        %mul3A_1349 = arith.mulf %bitcast3A_1348, %pack3A_379 : vector<32xbf16>
        %add3A_1350 = arith.addf %add3A_1338, %mul3A_1349 : vector<32xbf16>
        %bitcast3A_1351 = vector.bitcast %gather3A_1313 : vector<16xi32> to vector<32xbf16>
        %mul3A_1352 = arith.mulf %bitcast3A_1351, %pack3A_406 : vector<32xbf16>
        %add3A_1353 = arith.addf %add3A_1341, %mul3A_1352 : vector<32xbf16>
        %bitcast3A_1354 = vector.bitcast %gather3A_1314 : vector<16xi32> to vector<32xbf16>
        %mul3A_1355 = arith.mulf %bitcast3A_1354, %pack3A_507 : vector<32xbf16>
        %add3A_1356 = arith.addf %add3A_1344, %mul3A_1355 : vector<32xbf16>
        %bitcast3A_1357 = vector.bitcast %gather3A_1315 : vector<16xi32> to vector<32xbf16>
        %mul3A_1358 = arith.mulf %bitcast3A_1357, %pack3A_534 : vector<32xbf16>
        %add3A_1359 = arith.addf %add3A_1347, %mul3A_1358 : vector<32xbf16>
        %bitcast3A_1360 = vector.bitcast %gather3A_1316 : vector<16xi32> to vector<32xbf16>
        %mul3A_1361 = arith.mulf %bitcast3A_1360, %pack3A_577 : vector<32xbf16>
        %add3A_1362 = arith.addf %add3A_1350, %mul3A_1361 : vector<32xbf16>
        %bitcast3A_1363 = vector.bitcast %gather3A_1317 : vector<16xi32> to vector<32xbf16>
        %mul3A_1364 = arith.mulf %bitcast3A_1363, %pack3A_604 : vector<32xbf16>
        %add3A_1365 = arith.addf %add3A_1353, %mul3A_1364 : vector<32xbf16>
        %bitcast3A_1366 = vector.bitcast %gather3A_1318 : vector<16xi32> to vector<32xbf16>
        %mul3A_1367 = arith.mulf %bitcast3A_1366, %pack3A_705 : vector<32xbf16>
        %add3A_1368 = arith.addf %add3A_1356, %mul3A_1367 : vector<32xbf16>
        %bitcast3A_1369 = vector.bitcast %gather3A_1319 : vector<16xi32> to vector<32xbf16>
        %mul3A_1370 = arith.mulf %bitcast3A_1369, %pack3A_732 : vector<32xbf16>
        %add3A_1371 = arith.addf %add3A_1359, %mul3A_1370 : vector<32xbf16>
        %bitcast3A_1372 = vector.bitcast %gather3A_1320 : vector<16xi32> to vector<32xbf16>
        %mul3A_1373 = arith.mulf %bitcast3A_1372, %pack3A_775 : vector<32xbf16>
        %add3A_1374 = arith.addf %add3A_1362, %mul3A_1373 : vector<32xbf16>
        %bitcast3A_1375 = vector.bitcast %gather3A_1321 : vector<16xi32> to vector<32xbf16>
        %mul3A_1376 = arith.mulf %bitcast3A_1375, %pack3A_802 : vector<32xbf16>
        %add3A_1377 = arith.addf %add3A_1365, %mul3A_1376 : vector<32xbf16>
        %add3A_1378 = arith.addf %add3A_1368, %add3A_1371 : vector<32xbf16>
        %add3A_1379 = arith.addf %add3A_1374, %add3A_1377 : vector<32xbf16>
        %add3A_1380 = arith.addf %add3A_1378, %add3A_1379 : vector<32xbf16>
        %bitcast3A_1381 = vector.bitcast %add3A_1380 : vector<32xbf16> to vector<16xi32>
        %mul3A_1382 = arith.constant 16 : i32
        %mul3A_1383 = arith.muli %scan3A_22, %mul3A_1382 : i32
        %swap3A_1384 = arith.constant 6 : i32
        %swap3A_1385 = arith.index_cast %swap3A_1384 : i32 to index
        %swap3A_1386 = arith.index_cast %mul3A_1383 : i32 to index
        %swap3A_1387 = tpu.vector_load %arg9[%swap3A_1385, %swap3A_1386] {strides = array<i32>} : memref<16x128xi32, #tpu.memory_space<vmem>>, vector<16xi32>,
        tpu.vector_store %arg9[%swap3A_1385, %swap3A_1386], %bitcast3A_1381 {strides = array<i32>} : memref<16x128xi32, #tpu.memory_space<vmem>>, vector<16xi32>,
        %broadcast_in_dim3A_1388 = arith.constant 7 : i32
        %broadcast_in_dim3A_1389 = vector.broadcast %broadcast_in_dim3A_1388 : i32 to vector<16xi32>
        %gather3A_1390 = tpu.vector_load_idx %arg6[%broadcast_in_dim3A_1389, %add3A_107] : memref<16x4096xi32, #tpu.memory_space<vmem>>[vector<16xi32>, vector<16xi32>], vector<16xi32>,
        %gather3A_1391 = tpu.vector_load_idx %arg6[%broadcast_in_dim3A_1389, %add3A_132] : memref<16x4096xi32, #tpu.memory_space<vmem>>[vector<16xi32>, vector<16xi32>], vector<16xi32>,
        %gather3A_1392 = tpu.vector_load_idx %arg6[%broadcast_in_dim3A_1389, %add3A_175] : memref<16x4096xi32, #tpu.memory_space<vmem>>[vector<16xi32>, vector<16xi32>], vector<16xi32>,
        %gather3A_1393 = tpu.vector_load_idx %arg6[%broadcast_in_dim3A_1389, %add3A_202] : memref<16x4096xi32, #tpu.memory_space<vmem>>[vector<16xi32>, vector<16xi32>], vector<16xi32>,
        %gather3A_1394 = tpu.vector_load_idx %arg6[%broadcast_in_dim3A_1389, %add3A_303] : memref<16x4096xi32, #tpu.memory_space<vmem>>[vector<16xi32>, vector<16xi32>], vector<16xi32>,
        %gather3A_1395 = tpu.vector_load_idx %arg6[%broadcast_in_dim3A_1389, %add3A_330] : memref<16x4096xi32, #tpu.memory_space<vmem>>[vector<16xi32>, vector<16xi32>], vector<16xi32>,
        %gather3A_1396 = tpu.vector_load_idx %arg6[%broadcast_in_dim3A_1389, %add3A_373] : memref<16x4096xi32, #tpu.memory_space<vmem>>[vector<16xi32>, vector<16xi32>], vector<16xi32>,
        %gather3A_1397 = tpu.vector_load_idx %arg6[%broadcast_in_dim3A_1389, %add3A_400] : memref<16x4096xi32, #tpu.memory_space<vmem>>[vector<16xi32>, vector<16xi32>], vector<16xi32>,
        %gather3A_1398 = tpu.vector_load_idx %arg6[%broadcast_in_dim3A_1389, %add3A_501] : memref<16x4096xi32, #tpu.memory_space<vmem>>[vector<16xi32>, vector<16xi32>], vector<16xi32>,
        %gather3A_1399 = tpu.vector_load_idx %arg6[%broadcast_in_dim3A_1389, %add3A_528] : memref<16x4096xi32, #tpu.memory_space<vmem>>[vector<16xi32>, vector<16xi32>], vector<16xi32>,
        %gather3A_1400 = tpu.vector_load_idx %arg6[%broadcast_in_dim3A_1389, %add3A_571] : memref<16x4096xi32, #tpu.memory_space<vmem>>[vector<16xi32>, vector<16xi32>], vector<16xi32>,
        %gather3A_1401 = tpu.vector_load_idx %arg6[%broadcast_in_dim3A_1389, %add3A_598] : memref<16x4096xi32, #tpu.memory_space<vmem>>[vector<16xi32>, vector<16xi32>], vector<16xi32>,
        %gather3A_1402 = tpu.vector_load_idx %arg6[%broadcast_in_dim3A_1389, %add3A_699] : memref<16x4096xi32, #tpu.memory_space<vmem>>[vector<16xi32>, vector<16xi32>], vector<16xi32>,
        %gather3A_1403 = tpu.vector_load_idx %arg6[%broadcast_in_dim3A_1389, %add3A_726] : memref<16x4096xi32, #tpu.memory_space<vmem>>[vector<16xi32>, vector<16xi32>], vector<16xi32>,
        %gather3A_1404 = tpu.vector_load_idx %arg6[%broadcast_in_dim3A_1389, %add3A_769] : memref<16x4096xi32, #tpu.memory_space<vmem>>[vector<16xi32>, vector<16xi32>], vector<16xi32>,
        %gather3A_1405 = tpu.vector_load_idx %arg6[%broadcast_in_dim3A_1389, %add3A_796] : memref<16x4096xi32, #tpu.memory_space<vmem>>[vector<16xi32>, vector<16xi32>], vector<16xi32>,
        %broadcast_in_dim3A_1406 = arith.constant 0.000000e+00 : bf16
        %broadcast_in_dim3A_1407 = vector.broadcast %broadcast_in_dim3A_1406 : bf16 to vector<32xbf16>
        %broadcast_in_dim3A_1408 = arith.constant 0.000000e+00 : bf16
        %broadcast_in_dim3A_1409 = vector.broadcast %broadcast_in_dim3A_1408 : bf16 to vector<32xbf16>
        %broadcast_in_dim3A_1410 = arith.constant 0.000000e+00 : bf16
        %broadcast_in_dim3A_1411 = vector.broadcast %broadcast_in_dim3A_1410 : bf16 to vector<32xbf16>
        %broadcast_in_dim3A_1412 = arith.constant 0.000000e+00 : bf16
        %broadcast_in_dim3A_1413 = vector.broadcast %broadcast_in_dim3A_1412 : bf16 to vector<32xbf16>
        %bitcast3A_1414 = vector.bitcast %gather3A_1390 : vector<16xi32> to vector<32xbf16>
        %mul3A_1415 = arith.mulf %bitcast3A_1414, %pack3A : vector<32xbf16>
        %add3A_1416 = arith.addf %broadcast_in_dim3A_1407, %mul3A_1415 : vector<32xbf16>
        %bitcast3A_1417 = vector.bitcast %gather3A_1391 : vector<16xi32> to vector<32xbf16>
        %mul3A_1418 = arith.mulf %bitcast3A_1417, %pack3A_138 : vector<32xbf16>
        %add3A_1419 = arith.addf %broadcast_in_dim3A_1409, %mul3A_1418 : vector<32xbf16>
        %bitcast3A_1420 = vector.bitcast %gather3A_1392 : vector<16xi32> to vector<32xbf16>
        %mul3A_1421 = arith.mulf %bitcast3A_1420, %pack3A_181 : vector<32xbf16>
        %add3A_1422 = arith.addf %broadcast_in_dim3A_1411, %mul3A_1421 : vector<32xbf16>
        %bitcast3A_1423 = vector.bitcast %gather3A_1393 : vector<16xi32> to vector<32xbf16>
        %mul3A_1424 = arith.mulf %bitcast3A_1423, %pack3A_208 : vector<32xbf16>
        %add3A_1425 = arith.addf %broadcast_in_dim3A_1413, %mul3A_1424 : vector<32xbf16>
        %bitcast3A_1426 = vector.bitcast %gather3A_1394 : vector<16xi32> to vector<32xbf16>
        %mul3A_1427 = arith.mulf %bitcast3A_1426, %pack3A_309 : vector<32xbf16>
        %add3A_1428 = arith.addf %add3A_1416, %mul3A_1427 : vector<32xbf16>
        %bitcast3A_1429 = vector.bitcast %gather3A_1395 : vector<16xi32> to vector<32xbf16>
        %mul3A_1430 = arith.mulf %bitcast3A_1429, %pack3A_336 : vector<32xbf16>
        %add3A_1431 = arith.addf %add3A_1419, %mul3A_1430 : vector<32xbf16>
        %bitcast3A_1432 = vector.bitcast %gather3A_1396 : vector<16xi32> to vector<32xbf16>
        %mul3A_1433 = arith.mulf %bitcast3A_1432, %pack3A_379 : vector<32xbf16>
        %add3A_1434 = arith.addf %add3A_1422, %mul3A_1433 : vector<32xbf16>
        %bitcast3A_1435 = vector.bitcast %gather3A_1397 : vector<16xi32> to vector<32xbf16>
        %mul3A_1436 = arith.mulf %bitcast3A_1435, %pack3A_406 : vector<32xbf16>
        %add3A_1437 = arith.addf %add3A_1425, %mul3A_1436 : vector<32xbf16>
        %bitcast3A_1438 = vector.bitcast %gather3A_1398 : vector<16xi32> to vector<32xbf16>
        %mul3A_1439 = arith.mulf %bitcast3A_1438, %pack3A_507 : vector<32xbf16>
        %add3A_1440 = arith.addf %add3A_1428, %mul3A_1439 : vector<32xbf16>
        %bitcast3A_1441 = vector.bitcast %gather3A_1399 : vector<16xi32> to vector<32xbf16>
        %mul3A_1442 = arith.mulf %bitcast3A_1441, %pack3A_534 : vector<32xbf16>
        %add3A_1443 = arith.addf %add3A_1431, %mul3A_1442 : vector<32xbf16>
        %bitcast3A_1444 = vector.bitcast %gather3A_1400 : vector<16xi32> to vector<32xbf16>
        %mul3A_1445 = arith.mulf %bitcast3A_1444, %pack3A_577 : vector<32xbf16>
        %add3A_1446 = arith.addf %add3A_1434, %mul3A_1445 : vector<32xbf16>
        %bitcast3A_1447 = vector.bitcast %gather3A_1401 : vector<16xi32> to vector<32xbf16>
        %mul3A_1448 = arith.mulf %bitcast3A_1447, %pack3A_604 : vector<32xbf16>
        %add3A_1449 = arith.addf %add3A_1437, %mul3A_1448 : vector<32xbf16>
        %bitcast3A_1450 = vector.bitcast %gather3A_1402 : vector<16xi32> to vector<32xbf16>
        %mul3A_1451 = arith.mulf %bitcast3A_1450, %pack3A_705 : vector<32xbf16>
        %add3A_1452 = arith.addf %add3A_1440, %mul3A_1451 : vector<32xbf16>
        %bitcast3A_1453 = vector.bitcast %gather3A_1403 : vector<16xi32> to vector<32xbf16>
        %mul3A_1454 = arith.mulf %bitcast3A_1453, %pack3A_732 : vector<32xbf16>
        %add3A_1455 = arith.addf %add3A_1443, %mul3A_1454 : vector<32xbf16>
        %bitcast3A_1456 = vector.bitcast %gather3A_1404 : vector<16xi32> to vector<32xbf16>
        %mul3A_1457 = arith.mulf %bitcast3A_1456, %pack3A_775 : vector<32xbf16>
        %add3A_1458 = arith.addf %add3A_1446, %mul3A_1457 : vector<32xbf16>
        %bitcast3A_1459 = vector.bitcast %gather3A_1405 : vector<16xi32> to vector<32xbf16>
        %mul3A_1460 = arith.mulf %bitcast3A_1459, %pack3A_802 : vector<32xbf16>
        %add3A_1461 = arith.addf %add3A_1449, %mul3A_1460 : vector<32xbf16>
        %add3A_1462 = arith.addf %add3A_1452, %add3A_1455 : vector<32xbf16>
        %add3A_1463 = arith.addf %add3A_1458, %add3A_1461 : vector<32xbf16>
        %add3A_1464 = arith.addf %add3A_1462, %add3A_1463 : vector<32xbf16>
        %bitcast3A_1465 = vector.bitcast %add3A_1464 : vector<32xbf16> to vector<16xi32>
        %mul3A_1466 = arith.constant 16 : i32
        %mul3A_1467 = arith.muli %scan3A_22, %mul3A_1466 : i32
        %swap3A_1468 = arith.constant 7 : i32
        %swap3A_1469 = arith.index_cast %swap3A_1468 : i32 to index
        %swap3A_1470 = arith.index_cast %mul3A_1467 : i32 to index
        %swap3A_1471 = tpu.vector_load %arg9[%swap3A_1469, %swap3A_1470] {strides = array<i32>} : memref<16x128xi32, #tpu.memory_space<vmem>>, vector<16xi32>,
        tpu.vector_store %arg9[%swap3A_1469, %swap3A_1470], %bitcast3A_1465 {strides = array<i32>} : memref<16x128xi32, #tpu.memory_space<vmem>>, vector<16xi32>,
        %broadcast_in_dim3A_1472 = arith.constant 8 : i32
        %broadcast_in_dim3A_1473 = vector.broadcast %broadcast_in_dim3A_1472 : i32 to vector<16xi32>
        %gather3A_1474 = tpu.vector_load_idx %arg6[%broadcast_in_dim3A_1473, %add3A_107] : memref<16x4096xi32, #tpu.memory_space<vmem>>[vector<16xi32>, vector<16xi32>], vector<16xi32>,
        %gather3A_1475 = tpu.vector_load_idx %arg6[%broadcast_in_dim3A_1473, %add3A_132] : memref<16x4096xi32, #tpu.memory_space<vmem>>[vector<16xi32>, vector<16xi32>], vector<16xi32>,
        %gather3A_1476 = tpu.vector_load_idx %arg6[%broadcast_in_dim3A_1473, %add3A_175] : memref<16x4096xi32, #tpu.memory_space<vmem>>[vector<16xi32>, vector<16xi32>], vector<16xi32>,
        %gather3A_1477 = tpu.vector_load_idx %arg6[%broadcast_in_dim3A_1473, %add3A_202] : memref<16x4096xi32, #tpu.memory_space<vmem>>[vector<16xi32>, vector<16xi32>], vector<16xi32>,
        %gather3A_1478 = tpu.vector_load_idx %arg6[%broadcast_in_dim3A_1473, %add3A_303] : memref<16x4096xi32, #tpu.memory_space<vmem>>[vector<16xi32>, vector<16xi32>], vector<16xi32>,
        %gather3A_1479 = tpu.vector_load_idx %arg6[%broadcast_in_dim3A_1473, %add3A_330] : memref<16x4096xi32, #tpu.memory_space<vmem>>[vector<16xi32>, vector<16xi32>], vector<16xi32>,
        %gather3A_1480 = tpu.vector_load_idx %arg6[%broadcast_in_dim3A_1473, %add3A_373] : memref<16x4096xi32, #tpu.memory_space<vmem>>[vector<16xi32>, vector<16xi32>], vector<16xi32>,
        %gather3A_1481 = tpu.vector_load_idx %arg6[%broadcast_in_dim3A_1473, %add3A_400] : memref<16x4096xi32, #tpu.memory_space<vmem>>[vector<16xi32>, vector<16xi32>], vector<16xi32>,
        %gather3A_1482 = tpu.vector_load_idx %arg6[%broadcast_in_dim3A_1473, %add3A_501] : memref<16x4096xi32, #tpu.memory_space<vmem>>[vector<16xi32>, vector<16xi32>], vector<16xi32>,
        %gather3A_1483 = tpu.vector_load_idx %arg6[%broadcast_in_dim3A_1473, %add3A_528] : memref<16x4096xi32, #tpu.memory_space<vmem>>[vector<16xi32>, vector<16xi32>], vector<16xi32>,
        %gather3A_1484 = tpu.vector_load_idx %arg6[%broadcast_in_dim3A_1473, %add3A_571] : memref<16x4096xi32, #tpu.memory_space<vmem>>[vector<16xi32>, vector<16xi32>], vector<16xi32>,
        %gather3A_1485 = tpu.vector_load_idx %arg6[%broadcast_in_dim3A_1473, %add3A_598] : memref<16x4096xi32, #tpu.memory_space<vmem>>[vector<16xi32>, vector<16xi32>], vector<16xi32>,
        %gather3A_1486 = tpu.vector_load_idx %arg6[%broadcast_in_dim3A_1473, %add3A_699] : memref<16x4096xi32, #tpu.memory_space<vmem>>[vector<16xi32>, vector<16xi32>], vector<16xi32>,
        %gather3A_1487 = tpu.vector_load_idx %arg6[%broadcast_in_dim3A_1473, %add3A_726] : memref<16x4096xi32, #tpu.memory_space<vmem>>[vector<16xi32>, vector<16xi32>], vector<16xi32>,
        %gather3A_1488 = tpu.vector_load_idx %arg6[%broadcast_in_dim3A_1473, %add3A_769] : memref<16x4096xi32, #tpu.memory_space<vmem>>[vector<16xi32>, vector<16xi32>], vector<16xi32>,
        %gather3A_1489 = tpu.vector_load_idx %arg6[%broadcast_in_dim3A_1473, %add3A_796] : memref<16x4096xi32, #tpu.memory_space<vmem>>[vector<16xi32>, vector<16xi32>], vector<16xi32>,
        %broadcast_in_dim3A_1490 = arith.constant 0.000000e+00 : bf16
        %broadcast_in_dim3A_1491 = vector.broadcast %broadcast_in_dim3A_1490 : bf16 to vector<32xbf16>
        %broadcast_in_dim3A_1492 = arith.constant 0.000000e+00 : bf16
        %broadcast_in_dim3A_1493 = vector.broadcast %broadcast_in_dim3A_1492 : bf16 to vector<32xbf16>
        %broadcast_in_dim3A_1494 = arith.constant 0.000000e+00 : bf16
        %broadcast_in_dim3A_1495 = vector.broadcast %broadcast_in_dim3A_1494 : bf16 to vector<32xbf16>
        %broadcast_in_dim3A_1496 = arith.constant 0.000000e+00 : bf16
        %broadcast_in_dim3A_1497 = vector.broadcast %broadcast_in_dim3A_1496 : bf16 to vector<32xbf16>
        %bitcast3A_1498 = vector.bitcast %gather3A_1474 : vector<16xi32> to vector<32xbf16>
        %mul3A_1499 = arith.mulf %bitcast3A_1498, %pack3A : vector<32xbf16>
        %add3A_1500 = arith.addf %broadcast_in_dim3A_1491, %mul3A_1499 : vector<32xbf16>
        %bitcast3A_1501 = vector.bitcast %gather3A_1475 : vector<16xi32> to vector<32xbf16>
        %mul3A_1502 = arith.mulf %bitcast3A_1501, %pack3A_138 : vector<32xbf16>
        %add3A_1503 = arith.addf %broadcast_in_dim3A_1493, %mul3A_1502 : vector<32xbf16>
        %bitcast3A_1504 = vector.bitcast %gather3A_1476 : vector<16xi32> to vector<32xbf16>
        %mul3A_1505 = arith.mulf %bitcast3A_1504, %pack3A_181 : vector<32xbf16>
        %add3A_1506 = arith.addf %broadcast_in_dim3A_1495, %mul3A_1505 : vector<32xbf16>
        %bitcast3A_1507 = vector.bitcast %gather3A_1477 : vector<16xi32> to vector<32xbf16>
        %mul3A_1508 = arith.mulf %bitcast3A_1507, %pack3A_208 : vector<32xbf16>
        %add3A_1509 = arith.addf %broadcast_in_dim3A_1497, %mul3A_1508 : vector<32xbf16>
        %bitcast3A_1510 = vector.bitcast %gather3A_1478 : vector<16xi32> to vector<32xbf16>
        %mul3A_1511 = arith.mulf %bitcast3A_1510, %pack3A_309 : vector<32xbf16>
        %add3A_1512 = arith.addf %add3A_1500, %mul3A_1511 : vector<32xbf16>
        %bitcast3A_1513 = vector.bitcast %gather3A_1479 : vector<16xi32> to vector<32xbf16>
        %mul3A_1514 = arith.mulf %bitcast3A_1513, %pack3A_336 : vector<32xbf16>
        %add3A_1515 = arith.addf %add3A_1503, %mul3A_1514 : vector<32xbf16>
        %bitcast3A_1516 = vector.bitcast %gather3A_1480 : vector<16xi32> to vector<32xbf16>
        %mul3A_1517 = arith.mulf %bitcast3A_1516, %pack3A_379 : vector<32xbf16>
        %add3A_1518 = arith.addf %add3A_1506, %mul3A_1517 : vector<32xbf16>
        %bitcast3A_1519 = vector.bitcast %gather3A_1481 : vector<16xi32> to vector<32xbf16>
        %mul3A_1520 = arith.mulf %bitcast3A_1519, %pack3A_406 : vector<32xbf16>
        %add3A_1521 = arith.addf %add3A_1509, %mul3A_1520 : vector<32xbf16>
        %bitcast3A_1522 = vector.bitcast %gather3A_1482 : vector<16xi32> to vector<32xbf16>
        %mul3A_1523 = arith.mulf %bitcast3A_1522, %pack3A_507 : vector<32xbf16>
        %add3A_1524 = arith.addf %add3A_1512, %mul3A_1523 : vector<32xbf16>
        %bitcast3A_1525 = vector.bitcast %gather3A_1483 : vector<16xi32> to vector<32xbf16>
        %mul3A_1526 = arith.mulf %bitcast3A_1525, %pack3A_534 : vector<32xbf16>
        %add3A_1527 = arith.addf %add3A_1515, %mul3A_1526 : vector<32xbf16>
        %bitcast3A_1528 = vector.bitcast %gather3A_1484 : vector<16xi32> to vector<32xbf16>
        %mul3A_1529 = arith.mulf %bitcast3A_1528, %pack3A_577 : vector<32xbf16>
        %add3A_1530 = arith.addf %add3A_1518, %mul3A_1529 : vector<32xbf16>
        %bitcast3A_1531 = vector.bitcast %gather3A_1485 : vector<16xi32> to vector<32xbf16>
        %mul3A_1532 = arith.mulf %bitcast3A_1531, %pack3A_604 : vector<32xbf16>
        %add3A_1533 = arith.addf %add3A_1521, %mul3A_1532 : vector<32xbf16>
        %bitcast3A_1534 = vector.bitcast %gather3A_1486 : vector<16xi32> to vector<32xbf16>
        %mul3A_1535 = arith.mulf %bitcast3A_1534, %pack3A_705 : vector<32xbf16>
        %add3A_1536 = arith.addf %add3A_1524, %mul3A_1535 : vector<32xbf16>
        %bitcast3A_1537 = vector.bitcast %gather3A_1487 : vector<16xi32> to vector<32xbf16>
        %mul3A_1538 = arith.mulf %bitcast3A_1537, %pack3A_732 : vector<32xbf16>
        %add3A_1539 = arith.addf %add3A_1527, %mul3A_1538 : vector<32xbf16>
        %bitcast3A_1540 = vector.bitcast %gather3A_1488 : vector<16xi32> to vector<32xbf16>
        %mul3A_1541 = arith.mulf %bitcast3A_1540, %pack3A_775 : vector<32xbf16>
        %add3A_1542 = arith.addf %add3A_1530, %mul3A_1541 : vector<32xbf16>
        %bitcast3A_1543 = vector.bitcast %gather3A_1489 : vector<16xi32> to vector<32xbf16>
        %mul3A_1544 = arith.mulf %bitcast3A_1543, %pack3A_802 : vector<32xbf16>
        %add3A_1545 = arith.addf %add3A_1533, %mul3A_1544 : vector<32xbf16>
        %add3A_1546 = arith.addf %add3A_1536, %add3A_1539 : vector<32xbf16>
        %add3A_1547 = arith.addf %add3A_1542, %add3A_1545 : vector<32xbf16>
        %add3A_1548 = arith.addf %add3A_1546, %add3A_1547 : vector<32xbf16>
        %bitcast3A_1549 = vector.bitcast %add3A_1548 : vector<32xbf16> to vector<16xi32>
        %mul3A_1550 = arith.constant 16 : i32
        %mul3A_1551 = arith.muli %scan3A_22, %mul3A_1550 : i32
        %swap3A_1552 = arith.constant 8 : i32
        %swap3A_1553 = arith.index_cast %swap3A_1552 : i32 to index
        %swap3A_1554 = arith.index_cast %mul3A_1551 : i32 to index
        %swap3A_1555 = tpu.vector_load %arg9[%swap3A_1553, %swap3A_1554] {strides = array<i32>} : memref<16x128xi32, #tpu.memory_space<vmem>>, vector<16xi32>,
        tpu.vector_store %arg9[%swap3A_1553, %swap3A_1554], %bitcast3A_1549 {strides = array<i32>} : memref<16x128xi32, #tpu.memory_space<vmem>>, vector<16xi32>,
        %broadcast_in_dim3A_1556 = arith.constant 9 : i32
        %broadcast_in_dim3A_1557 = vector.broadcast %broadcast_in_dim3A_1556 : i32 to vector<16xi32>
        %gather3A_1558 = tpu.vector_load_idx %arg6[%broadcast_in_dim3A_1557, %add3A_107] : memref<16x4096xi32, #tpu.memory_space<vmem>>[vector<16xi32>, vector<16xi32>], vector<16xi32>,
        %gather3A_1559 = tpu.vector_load_idx %arg6[%broadcast_in_dim3A_1557, %add3A_132] : memref<16x4096xi32, #tpu.memory_space<vmem>>[vector<16xi32>, vector<16xi32>], vector<16xi32>,
        %gather3A_1560 = tpu.vector_load_idx %arg6[%broadcast_in_dim3A_1557, %add3A_175] : memref<16x4096xi32, #tpu.memory_space<vmem>>[vector<16xi32>, vector<16xi32>], vector<16xi32>,
        %gather3A_1561 = tpu.vector_load_idx %arg6[%broadcast_in_dim3A_1557, %add3A_202] : memref<16x4096xi32, #tpu.memory_space<vmem>>[vector<16xi32>, vector<16xi32>], vector<16xi32>,
        %gather3A_1562 = tpu.vector_load_idx %arg6[%broadcast_in_dim3A_1557, %add3A_303] : memref<16x4096xi32, #tpu.memory_space<vmem>>[vector<16xi32>, vector<16xi32>], vector<16xi32>,
        %gather3A_1563 = tpu.vector_load_idx %arg6[%broadcast_in_dim3A_1557, %add3A_330] : memref<16x4096xi32, #tpu.memory_space<vmem>>[vector<16xi32>, vector<16xi32>], vector<16xi32>,
        %gather3A_1564 = tpu.vector_load_idx %arg6[%broadcast_in_dim3A_1557, %add3A_373] : memref<16x4096xi32, #tpu.memory_space<vmem>>[vector<16xi32>, vector<16xi32>], vector<16xi32>,
        %gather3A_1565 = tpu.vector_load_idx %arg6[%broadcast_in_dim3A_1557, %add3A_400] : memref<16x4096xi32, #tpu.memory_space<vmem>>[vector<16xi32>, vector<16xi32>], vector<16xi32>,
        %gather3A_1566 = tpu.vector_load_idx %arg6[%broadcast_in_dim3A_1557, %add3A_501] : memref<16x4096xi32, #tpu.memory_space<vmem>>[vector<16xi32>, vector<16xi32>], vector<16xi32>,
        %gather3A_1567 = tpu.vector_load_idx %arg6[%broadcast_in_dim3A_1557, %add3A_528] : memref<16x4096xi32, #tpu.memory_space<vmem>>[vector<16xi32>, vector<16xi32>], vector<16xi32>,
        %gather3A_1568 = tpu.vector_load_idx %arg6[%broadcast_in_dim3A_1557, %add3A_571] : memref<16x4096xi32, #tpu.memory_space<vmem>>[vector<16xi32>, vector<16xi32>], vector<16xi32>,
        %gather3A_1569 = tpu.vector_load_idx %arg6[%broadcast_in_dim3A_1557, %add3A_598] : memref<16x4096xi32, #tpu.memory_space<vmem>>[vector<16xi32>, vector<16xi32>], vector<16xi32>,
        %gather3A_1570 = tpu.vector_load_idx %arg6[%broadcast_in_dim3A_1557, %add3A_699] : memref<16x4096xi32, #tpu.memory_space<vmem>>[vector<16xi32>, vector<16xi32>], vector<16xi32>,
        %gather3A_1571 = tpu.vector_load_idx %arg6[%broadcast_in_dim3A_1557, %add3A_726] : memref<16x4096xi32, #tpu.memory_space<vmem>>[vector<16xi32>, vector<16xi32>], vector<16xi32>,
        %gather3A_1572 = tpu.vector_load_idx %arg6[%broadcast_in_dim3A_1557, %add3A_769] : memref<16x4096xi32, #tpu.memory_space<vmem>>[vector<16xi32>, vector<16xi32>], vector<16xi32>,
        %gather3A_1573 = tpu.vector_load_idx %arg6[%broadcast_in_dim3A_1557, %add3A_796] : memref<16x4096xi32, #tpu.memory_space<vmem>>[vector<16xi32>, vector<16xi32>], vector<16xi32>,
        %broadcast_in_dim3A_1574 = arith.constant 0.000000e+00 : bf16
        %broadcast_in_dim3A_1575 = vector.broadcast %broadcast_in_dim3A_1574 : bf16 to vector<32xbf16>
        %broadcast_in_dim3A_1576 = arith.constant 0.000000e+00 : bf16
        %broadcast_in_dim3A_1577 = vector.broadcast %broadcast_in_dim3A_1576 : bf16 to vector<32xbf16>
        %broadcast_in_dim3A_1578 = arith.constant 0.000000e+00 : bf16
        %broadcast_in_dim3A_1579 = vector.broadcast %broadcast_in_dim3A_1578 : bf16 to vector<32xbf16>
        %broadcast_in_dim3A_1580 = arith.constant 0.000000e+00 : bf16
        %broadcast_in_dim3A_1581 = vector.broadcast %broadcast_in_dim3A_1580 : bf16 to vector<32xbf16>
        %bitcast3A_1582 = vector.bitcast %gather3A_1558 : vector<16xi32> to vector<32xbf16>
        %mul3A_1583 = arith.mulf %bitcast3A_1582, %pack3A : vector<32xbf16>
        %add3A_1584 = arith.addf %broadcast_in_dim3A_1575, %mul3A_1583 : vector<32xbf16>
        %bitcast3A_1585 = vector.bitcast %gather3A_1559 : vector<16xi32> to vector<32xbf16>
        %mul3A_1586 = arith.mulf %bitcast3A_1585, %pack3A_138 : vector<32xbf16>
        %add3A_1587 = arith.addf %broadcast_in_dim3A_1577, %mul3A_1586 : vector<32xbf16>
        %bitcast3A_1588 = vector.bitcast %gather3A_1560 : vector<16xi32> to vector<32xbf16>
        %mul3A_1589 = arith.mulf %bitcast3A_1588, %pack3A_181 : vector<32xbf16>
        %add3A_1590 = arith.addf %broadcast_in_dim3A_1579, %mul3A_1589 : vector<32xbf16>
        %bitcast3A_1591 = vector.bitcast %gather3A_1561 : vector<16xi32> to vector<32xbf16>
        %mul3A_1592 = arith.mulf %bitcast3A_1591, %pack3A_208 : vector<32xbf16>
        %add3A_1593 = arith.addf %broadcast_in_dim3A_1581, %mul3A_1592 : vector<32xbf16>
        %bitcast3A_1594 = vector.bitcast %gather3A_1562 : vector<16xi32> to vector<32xbf16>
        %mul3A_1595 = arith.mulf %bitcast3A_1594, %pack3A_309 : vector<32xbf16>
        %add3A_1596 = arith.addf %add3A_1584, %mul3A_1595 : vector<32xbf16>
        %bitcast3A_1597 = vector.bitcast %gather3A_1563 : vector<16xi32> to vector<32xbf16>
        %mul3A_1598 = arith.mulf %bitcast3A_1597, %pack3A_336 : vector<32xbf16>
        %add3A_1599 = arith.addf %add3A_1587, %mul3A_1598 : vector<32xbf16>
        %bitcast3A_1600 = vector.bitcast %gather3A_1564 : vector<16xi32> to vector<32xbf16>
        %mul3A_1601 = arith.mulf %bitcast3A_1600, %pack3A_379 : vector<32xbf16>
        %add3A_1602 = arith.addf %add3A_1590, %mul3A_1601 : vector<32xbf16>
        %bitcast3A_1603 = vector.bitcast %gather3A_1565 : vector<16xi32> to vector<32xbf16>
        %mul3A_1604 = arith.mulf %bitcast3A_1603, %pack3A_406 : vector<32xbf16>
        %add3A_1605 = arith.addf %add3A_1593, %mul3A_1604 : vector<32xbf16>
        %bitcast3A_1606 = vector.bitcast %gather3A_1566 : vector<16xi32> to vector<32xbf16>
        %mul3A_1607 = arith.mulf %bitcast3A_1606, %pack3A_507 : vector<32xbf16>
        %add3A_1608 = arith.addf %add3A_1596, %mul3A_1607 : vector<32xbf16>
        %bitcast3A_1609 = vector.bitcast %gather3A_1567 : vector<16xi32> to vector<32xbf16>
        %mul3A_1610 = arith.mulf %bitcast3A_1609, %pack3A_534 : vector<32xbf16>
        %add3A_1611 = arith.addf %add3A_1599, %mul3A_1610 : vector<32xbf16>
        %bitcast3A_1612 = vector.bitcast %gather3A_1568 : vector<16xi32> to vector<32xbf16>
        %mul3A_1613 = arith.mulf %bitcast3A_1612, %pack3A_577 : vector<32xbf16>
        %add3A_1614 = arith.addf %add3A_1602, %mul3A_1613 : vector<32xbf16>
        %bitcast3A_1615 = vector.bitcast %gather3A_1569 : vector<16xi32> to vector<32xbf16>
        %mul3A_1616 = arith.mulf %bitcast3A_1615, %pack3A_604 : vector<32xbf16>
        %add3A_1617 = arith.addf %add3A_1605, %mul3A_1616 : vector<32xbf16>
        %bitcast3A_1618 = vector.bitcast %gather3A_1570 : vector<16xi32> to vector<32xbf16>
        %mul3A_1619 = arith.mulf %bitcast3A_1618, %pack3A_705 : vector<32xbf16>
        %add3A_1620 = arith.addf %add3A_1608, %mul3A_1619 : vector<32xbf16>
        %bitcast3A_1621 = vector.bitcast %gather3A_1571 : vector<16xi32> to vector<32xbf16>
        %mul3A_1622 = arith.mulf %bitcast3A_1621, %pack3A_732 : vector<32xbf16>
        %add3A_1623 = arith.addf %add3A_1611, %mul3A_1622 : vector<32xbf16>
        %bitcast3A_1624 = vector.bitcast %gather3A_1572 : vector<16xi32> to vector<32xbf16>
        %mul3A_1625 = arith.mulf %bitcast3A_1624, %pack3A_775 : vector<32xbf16>
        %add3A_1626 = arith.addf %add3A_1614, %mul3A_1625 : vector<32xbf16>
        %bitcast3A_1627 = vector.bitcast %gather3A_1573 : vector<16xi32> to vector<32xbf16>
        %mul3A_1628 = arith.mulf %bitcast3A_1627, %pack3A_802 : vector<32xbf16>
        %add3A_1629 = arith.addf %add3A_1617, %mul3A_1628 : vector<32xbf16>
        %add3A_1630 = arith.addf %add3A_1620, %add3A_1623 : vector<32xbf16>
        %add3A_1631 = arith.addf %add3A_1626, %add3A_1629 : vector<32xbf16>
        %add3A_1632 = arith.addf %add3A_1630, %add3A_1631 : vector<32xbf16>
        %bitcast3A_1633 = vector.bitcast %add3A_1632 : vector<32xbf16> to vector<16xi32>
        %mul3A_1634 = arith.constant 16 : i32
        %mul3A_1635 = arith.muli %scan3A_22, %mul3A_1634 : i32
        %swap3A_1636 = arith.constant 9 : i32
        %swap3A_1637 = arith.index_cast %swap3A_1636 : i32 to index
        %swap3A_1638 = arith.index_cast %mul3A_1635 : i32 to index
        %swap3A_1639 = tpu.vector_load %arg9[%swap3A_1637, %swap3A_1638] {strides = array<i32>} : memref<16x128xi32, #tpu.memory_space<vmem>>, vector<16xi32>,
        tpu.vector_store %arg9[%swap3A_1637, %swap3A_1638], %bitcast3A_1633 {strides = array<i32>} : memref<16x128xi32, #tpu.memory_space<vmem>>, vector<16xi32>,
        %broadcast_in_dim3A_1640 = arith.constant 10 : i32
        %broadcast_in_dim3A_1641 = vector.broadcast %broadcast_in_dim3A_1640 : i32 to vector<16xi32>
        %gather3A_1642 = tpu.vector_load_idx %arg6[%broadcast_in_dim3A_1641, %add3A_107] : memref<16x4096xi32, #tpu.memory_space<vmem>>[vector<16xi32>, vector<16xi32>], vector<16xi32>,
        %gather3A_1643 = tpu.vector_load_idx %arg6[%broadcast_in_dim3A_1641, %add3A_132] : memref<16x4096xi32, #tpu.memory_space<vmem>>[vector<16xi32>, vector<16xi32>], vector<16xi32>,
        %gather3A_1644 = tpu.vector_load_idx %arg6[%broadcast_in_dim3A_1641, %add3A_175] : memref<16x4096xi32, #tpu.memory_space<vmem>>[vector<16xi32>, vector<16xi32>], vector<16xi32>,
        %gather3A_1645 = tpu.vector_load_idx %arg6[%broadcast_in_dim3A_1641, %add3A_202] : memref<16x4096xi32, #tpu.memory_space<vmem>>[vector<16xi32>, vector<16xi32>], vector<16xi32>,
        %gather3A_1646 = tpu.vector_load_idx %arg6[%broadcast_in_dim3A_1641, %add3A_303] : memref<16x4096xi32, #tpu.memory_space<vmem>>[vector<16xi32>, vector<16xi32>], vector<16xi32>,
        %gather3A_1647 = tpu.vector_load_idx %arg6[%broadcast_in_dim3A_1641, %add3A_330] : memref<16x4096xi32, #tpu.memory_space<vmem>>[vector<16xi32>, vector<16xi32>], vector<16xi32>,
        %gather3A_1648 = tpu.vector_load_idx %arg6[%broadcast_in_dim3A_1641, %add3A_373] : memref<16x4096xi32, #tpu.memory_space<vmem>>[vector<16xi32>, vector<16xi32>], vector<16xi32>,
        %gather3A_1649 = tpu.vector_load_idx %arg6[%broadcast_in_dim3A_1641, %add3A_400] : memref<16x4096xi32, #tpu.memory_space<vmem>>[vector<16xi32>, vector<16xi32>], vector<16xi32>,
        %gather3A_1650 = tpu.vector_load_idx %arg6[%broadcast_in_dim3A_1641, %add3A_501] : memref<16x4096xi32, #tpu.memory_space<vmem>>[vector<16xi32>, vector<16xi32>], vector<16xi32>,
        %gather3A_1651 = tpu.vector_load_idx %arg6[%broadcast_in_dim3A_1641, %add3A_528] : memref<16x4096xi32, #tpu.memory_space<vmem>>[vector<16xi32>, vector<16xi32>], vector<16xi32>,
        %gather3A_1652 = tpu.vector_load_idx %arg6[%broadcast_in_dim3A_1641, %add3A_571] : memref<16x4096xi32, #tpu.memory_space<vmem>>[vector<16xi32>, vector<16xi32>], vector<16xi32>,
        %gather3A_1653 = tpu.vector_load_idx %arg6[%broadcast_in_dim3A_1641, %add3A_598] : memref<16x4096xi32, #tpu.memory_space<vmem>>[vector<16xi32>, vector<16xi32>], vector<16xi32>,
        %gather3A_1654 = tpu.vector_load_idx %arg6[%broadcast_in_dim3A_1641, %add3A_699] : memref<16x4096xi32, #tpu.memory_space<vmem>>[vector<16xi32>, vector<16xi32>], vector<16xi32>,
        %gather3A_1655 = tpu.vector_load_idx %arg6[%broadcast_in_dim3A_1641, %add3A_726] : memref<16x4096xi32, #tpu.memory_space<vmem>>[vector<16xi32>, vector<16xi32>], vector<16xi32>,
        %gather3A_1656 = tpu.vector_load_idx %arg6[%broadcast_in_dim3A_1641, %add3A_769] : memref<16x4096xi32, #tpu.memory_space<vmem>>[vector<16xi32>, vector<16xi32>], vector<16xi32>,
        %gather3A_1657 = tpu.vector_load_idx %arg6[%broadcast_in_dim3A_1641, %add3A_796] : memref<16x4096xi32, #tpu.memory_space<vmem>>[vector<16xi32>, vector<16xi32>], vector<16xi32>,
        %broadcast_in_dim3A_1658 = arith.constant 0.000000e+00 : bf16
        %broadcast_in_dim3A_1659 = vector.broadcast %broadcast_in_dim3A_1658 : bf16 to vector<32xbf16>
        %broadcast_in_dim3A_1660 = arith.constant 0.000000e+00 : bf16
        %broadcast_in_dim3A_1661 = vector.broadcast %broadcast_in_dim3A_1660 : bf16 to vector<32xbf16>
        %broadcast_in_dim3A_1662 = arith.constant 0.000000e+00 : bf16
        %broadcast_in_dim3A_1663 = vector.broadcast %broadcast_in_dim3A_1662 : bf16 to vector<32xbf16>
        %broadcast_in_dim3A_1664 = arith.constant 0.000000e+00 : bf16
        %broadcast_in_dim3A_1665 = vector.broadcast %broadcast_in_dim3A_1664 : bf16 to vector<32xbf16>
        %bitcast3A_1666 = vector.bitcast %gather3A_1642 : vector<16xi32> to vector<32xbf16>
        %mul3A_1667 = arith.mulf %bitcast3A_1666, %pack3A : vector<32xbf16>
        %add3A_1668 = arith.addf %broadcast_in_dim3A_1659, %mul3A_1667 : vector<32xbf16>
        %bitcast3A_1669 = vector.bitcast %gather3A_1643 : vector<16xi32> to vector<32xbf16>
        %mul3A_1670 = arith.mulf %bitcast3A_1669, %pack3A_138 : vector<32xbf16>
        %add3A_1671 = arith.addf %broadcast_in_dim3A_1661, %mul3A_1670 : vector<32xbf16>
        %bitcast3A_1672 = vector.bitcast %gather3A_1644 : vector<16xi32> to vector<32xbf16>
        %mul3A_1673 = arith.mulf %bitcast3A_1672, %pack3A_181 : vector<32xbf16>
        %add3A_1674 = arith.addf %broadcast_in_dim3A_1663, %mul3A_1673 : vector<32xbf16>
        %bitcast3A_1675 = vector.bitcast %gather3A_1645 : vector<16xi32> to vector<32xbf16>
        %mul3A_1676 = arith.mulf %bitcast3A_1675, %pack3A_208 : vector<32xbf16>
        %add3A_1677 = arith.addf %broadcast_in_dim3A_1665, %mul3A_1676 : vector<32xbf16>
        %bitcast3A_1678 = vector.bitcast %gather3A_1646 : vector<16xi32> to vector<32xbf16>
        %mul3A_1679 = arith.mulf %bitcast3A_1678, %pack3A_309 : vector<32xbf16>
        %add3A_1680 = arith.addf %add3A_1668, %mul3A_1679 : vector<32xbf16>
        %bitcast3A_1681 = vector.bitcast %gather3A_1647 : vector<16xi32> to vector<32xbf16>
        %mul3A_1682 = arith.mulf %bitcast3A_1681, %pack3A_336 : vector<32xbf16>
        %add3A_1683 = arith.addf %add3A_1671, %mul3A_1682 : vector<32xbf16>
        %bitcast3A_1684 = vector.bitcast %gather3A_1648 : vector<16xi32> to vector<32xbf16>
        %mul3A_1685 = arith.mulf %bitcast3A_1684, %pack3A_379 : vector<32xbf16>
        %add3A_1686 = arith.addf %add3A_1674, %mul3A_1685 : vector<32xbf16>
        %bitcast3A_1687 = vector.bitcast %gather3A_1649 : vector<16xi32> to vector<32xbf16>
        %mul3A_1688 = arith.mulf %bitcast3A_1687, %pack3A_406 : vector<32xbf16>
        %add3A_1689 = arith.addf %add3A_1677, %mul3A_1688 : vector<32xbf16>
        %bitcast3A_1690 = vector.bitcast %gather3A_1650 : vector<16xi32> to vector<32xbf16>
        %mul3A_1691 = arith.mulf %bitcast3A_1690, %pack3A_507 : vector<32xbf16>
        %add3A_1692 = arith.addf %add3A_1680, %mul3A_1691 : vector<32xbf16>
        %bitcast3A_1693 = vector.bitcast %gather3A_1651 : vector<16xi32> to vector<32xbf16>
        %mul3A_1694 = arith.mulf %bitcast3A_1693, %pack3A_534 : vector<32xbf16>
        %add3A_1695 = arith.addf %add3A_1683, %mul3A_1694 : vector<32xbf16>
        %bitcast3A_1696 = vector.bitcast %gather3A_1652 : vector<16xi32> to vector<32xbf16>
        %mul3A_1697 = arith.mulf %bitcast3A_1696, %pack3A_577 : vector<32xbf16>
        %add3A_1698 = arith.addf %add3A_1686, %mul3A_1697 : vector<32xbf16>
        %bitcast3A_1699 = vector.bitcast %gather3A_1653 : vector<16xi32> to vector<32xbf16>
        %mul3A_1700 = arith.mulf %bitcast3A_1699, %pack3A_604 : vector<32xbf16>
        %add3A_1701 = arith.addf %add3A_1689, %mul3A_1700 : vector<32xbf16>
        %bitcast3A_1702 = vector.bitcast %gather3A_1654 : vector<16xi32> to vector<32xbf16>
        %mul3A_1703 = arith.mulf %bitcast3A_1702, %pack3A_705 : vector<32xbf16>
        %add3A_1704 = arith.addf %add3A_1692, %mul3A_1703 : vector<32xbf16>
        %bitcast3A_1705 = vector.bitcast %gather3A_1655 : vector<16xi32> to vector<32xbf16>
        %mul3A_1706 = arith.mulf %bitcast3A_1705, %pack3A_732 : vector<32xbf16>
        %add3A_1707 = arith.addf %add3A_1695, %mul3A_1706 : vector<32xbf16>
        %bitcast3A_1708 = vector.bitcast %gather3A_1656 : vector<16xi32> to vector<32xbf16>
        %mul3A_1709 = arith.mulf %bitcast3A_1708, %pack3A_775 : vector<32xbf16>
        %add3A_1710 = arith.addf %add3A_1698, %mul3A_1709 : vector<32xbf16>
        %bitcast3A_1711 = vector.bitcast %gather3A_1657 : vector<16xi32> to vector<32xbf16>
        %mul3A_1712 = arith.mulf %bitcast3A_1711, %pack3A_802 : vector<32xbf16>
        %add3A_1713 = arith.addf %add3A_1701, %mul3A_1712 : vector<32xbf16>
        %add3A_1714 = arith.addf %add3A_1704, %add3A_1707 : vector<32xbf16>
        %add3A_1715 = arith.addf %add3A_1710, %add3A_1713 : vector<32xbf16>
        %add3A_1716 = arith.addf %add3A_1714, %add3A_1715 : vector<32xbf16>
        %bitcast3A_1717 = vector.bitcast %add3A_1716 : vector<32xbf16> to vector<16xi32>
        %mul3A_1718 = arith.constant 16 : i32
        %mul3A_1719 = arith.muli %scan3A_22, %mul3A_1718 : i32
        %swap3A_1720 = arith.constant 10 : i32
        %swap3A_1721 = arith.index_cast %swap3A_1720 : i32 to index
        %swap3A_1722 = arith.index_cast %mul3A_1719 : i32 to index
        %swap3A_1723 = tpu.vector_load %arg9[%swap3A_1721, %swap3A_1722] {strides = array<i32>} : memref<16x128xi32, #tpu.memory_space<vmem>>, vector<16xi32>,
        tpu.vector_store %arg9[%swap3A_1721, %swap3A_1722], %bitcast3A_1717 {strides = array<i32>} : memref<16x128xi32, #tpu.memory_space<vmem>>, vector<16xi32>,
        %broadcast_in_dim3A_1724 = arith.constant 11 : i32
        %broadcast_in_dim3A_1725 = vector.broadcast %broadcast_in_dim3A_1724 : i32 to vector<16xi32>
        %gather3A_1726 = tpu.vector_load_idx %arg6[%broadcast_in_dim3A_1725, %add3A_107] : memref<16x4096xi32, #tpu.memory_space<vmem>>[vector<16xi32>, vector<16xi32>], vector<16xi32>,
        %gather3A_1727 = tpu.vector_load_idx %arg6[%broadcast_in_dim3A_1725, %add3A_132] : memref<16x4096xi32, #tpu.memory_space<vmem>>[vector<16xi32>, vector<16xi32>], vector<16xi32>,
        %gather3A_1728 = tpu.vector_load_idx %arg6[%broadcast_in_dim3A_1725, %add3A_175] : memref<16x4096xi32, #tpu.memory_space<vmem>>[vector<16xi32>, vector<16xi32>], vector<16xi32>,
        %gather3A_1729 = tpu.vector_load_idx %arg6[%broadcast_in_dim3A_1725, %add3A_202] : memref<16x4096xi32, #tpu.memory_space<vmem>>[vector<16xi32>, vector<16xi32>], vector<16xi32>,
        %gather3A_1730 = tpu.vector_load_idx %arg6[%broadcast_in_dim3A_1725, %add3A_303] : memref<16x4096xi32, #tpu.memory_space<vmem>>[vector<16xi32>, vector<16xi32>], vector<16xi32>,
        %gather3A_1731 = tpu.vector_load_idx %arg6[%broadcast_in_dim3A_1725, %add3A_330] : memref<16x4096xi32, #tpu.memory_space<vmem>>[vector<16xi32>, vector<16xi32>], vector<16xi32>,
        %gather3A_1732 = tpu.vector_load_idx %arg6[%broadcast_in_dim3A_1725, %add3A_373] : memref<16x4096xi32, #tpu.memory_space<vmem>>[vector<16xi32>, vector<16xi32>], vector<16xi32>,
        %gather3A_1733 = tpu.vector_load_idx %arg6[%broadcast_in_dim3A_1725, %add3A_400] : memref<16x4096xi32, #tpu.memory_space<vmem>>[vector<16xi32>, vector<16xi32>], vector<16xi32>,
        %gather3A_1734 = tpu.vector_load_idx %arg6[%broadcast_in_dim3A_1725, %add3A_501] : memref<16x4096xi32, #tpu.memory_space<vmem>>[vector<16xi32>, vector<16xi32>], vector<16xi32>,
        %gather3A_1735 = tpu.vector_load_idx %arg6[%broadcast_in_dim3A_1725, %add3A_528] : memref<16x4096xi32, #tpu.memory_space<vmem>>[vector<16xi32>, vector<16xi32>], vector<16xi32>,
        %gather3A_1736 = tpu.vector_load_idx %arg6[%broadcast_in_dim3A_1725, %add3A_571] : memref<16x4096xi32, #tpu.memory_space<vmem>>[vector<16xi32>, vector<16xi32>], vector<16xi32>,
        %gather3A_1737 = tpu.vector_load_idx %arg6[%broadcast_in_dim3A_1725, %add3A_598] : memref<16x4096xi32, #tpu.memory_space<vmem>>[vector<16xi32>, vector<16xi32>], vector<16xi32>,
        %gather3A_1738 = tpu.vector_load_idx %arg6[%broadcast_in_dim3A_1725, %add3A_699] : memref<16x4096xi32, #tpu.memory_space<vmem>>[vector<16xi32>, vector<16xi32>], vector<16xi32>,
        %gather3A_1739 = tpu.vector_load_idx %arg6[%broadcast_in_dim3A_1725, %add3A_726] : memref<16x4096xi32, #tpu.memory_space<vmem>>[vector<16xi32>, vector<16xi32>], vector<16xi32>,
        %gather3A_1740 = tpu.vector_load_idx %arg6[%broadcast_in_dim3A_1725, %add3A_769] : memref<16x4096xi32, #tpu.memory_space<vmem>>[vector<16xi32>, vector<16xi32>], vector<16xi32>,
        %gather3A_1741 = tpu.vector_load_idx %arg6[%broadcast_in_dim3A_1725, %add3A_796] : memref<16x4096xi32, #tpu.memory_space<vmem>>[vector<16xi32>, vector<16xi32>], vector<16xi32>,
        %broadcast_in_dim3A_1742 = arith.constant 0.000000e+00 : bf16
        %broadcast_in_dim3A_1743 = vector.broadcast %broadcast_in_dim3A_1742 : bf16 to vector<32xbf16>
        %broadcast_in_dim3A_1744 = arith.constant 0.000000e+00 : bf16
        %broadcast_in_dim3A_1745 = vector.broadcast %broadcast_in_dim3A_1744 : bf16 to vector<32xbf16>
        %broadcast_in_dim3A_1746 = arith.constant 0.000000e+00 : bf16
        %broadcast_in_dim3A_1747 = vector.broadcast %broadcast_in_dim3A_1746 : bf16 to vector<32xbf16>
        %broadcast_in_dim3A_1748 = arith.constant 0.000000e+00 : bf16
        %broadcast_in_dim3A_1749 = vector.broadcast %broadcast_in_dim3A_1748 : bf16 to vector<32xbf16>
        %bitcast3A_1750 = vector.bitcast %gather3A_1726 : vector<16xi32> to vector<32xbf16>
        %mul3A_1751 = arith.mulf %bitcast3A_1750, %pack3A : vector<32xbf16>
        %add3A_1752 = arith.addf %broadcast_in_dim3A_1743, %mul3A_1751 : vector<32xbf16>
        %bitcast3A_1753 = vector.bitcast %gather3A_1727 : vector<16xi32> to vector<32xbf16>
        %mul3A_1754 = arith.mulf %bitcast3A_1753, %pack3A_138 : vector<32xbf16>
        %add3A_1755 = arith.addf %broadcast_in_dim3A_1745, %mul3A_1754 : vector<32xbf16>
        %bitcast3A_1756 = vector.bitcast %gather3A_1728 : vector<16xi32> to vector<32xbf16>
        %mul3A_1757 = arith.mulf %bitcast3A_1756, %pack3A_181 : vector<32xbf16>
        %add3A_1758 = arith.addf %broadcast_in_dim3A_1747, %mul3A_1757 : vector<32xbf16>
        %bitcast3A_1759 = vector.bitcast %gather3A_1729 : vector<16xi32> to vector<32xbf16>
        %mul3A_1760 = arith.mulf %bitcast3A_1759, %pack3A_208 : vector<32xbf16>
        %add3A_1761 = arith.addf %broadcast_in_dim3A_1749, %mul3A_1760 : vector<32xbf16>
        %bitcast3A_1762 = vector.bitcast %gather3A_1730 : vector<16xi32> to vector<32xbf16>
        %mul3A_1763 = arith.mulf %bitcast3A_1762, %pack3A_309 : vector<32xbf16>
        %add3A_1764 = arith.addf %add3A_1752, %mul3A_1763 : vector<32xbf16>
        %bitcast3A_1765 = vector.bitcast %gather3A_1731 : vector<16xi32> to vector<32xbf16>
        %mul3A_1766 = arith.mulf %bitcast3A_1765, %pack3A_336 : vector<32xbf16>
        %add3A_1767 = arith.addf %add3A_1755, %mul3A_1766 : vector<32xbf16>
        %bitcast3A_1768 = vector.bitcast %gather3A_1732 : vector<16xi32> to vector<32xbf16>
        %mul3A_1769 = arith.mulf %bitcast3A_1768, %pack3A_379 : vector<32xbf16>
        %add3A_1770 = arith.addf %add3A_1758, %mul3A_1769 : vector<32xbf16>
        %bitcast3A_1771 = vector.bitcast %gather3A_1733 : vector<16xi32> to vector<32xbf16>
        %mul3A_1772 = arith.mulf %bitcast3A_1771, %pack3A_406 : vector<32xbf16>
        %add3A_1773 = arith.addf %add3A_1761, %mul3A_1772 : vector<32xbf16>
        %bitcast3A_1774 = vector.bitcast %gather3A_1734 : vector<16xi32> to vector<32xbf16>
        %mul3A_1775 = arith.mulf %bitcast3A_1774, %pack3A_507 : vector<32xbf16>
        %add3A_1776 = arith.addf %add3A_1764, %mul3A_1775 : vector<32xbf16>
        %bitcast3A_1777 = vector.bitcast %gather3A_1735 : vector<16xi32> to vector<32xbf16>
        %mul3A_1778 = arith.mulf %bitcast3A_1777, %pack3A_534 : vector<32xbf16>
        %add3A_1779 = arith.addf %add3A_1767, %mul3A_1778 : vector<32xbf16>
        %bitcast3A_1780 = vector.bitcast %gather3A_1736 : vector<16xi32> to vector<32xbf16>
        %mul3A_1781 = arith.mulf %bitcast3A_1780, %pack3A_577 : vector<32xbf16>
        %add3A_1782 = arith.addf %add3A_1770, %mul3A_1781 : vector<32xbf16>
        %bitcast3A_1783 = vector.bitcast %gather3A_1737 : vector<16xi32> to vector<32xbf16>
        %mul3A_1784 = arith.mulf %bitcast3A_1783, %pack3A_604 : vector<32xbf16>
        %add3A_1785 = arith.addf %add3A_1773, %mul3A_1784 : vector<32xbf16>
        %bitcast3A_1786 = vector.bitcast %gather3A_1738 : vector<16xi32> to vector<32xbf16>
        %mul3A_1787 = arith.mulf %bitcast3A_1786, %pack3A_705 : vector<32xbf16>
        %add3A_1788 = arith.addf %add3A_1776, %mul3A_1787 : vector<32xbf16>
        %bitcast3A_1789 = vector.bitcast %gather3A_1739 : vector<16xi32> to vector<32xbf16>
        %mul3A_1790 = arith.mulf %bitcast3A_1789, %pack3A_732 : vector<32xbf16>
        %add3A_1791 = arith.addf %add3A_1779, %mul3A_1790 : vector<32xbf16>
        %bitcast3A_1792 = vector.bitcast %gather3A_1740 : vector<16xi32> to vector<32xbf16>
        %mul3A_1793 = arith.mulf %bitcast3A_1792, %pack3A_775 : vector<32xbf16>
        %add3A_1794 = arith.addf %add3A_1782, %mul3A_1793 : vector<32xbf16>
        %bitcast3A_1795 = vector.bitcast %gather3A_1741 : vector<16xi32> to vector<32xbf16>
        %mul3A_1796 = arith.mulf %bitcast3A_1795, %pack3A_802 : vector<32xbf16>
        %add3A_1797 = arith.addf %add3A_1785, %mul3A_1796 : vector<32xbf16>
        %add3A_1798 = arith.addf %add3A_1788, %add3A_1791 : vector<32xbf16>
        %add3A_1799 = arith.addf %add3A_1794, %add3A_1797 : vector<32xbf16>
        %add3A_1800 = arith.addf %add3A_1798, %add3A_1799 : vector<32xbf16>
        %bitcast3A_1801 = vector.bitcast %add3A_1800 : vector<32xbf16> to vector<16xi32>
        %mul3A_1802 = arith.constant 16 : i32
        %mul3A_1803 = arith.muli %scan3A_22, %mul3A_1802 : i32
        %swap3A_1804 = arith.constant 11 : i32
        %swap3A_1805 = arith.index_cast %swap3A_1804 : i32 to index
        %swap3A_1806 = arith.index_cast %mul3A_1803 : i32 to index
        %swap3A_1807 = tpu.vector_load %arg9[%swap3A_1805, %swap3A_1806] {strides = array<i32>} : memref<16x128xi32, #tpu.memory_space<vmem>>, vector<16xi32>,
        tpu.vector_store %arg9[%swap3A_1805, %swap3A_1806], %bitcast3A_1801 {strides = array<i32>} : memref<16x128xi32, #tpu.memory_space<vmem>>, vector<16xi32>,
        %broadcast_in_dim3A_1808 = arith.constant 12 : i32
        %broadcast_in_dim3A_1809 = vector.broadcast %broadcast_in_dim3A_1808 : i32 to vector<16xi32>
        %gather3A_1810 = tpu.vector_load_idx %arg6[%broadcast_in_dim3A_1809, %add3A_107] : memref<16x4096xi32, #tpu.memory_space<vmem>>[vector<16xi32>, vector<16xi32>], vector<16xi32>,
        %gather3A_1811 = tpu.vector_load_idx %arg6[%broadcast_in_dim3A_1809, %add3A_132] : memref<16x4096xi32, #tpu.memory_space<vmem>>[vector<16xi32>, vector<16xi32>], vector<16xi32>,
        %gather3A_1812 = tpu.vector_load_idx %arg6[%broadcast_in_dim3A_1809, %add3A_175] : memref<16x4096xi32, #tpu.memory_space<vmem>>[vector<16xi32>, vector<16xi32>], vector<16xi32>,
        %gather3A_1813 = tpu.vector_load_idx %arg6[%broadcast_in_dim3A_1809, %add3A_202] : memref<16x4096xi32, #tpu.memory_space<vmem>>[vector<16xi32>, vector<16xi32>], vector<16xi32>,
        %gather3A_1814 = tpu.vector_load_idx %arg6[%broadcast_in_dim3A_1809, %add3A_303] : memref<16x4096xi32, #tpu.memory_space<vmem>>[vector<16xi32>, vector<16xi32>], vector<16xi32>,
        %gather3A_1815 = tpu.vector_load_idx %arg6[%broadcast_in_dim3A_1809, %add3A_330] : memref<16x4096xi32, #tpu.memory_space<vmem>>[vector<16xi32>, vector<16xi32>], vector<16xi32>,
        %gather3A_1816 = tpu.vector_load_idx %arg6[%broadcast_in_dim3A_1809, %add3A_373] : memref<16x4096xi32, #tpu.memory_space<vmem>>[vector<16xi32>, vector<16xi32>], vector<16xi32>,
        %gather3A_1817 = tpu.vector_load_idx %arg6[%broadcast_in_dim3A_1809, %add3A_400] : memref<16x4096xi32, #tpu.memory_space<vmem>>[vector<16xi32>, vector<16xi32>], vector<16xi32>,
        %gather3A_1818 = tpu.vector_load_idx %arg6[%broadcast_in_dim3A_1809, %add3A_501] : memref<16x4096xi32, #tpu.memory_space<vmem>>[vector<16xi32>, vector<16xi32>], vector<16xi32>,
        %gather3A_1819 = tpu.vector_load_idx %arg6[%broadcast_in_dim3A_1809, %add3A_528] : memref<16x4096xi32, #tpu.memory_space<vmem>>[vector<16xi32>, vector<16xi32>], vector<16xi32>,
        %gather3A_1820 = tpu.vector_load_idx %arg6[%broadcast_in_dim3A_1809, %add3A_571] : memref<16x4096xi32, #tpu.memory_space<vmem>>[vector<16xi32>, vector<16xi32>], vector<16xi32>,
        %gather3A_1821 = tpu.vector_load_idx %arg6[%broadcast_in_dim3A_1809, %add3A_598] : memref<16x4096xi32, #tpu.memory_space<vmem>>[vector<16xi32>, vector<16xi32>], vector<16xi32>,
        %gather3A_1822 = tpu.vector_load_idx %arg6[%broadcast_in_dim3A_1809, %add3A_699] : memref<16x4096xi32, #tpu.memory_space<vmem>>[vector<16xi32>, vector<16xi32>], vector<16xi32>,
        %gather3A_1823 = tpu.vector_load_idx %arg6[%broadcast_in_dim3A_1809, %add3A_726] : memref<16x4096xi32, #tpu.memory_space<vmem>>[vector<16xi32>, vector<16xi32>], vector<16xi32>,
        %gather3A_1824 = tpu.vector_load_idx %arg6[%broadcast_in_dim3A_1809, %add3A_769] : memref<16x4096xi32, #tpu.memory_space<vmem>>[vector<16xi32>, vector<16xi32>], vector<16xi32>,
        %gather3A_1825 = tpu.vector_load_idx %arg6[%broadcast_in_dim3A_1809, %add3A_796] : memref<16x4096xi32, #tpu.memory_space<vmem>>[vector<16xi32>, vector<16xi32>], vector<16xi32>,
        %broadcast_in_dim3A_1826 = arith.constant 0.000000e+00 : bf16
        %broadcast_in_dim3A_1827 = vector.broadcast %broadcast_in_dim3A_1826 : bf16 to vector<32xbf16>
        %broadcast_in_dim3A_1828 = arith.constant 0.000000e+00 : bf16
        %broadcast_in_dim3A_1829 = vector.broadcast %broadcast_in_dim3A_1828 : bf16 to vector<32xbf16>
        %broadcast_in_dim3A_1830 = arith.constant 0.000000e+00 : bf16
        %broadcast_in_dim3A_1831 = vector.broadcast %broadcast_in_dim3A_1830 : bf16 to vector<32xbf16>
        %broadcast_in_dim3A_1832 = arith.constant 0.000000e+00 : bf16
        %broadcast_in_dim3A_1833 = vector.broadcast %broadcast_in_dim3A_1832 : bf16 to vector<32xbf16>
        %bitcast3A_1834 = vector.bitcast %gather3A_1810 : vector<16xi32> to vector<32xbf16>
        %mul3A_1835 = arith.mulf %bitcast3A_1834, %pack3A : vector<32xbf16>
        %add3A_1836 = arith.addf %broadcast_in_dim3A_1827, %mul3A_1835 : vector<32xbf16>
        %bitcast3A_1837 = vector.bitcast %gather3A_1811 : vector<16xi32> to vector<32xbf16>
        %mul3A_1838 = arith.mulf %bitcast3A_1837, %pack3A_138 : vector<32xbf16>
        %add3A_1839 = arith.addf %broadcast_in_dim3A_1829, %mul3A_1838 : vector<32xbf16>
        %bitcast3A_1840 = vector.bitcast %gather3A_1812 : vector<16xi32> to vector<32xbf16>
        %mul3A_1841 = arith.mulf %bitcast3A_1840, %pack3A_181 : vector<32xbf16>
        %add3A_1842 = arith.addf %broadcast_in_dim3A_1831, %mul3A_1841 : vector<32xbf16>
        %bitcast3A_1843 = vector.bitcast %gather3A_1813 : vector<16xi32> to vector<32xbf16>
        %mul3A_1844 = arith.mulf %bitcast3A_1843, %pack3A_208 : vector<32xbf16>
        %add3A_1845 = arith.addf %broadcast_in_dim3A_1833, %mul3A_1844 : vector<32xbf16>
        %bitcast3A_1846 = vector.bitcast %gather3A_1814 : vector<16xi32> to vector<32xbf16>
        %mul3A_1847 = arith.mulf %bitcast3A_1846, %pack3A_309 : vector<32xbf16>
        %add3A_1848 = arith.addf %add3A_1836, %mul3A_1847 : vector<32xbf16>
        %bitcast3A_1849 = vector.bitcast %gather3A_1815 : vector<16xi32> to vector<32xbf16>
        %mul3A_1850 = arith.mulf %bitcast3A_1849, %pack3A_336 : vector<32xbf16>
        %add3A_1851 = arith.addf %add3A_1839, %mul3A_1850 : vector<32xbf16>
        %bitcast3A_1852 = vector.bitcast %gather3A_1816 : vector<16xi32> to vector<32xbf16>
        %mul3A_1853 = arith.mulf %bitcast3A_1852, %pack3A_379 : vector<32xbf16>
        %add3A_1854 = arith.addf %add3A_1842, %mul3A_1853 : vector<32xbf16>
        %bitcast3A_1855 = vector.bitcast %gather3A_1817 : vector<16xi32> to vector<32xbf16>
        %mul3A_1856 = arith.mulf %bitcast3A_1855, %pack3A_406 : vector<32xbf16>
        %add3A_1857 = arith.addf %add3A_1845, %mul3A_1856 : vector<32xbf16>
        %bitcast3A_1858 = vector.bitcast %gather3A_1818 : vector<16xi32> to vector<32xbf16>
        %mul3A_1859 = arith.mulf %bitcast3A_1858, %pack3A_507 : vector<32xbf16>
        %add3A_1860 = arith.addf %add3A_1848, %mul3A_1859 : vector<32xbf16>
        %bitcast3A_1861 = vector.bitcast %gather3A_1819 : vector<16xi32> to vector<32xbf16>
        %mul3A_1862 = arith.mulf %bitcast3A_1861, %pack3A_534 : vector<32xbf16>
        %add3A_1863 = arith.addf %add3A_1851, %mul3A_1862 : vector<32xbf16>
        %bitcast3A_1864 = vector.bitcast %gather3A_1820 : vector<16xi32> to vector<32xbf16>
        %mul3A_1865 = arith.mulf %bitcast3A_1864, %pack3A_577 : vector<32xbf16>
        %add3A_1866 = arith.addf %add3A_1854, %mul3A_1865 : vector<32xbf16>
        %bitcast3A_1867 = vector.bitcast %gather3A_1821 : vector<16xi32> to vector<32xbf16>
        %mul3A_1868 = arith.mulf %bitcast3A_1867, %pack3A_604 : vector<32xbf16>
        %add3A_1869 = arith.addf %add3A_1857, %mul3A_1868 : vector<32xbf16>
        %bitcast3A_1870 = vector.bitcast %gather3A_1822 : vector<16xi32> to vector<32xbf16>
        %mul3A_1871 = arith.mulf %bitcast3A_1870, %pack3A_705 : vector<32xbf16>
        %add3A_1872 = arith.addf %add3A_1860, %mul3A_1871 : vector<32xbf16>
        %bitcast3A_1873 = vector.bitcast %gather3A_1823 : vector<16xi32> to vector<32xbf16>
        %mul3A_1874 = arith.mulf %bitcast3A_1873, %pack3A_732 : vector<32xbf16>
        %add3A_1875 = arith.addf %add3A_1863, %mul3A_1874 : vector<32xbf16>
        %bitcast3A_1876 = vector.bitcast %gather3A_1824 : vector<16xi32> to vector<32xbf16>
        %mul3A_1877 = arith.mulf %bitcast3A_1876, %pack3A_775 : vector<32xbf16>
        %add3A_1878 = arith.addf %add3A_1866, %mul3A_1877 : vector<32xbf16>
        %bitcast3A_1879 = vector.bitcast %gather3A_1825 : vector<16xi32> to vector<32xbf16>
        %mul3A_1880 = arith.mulf %bitcast3A_1879, %pack3A_802 : vector<32xbf16>
        %add3A_1881 = arith.addf %add3A_1869, %mul3A_1880 : vector<32xbf16>
        %add3A_1882 = arith.addf %add3A_1872, %add3A_1875 : vector<32xbf16>
        %add3A_1883 = arith.addf %add3A_1878, %add3A_1881 : vector<32xbf16>
        %add3A_1884 = arith.addf %add3A_1882, %add3A_1883 : vector<32xbf16>
        %bitcast3A_1885 = vector.bitcast %add3A_1884 : vector<32xbf16> to vector<16xi32>
        %mul3A_1886 = arith.constant 16 : i32
        %mul3A_1887 = arith.muli %scan3A_22, %mul3A_1886 : i32
        %swap3A_1888 = arith.constant 12 : i32
        %swap3A_1889 = arith.index_cast %swap3A_1888 : i32 to index
        %swap3A_1890 = arith.index_cast %mul3A_1887 : i32 to index
        %swap3A_1891 = tpu.vector_load %arg9[%swap3A_1889, %swap3A_1890] {strides = array<i32>} : memref<16x128xi32, #tpu.memory_space<vmem>>, vector<16xi32>,
        tpu.vector_store %arg9[%swap3A_1889, %swap3A_1890], %bitcast3A_1885 {strides = array<i32>} : memref<16x128xi32, #tpu.memory_space<vmem>>, vector<16xi32>,
        %broadcast_in_dim3A_1892 = arith.constant 13 : i32
        %broadcast_in_dim3A_1893 = vector.broadcast %broadcast_in_dim3A_1892 : i32 to vector<16xi32>
        %gather3A_1894 = tpu.vector_load_idx %arg6[%broadcast_in_dim3A_1893, %add3A_107] : memref<16x4096xi32, #tpu.memory_space<vmem>>[vector<16xi32>, vector<16xi32>], vector<16xi32>,
        %gather3A_1895 = tpu.vector_load_idx %arg6[%broadcast_in_dim3A_1893, %add3A_132] : memref<16x4096xi32, #tpu.memory_space<vmem>>[vector<16xi32>, vector<16xi32>], vector<16xi32>,
        %gather3A_1896 = tpu.vector_load_idx %arg6[%broadcast_in_dim3A_1893, %add3A_175] : memref<16x4096xi32, #tpu.memory_space<vmem>>[vector<16xi32>, vector<16xi32>], vector<16xi32>,
        %gather3A_1897 = tpu.vector_load_idx %arg6[%broadcast_in_dim3A_1893, %add3A_202] : memref<16x4096xi32, #tpu.memory_space<vmem>>[vector<16xi32>, vector<16xi32>], vector<16xi32>,
        %gather3A_1898 = tpu.vector_load_idx %arg6[%broadcast_in_dim3A_1893, %add3A_303] : memref<16x4096xi32, #tpu.memory_space<vmem>>[vector<16xi32>, vector<16xi32>], vector<16xi32>,
        %gather3A_1899 = tpu.vector_load_idx %arg6[%broadcast_in_dim3A_1893, %add3A_330] : memref<16x4096xi32, #tpu.memory_space<vmem>>[vector<16xi32>, vector<16xi32>], vector<16xi32>,
        %gather3A_1900 = tpu.vector_load_idx %arg6[%broadcast_in_dim3A_1893, %add3A_373] : memref<16x4096xi32, #tpu.memory_space<vmem>>[vector<16xi32>, vector<16xi32>], vector<16xi32>,
        %gather3A_1901 = tpu.vector_load_idx %arg6[%broadcast_in_dim3A_1893, %add3A_400] : memref<16x4096xi32, #tpu.memory_space<vmem>>[vector<16xi32>, vector<16xi32>], vector<16xi32>,
        %gather3A_1902 = tpu.vector_load_idx %arg6[%broadcast_in_dim3A_1893, %add3A_501] : memref<16x4096xi32, #tpu.memory_space<vmem>>[vector<16xi32>, vector<16xi32>], vector<16xi32>,
        %gather3A_1903 = tpu.vector_load_idx %arg6[%broadcast_in_dim3A_1893, %add3A_528] : memref<16x4096xi32, #tpu.memory_space<vmem>>[vector<16xi32>, vector<16xi32>], vector<16xi32>,
        %gather3A_1904 = tpu.vector_load_idx %arg6[%broadcast_in_dim3A_1893, %add3A_571] : memref<16x4096xi32, #tpu.memory_space<vmem>>[vector<16xi32>, vector<16xi32>], vector<16xi32>,
        %gather3A_1905 = tpu.vector_load_idx %arg6[%broadcast_in_dim3A_1893, %add3A_598] : memref<16x4096xi32, #tpu.memory_space<vmem>>[vector<16xi32>, vector<16xi32>], vector<16xi32>,
        %gather3A_1906 = tpu.vector_load_idx %arg6[%broadcast_in_dim3A_1893, %add3A_699] : memref<16x4096xi32, #tpu.memory_space<vmem>>[vector<16xi32>, vector<16xi32>], vector<16xi32>,
        %gather3A_1907 = tpu.vector_load_idx %arg6[%broadcast_in_dim3A_1893, %add3A_726] : memref<16x4096xi32, #tpu.memory_space<vmem>>[vector<16xi32>, vector<16xi32>], vector<16xi32>,
        %gather3A_1908 = tpu.vector_load_idx %arg6[%broadcast_in_dim3A_1893, %add3A_769] : memref<16x4096xi32, #tpu.memory_space<vmem>>[vector<16xi32>, vector<16xi32>], vector<16xi32>,
        %gather3A_1909 = tpu.vector_load_idx %arg6[%broadcast_in_dim3A_1893, %add3A_796] : memref<16x4096xi32, #tpu.memory_space<vmem>>[vector<16xi32>, vector<16xi32>], vector<16xi32>,
        %broadcast_in_dim3A_1910 = arith.constant 0.000000e+00 : bf16
        %broadcast_in_dim3A_1911 = vector.broadcast %broadcast_in_dim3A_1910 : bf16 to vector<32xbf16>
        %broadcast_in_dim3A_1912 = arith.constant 0.000000e+00 : bf16
        %broadcast_in_dim3A_1913 = vector.broadcast %broadcast_in_dim3A_1912 : bf16 to vector<32xbf16>
        %broadcast_in_dim3A_1914 = arith.constant 0.000000e+00 : bf16
        %broadcast_in_dim3A_1915 = vector.broadcast %broadcast_in_dim3A_1914 : bf16 to vector<32xbf16>
        %broadcast_in_dim3A_1916 = arith.constant 0.000000e+00 : bf16
        %broadcast_in_dim3A_1917 = vector.broadcast %broadcast_in_dim3A_1916 : bf16 to vector<32xbf16>
        %bitcast3A_1918 = vector.bitcast %gather3A_1894 : vector<16xi32> to vector<32xbf16>
        %mul3A_1919 = arith.mulf %bitcast3A_1918, %pack3A : vector<32xbf16>
        %add3A_1920 = arith.addf %broadcast_in_dim3A_1911, %mul3A_1919 : vector<32xbf16>
        %bitcast3A_1921 = vector.bitcast %gather3A_1895 : vector<16xi32> to vector<32xbf16>
        %mul3A_1922 = arith.mulf %bitcast3A_1921, %pack3A_138 : vector<32xbf16>
        %add3A_1923 = arith.addf %broadcast_in_dim3A_1913, %mul3A_1922 : vector<32xbf16>
        %bitcast3A_1924 = vector.bitcast %gather3A_1896 : vector<16xi32> to vector<32xbf16>
        %mul3A_1925 = arith.mulf %bitcast3A_1924, %pack3A_181 : vector<32xbf16>
        %add3A_1926 = arith.addf %broadcast_in_dim3A_1915, %mul3A_1925 : vector<32xbf16>
        %bitcast3A_1927 = vector.bitcast %gather3A_1897 : vector<16xi32> to vector<32xbf16>
        %mul3A_1928 = arith.mulf %bitcast3A_1927, %pack3A_208 : vector<32xbf16>
        %add3A_1929 = arith.addf %broadcast_in_dim3A_1917, %mul3A_1928 : vector<32xbf16>
        %bitcast3A_1930 = vector.bitcast %gather3A_1898 : vector<16xi32> to vector<32xbf16>
        %mul3A_1931 = arith.mulf %bitcast3A_1930, %pack3A_309 : vector<32xbf16>
        %add3A_1932 = arith.addf %add3A_1920, %mul3A_1931 : vector<32xbf16>
        %bitcast3A_1933 = vector.bitcast %gather3A_1899 : vector<16xi32> to vector<32xbf16>
        %mul3A_1934 = arith.mulf %bitcast3A_1933, %pack3A_336 : vector<32xbf16>
        %add3A_1935 = arith.addf %add3A_1923, %mul3A_1934 : vector<32xbf16>
        %bitcast3A_1936 = vector.bitcast %gather3A_1900 : vector<16xi32> to vector<32xbf16>
        %mul3A_1937 = arith.mulf %bitcast3A_1936, %pack3A_379 : vector<32xbf16>
        %add3A_1938 = arith.addf %add3A_1926, %mul3A_1937 : vector<32xbf16>
        %bitcast3A_1939 = vector.bitcast %gather3A_1901 : vector<16xi32> to vector<32xbf16>
        %mul3A_1940 = arith.mulf %bitcast3A_1939, %pack3A_406 : vector<32xbf16>
        %add3A_1941 = arith.addf %add3A_1929, %mul3A_1940 : vector<32xbf16>
        %bitcast3A_1942 = vector.bitcast %gather3A_1902 : vector<16xi32> to vector<32xbf16>
        %mul3A_1943 = arith.mulf %bitcast3A_1942, %pack3A_507 : vector<32xbf16>
        %add3A_1944 = arith.addf %add3A_1932, %mul3A_1943 : vector<32xbf16>
        %bitcast3A_1945 = vector.bitcast %gather3A_1903 : vector<16xi32> to vector<32xbf16>
        %mul3A_1946 = arith.mulf %bitcast3A_1945, %pack3A_534 : vector<32xbf16>
        %add3A_1947 = arith.addf %add3A_1935, %mul3A_1946 : vector<32xbf16>
        %bitcast3A_1948 = vector.bitcast %gather3A_1904 : vector<16xi32> to vector<32xbf16>
        %mul3A_1949 = arith.mulf %bitcast3A_1948, %pack3A_577 : vector<32xbf16>
        %add3A_1950 = arith.addf %add3A_1938, %mul3A_1949 : vector<32xbf16>
        %bitcast3A_1951 = vector.bitcast %gather3A_1905 : vector<16xi32> to vector<32xbf16>
        %mul3A_1952 = arith.mulf %bitcast3A_1951, %pack3A_604 : vector<32xbf16>
        %add3A_1953 = arith.addf %add3A_1941, %mul3A_1952 : vector<32xbf16>
        %bitcast3A_1954 = vector.bitcast %gather3A_1906 : vector<16xi32> to vector<32xbf16>
        %mul3A_1955 = arith.mulf %bitcast3A_1954, %pack3A_705 : vector<32xbf16>
        %add3A_1956 = arith.addf %add3A_1944, %mul3A_1955 : vector<32xbf16>
        %bitcast3A_1957 = vector.bitcast %gather3A_1907 : vector<16xi32> to vector<32xbf16>
        %mul3A_1958 = arith.mulf %bitcast3A_1957, %pack3A_732 : vector<32xbf16>
        %add3A_1959 = arith.addf %add3A_1947, %mul3A_1958 : vector<32xbf16>
        %bitcast3A_1960 = vector.bitcast %gather3A_1908 : vector<16xi32> to vector<32xbf16>
        %mul3A_1961 = arith.mulf %bitcast3A_1960, %pack3A_775 : vector<32xbf16>
        %add3A_1962 = arith.addf %add3A_1950, %mul3A_1961 : vector<32xbf16>
        %bitcast3A_1963 = vector.bitcast %gather3A_1909 : vector<16xi32> to vector<32xbf16>
        %mul3A_1964 = arith.mulf %bitcast3A_1963, %pack3A_802 : vector<32xbf16>
        %add3A_1965 = arith.addf %add3A_1953, %mul3A_1964 : vector<32xbf16>
        %add3A_1966 = arith.addf %add3A_1956, %add3A_1959 : vector<32xbf16>
        %add3A_1967 = arith.addf %add3A_1962, %add3A_1965 : vector<32xbf16>
        %add3A_1968 = arith.addf %add3A_1966, %add3A_1967 : vector<32xbf16>
        %bitcast3A_1969 = vector.bitcast %add3A_1968 : vector<32xbf16> to vector<16xi32>
        %mul3A_1970 = arith.constant 16 : i32
        %mul3A_1971 = arith.muli %scan3A_22, %mul3A_1970 : i32
        %swap3A_1972 = arith.constant 13 : i32
        %swap3A_1973 = arith.index_cast %swap3A_1972 : i32 to index
        %swap3A_1974 = arith.index_cast %mul3A_1971 : i32 to index
        %swap3A_1975 = tpu.vector_load %arg9[%swap3A_1973, %swap3A_1974] {strides = array<i32>} : memref<16x128xi32, #tpu.memory_space<vmem>>, vector<16xi32>,
        tpu.vector_store %arg9[%swap3A_1973, %swap3A_1974], %bitcast3A_1969 {strides = array<i32>} : memref<16x128xi32, #tpu.memory_space<vmem>>, vector<16xi32>,
        %broadcast_in_dim3A_1976 = arith.constant 14 : i32
        %broadcast_in_dim3A_1977 = vector.broadcast %broadcast_in_dim3A_1976 : i32 to vector<16xi32>
        %gather3A_1978 = tpu.vector_load_idx %arg6[%broadcast_in_dim3A_1977, %add3A_107] : memref<16x4096xi32, #tpu.memory_space<vmem>>[vector<16xi32>, vector<16xi32>], vector<16xi32>,
        %gather3A_1979 = tpu.vector_load_idx %arg6[%broadcast_in_dim3A_1977, %add3A_132] : memref<16x4096xi32, #tpu.memory_space<vmem>>[vector<16xi32>, vector<16xi32>], vector<16xi32>,
        %gather3A_1980 = tpu.vector_load_idx %arg6[%broadcast_in_dim3A_1977, %add3A_175] : memref<16x4096xi32, #tpu.memory_space<vmem>>[vector<16xi32>, vector<16xi32>], vector<16xi32>,
        %gather3A_1981 = tpu.vector_load_idx %arg6[%broadcast_in_dim3A_1977, %add3A_202] : memref<16x4096xi32, #tpu.memory_space<vmem>>[vector<16xi32>, vector<16xi32>], vector<16xi32>,
        %gather3A_1982 = tpu.vector_load_idx %arg6[%broadcast_in_dim3A_1977, %add3A_303] : memref<16x4096xi32, #tpu.memory_space<vmem>>[vector<16xi32>, vector<16xi32>], vector<16xi32>,
        %gather3A_1983 = tpu.vector_load_idx %arg6[%broadcast_in_dim3A_1977, %add3A_330] : memref<16x4096xi32, #tpu.memory_space<vmem>>[vector<16xi32>, vector<16xi32>], vector<16xi32>,
        %gather3A_1984 = tpu.vector_load_idx %arg6[%broadcast_in_dim3A_1977, %add3A_373] : memref<16x4096xi32, #tpu.memory_space<vmem>>[vector<16xi32>, vector<16xi32>], vector<16xi32>,
        %gather3A_1985 = tpu.vector_load_idx %arg6[%broadcast_in_dim3A_1977, %add3A_400] : memref<16x4096xi32, #tpu.memory_space<vmem>>[vector<16xi32>, vector<16xi32>], vector<16xi32>,
        %gather3A_1986 = tpu.vector_load_idx %arg6[%broadcast_in_dim3A_1977, %add3A_501] : memref<16x4096xi32, #tpu.memory_space<vmem>>[vector<16xi32>, vector<16xi32>], vector<16xi32>,
        %gather3A_1987 = tpu.vector_load_idx %arg6[%broadcast_in_dim3A_1977, %add3A_528] : memref<16x4096xi32, #tpu.memory_space<vmem>>[vector<16xi32>, vector<16xi32>], vector<16xi32>,
        %gather3A_1988 = tpu.vector_load_idx %arg6[%broadcast_in_dim3A_1977, %add3A_571] : memref<16x4096xi32, #tpu.memory_space<vmem>>[vector<16xi32>, vector<16xi32>], vector<16xi32>,
        %gather3A_1989 = tpu.vector_load_idx %arg6[%broadcast_in_dim3A_1977, %add3A_598] : memref<16x4096xi32, #tpu.memory_space<vmem>>[vector<16xi32>, vector<16xi32>], vector<16xi32>,
        %gather3A_1990 = tpu.vector_load_idx %arg6[%broadcast_in_dim3A_1977, %add3A_699] : memref<16x4096xi32, #tpu.memory_space<vmem>>[vector<16xi32>, vector<16xi32>], vector<16xi32>,
        %gather3A_1991 = tpu.vector_load_idx %arg6[%broadcast_in_dim3A_1977, %add3A_726] : memref<16x4096xi32, #tpu.memory_space<vmem>>[vector<16xi32>, vector<16xi32>], vector<16xi32>,
        %gather3A_1992 = tpu.vector_load_idx %arg6[%broadcast_in_dim3A_1977, %add3A_769] : memref<16x4096xi32, #tpu.memory_space<vmem>>[vector<16xi32>, vector<16xi32>], vector<16xi32>,
        %gather3A_1993 = tpu.vector_load_idx %arg6[%broadcast_in_dim3A_1977, %add3A_796] : memref<16x4096xi32, #tpu.memory_space<vmem>>[vector<16xi32>, vector<16xi32>], vector<16xi32>,
        %broadcast_in_dim3A_1994 = arith.constant 0.000000e+00 : bf16
        %broadcast_in_dim3A_1995 = vector.broadcast %broadcast_in_dim3A_1994 : bf16 to vector<32xbf16>
        %broadcast_in_dim3A_1996 = arith.constant 0.000000e+00 : bf16
        %broadcast_in_dim3A_1997 = vector.broadcast %broadcast_in_dim3A_1996 : bf16 to vector<32xbf16>
        %broadcast_in_dim3A_1998 = arith.constant 0.000000e+00 : bf16
        %broadcast_in_dim3A_1999 = vector.broadcast %broadcast_in_dim3A_1998 : bf16 to vector<32xbf16>
        %broadcast_in_dim3A_2000 = arith.constant 0.000000e+00 : bf16
        %broadcast_in_dim3A_2001 = vector.broadcast %broadcast_in_dim3A_2000 : bf16 to vector<32xbf16>
        %bitcast3A_2002 = vector.bitcast %gather3A_1978 : vector<16xi32> to vector<32xbf16>
        %mul3A_2003 = arith.mulf %bitcast3A_2002, %pack3A : vector<32xbf16>
        %add3A_2004 = arith.addf %broadcast_in_dim3A_1995, %mul3A_2003 : vector<32xbf16>
        %bitcast3A_2005 = vector.bitcast %gather3A_1979 : vector<16xi32> to vector<32xbf16>
        %mul3A_2006 = arith.mulf %bitcast3A_2005, %pack3A_138 : vector<32xbf16>
        %add3A_2007 = arith.addf %broadcast_in_dim3A_1997, %mul3A_2006 : vector<32xbf16>
        %bitcast3A_2008 = vector.bitcast %gather3A_1980 : vector<16xi32> to vector<32xbf16>
        %mul3A_2009 = arith.mulf %bitcast3A_2008, %pack3A_181 : vector<32xbf16>
        %add3A_2010 = arith.addf %broadcast_in_dim3A_1999, %mul3A_2009 : vector<32xbf16>
        %bitcast3A_2011 = vector.bitcast %gather3A_1981 : vector<16xi32> to vector<32xbf16>
        %mul3A_2012 = arith.mulf %bitcast3A_2011, %pack3A_208 : vector<32xbf16>
        %add3A_2013 = arith.addf %broadcast_in_dim3A_2001, %mul3A_2012 : vector<32xbf16>
        %bitcast3A_2014 = vector.bitcast %gather3A_1982 : vector<16xi32> to vector<32xbf16>
        %mul3A_2015 = arith.mulf %bitcast3A_2014, %pack3A_309 : vector<32xbf16>
        %add3A_2016 = arith.addf %add3A_2004, %mul3A_2015 : vector<32xbf16>
        %bitcast3A_2017 = vector.bitcast %gather3A_1983 : vector<16xi32> to vector<32xbf16>
        %mul3A_2018 = arith.mulf %bitcast3A_2017, %pack3A_336 : vector<32xbf16>
        %add3A_2019 = arith.addf %add3A_2007, %mul3A_2018 : vector<32xbf16>
        %bitcast3A_2020 = vector.bitcast %gather3A_1984 : vector<16xi32> to vector<32xbf16>
        %mul3A_2021 = arith.mulf %bitcast3A_2020, %pack3A_379 : vector<32xbf16>
        %add3A_2022 = arith.addf %add3A_2010, %mul3A_2021 : vector<32xbf16>
        %bitcast3A_2023 = vector.bitcast %gather3A_1985 : vector<16xi32> to vector<32xbf16>
        %mul3A_2024 = arith.mulf %bitcast3A_2023, %pack3A_406 : vector<32xbf16>
        %add3A_2025 = arith.addf %add3A_2013, %mul3A_2024 : vector<32xbf16>
        %bitcast3A_2026 = vector.bitcast %gather3A_1986 : vector<16xi32> to vector<32xbf16>
        %mul3A_2027 = arith.mulf %bitcast3A_2026, %pack3A_507 : vector<32xbf16>
        %add3A_2028 = arith.addf %add3A_2016, %mul3A_2027 : vector<32xbf16>
        %bitcast3A_2029 = vector.bitcast %gather3A_1987 : vector<16xi32> to vector<32xbf16>
        %mul3A_2030 = arith.mulf %bitcast3A_2029, %pack3A_534 : vector<32xbf16>
        %add3A_2031 = arith.addf %add3A_2019, %mul3A_2030 : vector<32xbf16>
        %bitcast3A_2032 = vector.bitcast %gather3A_1988 : vector<16xi32> to vector<32xbf16>
        %mul3A_2033 = arith.mulf %bitcast3A_2032, %pack3A_577 : vector<32xbf16>
        %add3A_2034 = arith.addf %add3A_2022, %mul3A_2033 : vector<32xbf16>
        %bitcast3A_2035 = vector.bitcast %gather3A_1989 : vector<16xi32> to vector<32xbf16>
        %mul3A_2036 = arith.mulf %bitcast3A_2035, %pack3A_604 : vector<32xbf16>
        %add3A_2037 = arith.addf %add3A_2025, %mul3A_2036 : vector<32xbf16>
        %bitcast3A_2038 = vector.bitcast %gather3A_1990 : vector<16xi32> to vector<32xbf16>
        %mul3A_2039 = arith.mulf %bitcast3A_2038, %pack3A_705 : vector<32xbf16>
        %add3A_2040 = arith.addf %add3A_2028, %mul3A_2039 : vector<32xbf16>
        %bitcast3A_2041 = vector.bitcast %gather3A_1991 : vector<16xi32> to vector<32xbf16>
        %mul3A_2042 = arith.mulf %bitcast3A_2041, %pack3A_732 : vector<32xbf16>
        %add3A_2043 = arith.addf %add3A_2031, %mul3A_2042 : vector<32xbf16>
        %bitcast3A_2044 = vector.bitcast %gather3A_1992 : vector<16xi32> to vector<32xbf16>
        %mul3A_2045 = arith.mulf %bitcast3A_2044, %pack3A_775 : vector<32xbf16>
        %add3A_2046 = arith.addf %add3A_2034, %mul3A_2045 : vector<32xbf16>
        %bitcast3A_2047 = vector.bitcast %gather3A_1993 : vector<16xi32> to vector<32xbf16>
        %mul3A_2048 = arith.mulf %bitcast3A_2047, %pack3A_802 : vector<32xbf16>
        %add3A_2049 = arith.addf %add3A_2037, %mul3A_2048 : vector<32xbf16>
        %add3A_2050 = arith.addf %add3A_2040, %add3A_2043 : vector<32xbf16>
        %add3A_2051 = arith.addf %add3A_2046, %add3A_2049 : vector<32xbf16>
        %add3A_2052 = arith.addf %add3A_2050, %add3A_2051 : vector<32xbf16>
        %bitcast3A_2053 = vector.bitcast %add3A_2052 : vector<32xbf16> to vector<16xi32>
        %mul3A_2054 = arith.constant 16 : i32
        %mul3A_2055 = arith.muli %scan3A_22, %mul3A_2054 : i32
        %swap3A_2056 = arith.constant 14 : i32
        %swap3A_2057 = arith.index_cast %swap3A_2056 : i32 to index
        %swap3A_2058 = arith.index_cast %mul3A_2055 : i32 to index
        %swap3A_2059 = tpu.vector_load %arg9[%swap3A_2057, %swap3A_2058] {strides = array<i32>} : memref<16x128xi32, #tpu.memory_space<vmem>>, vector<16xi32>,
        tpu.vector_store %arg9[%swap3A_2057, %swap3A_2058], %bitcast3A_2053 {strides = array<i32>} : memref<16x128xi32, #tpu.memory_space<vmem>>, vector<16xi32>,
        %broadcast_in_dim3A_2060 = arith.constant 15 : i32
        %broadcast_in_dim3A_2061 = vector.broadcast %broadcast_in_dim3A_2060 : i32 to vector<16xi32>
        %gather3A_2062 = tpu.vector_load_idx %arg6[%broadcast_in_dim3A_2061, %add3A_107] : memref<16x4096xi32, #tpu.memory_space<vmem>>[vector<16xi32>, vector<16xi32>], vector<16xi32>,
        %gather3A_2063 = tpu.vector_load_idx %arg6[%broadcast_in_dim3A_2061, %add3A_132] : memref<16x4096xi32, #tpu.memory_space<vmem>>[vector<16xi32>, vector<16xi32>], vector<16xi32>,
        %gather3A_2064 = tpu.vector_load_idx %arg6[%broadcast_in_dim3A_2061, %add3A_175] : memref<16x4096xi32, #tpu.memory_space<vmem>>[vector<16xi32>, vector<16xi32>], vector<16xi32>,
        %gather3A_2065 = tpu.vector_load_idx %arg6[%broadcast_in_dim3A_2061, %add3A_202] : memref<16x4096xi32, #tpu.memory_space<vmem>>[vector<16xi32>, vector<16xi32>], vector<16xi32>,
        %gather3A_2066 = tpu.vector_load_idx %arg6[%broadcast_in_dim3A_2061, %add3A_303] : memref<16x4096xi32, #tpu.memory_space<vmem>>[vector<16xi32>, vector<16xi32>], vector<16xi32>,
        %gather3A_2067 = tpu.vector_load_idx %arg6[%broadcast_in_dim3A_2061, %add3A_330] : memref<16x4096xi32, #tpu.memory_space<vmem>>[vector<16xi32>, vector<16xi32>], vector<16xi32>,
        %gather3A_2068 = tpu.vector_load_idx %arg6[%broadcast_in_dim3A_2061, %add3A_373] : memref<16x4096xi32, #tpu.memory_space<vmem>>[vector<16xi32>, vector<16xi32>], vector<16xi32>,
        %gather3A_2069 = tpu.vector_load_idx %arg6[%broadcast_in_dim3A_2061, %add3A_400] : memref<16x4096xi32, #tpu.memory_space<vmem>>[vector<16xi32>, vector<16xi32>], vector<16xi32>,
        %gather3A_2070 = tpu.vector_load_idx %arg6[%broadcast_in_dim3A_2061, %add3A_501] : memref<16x4096xi32, #tpu.memory_space<vmem>>[vector<16xi32>, vector<16xi32>], vector<16xi32>,
        %gather3A_2071 = tpu.vector_load_idx %arg6[%broadcast_in_dim3A_2061, %add3A_528] : memref<16x4096xi32, #tpu.memory_space<vmem>>[vector<16xi32>, vector<16xi32>], vector<16xi32>,
        %gather3A_2072 = tpu.vector_load_idx %arg6[%broadcast_in_dim3A_2061, %add3A_571] : memref<16x4096xi32, #tpu.memory_space<vmem>>[vector<16xi32>, vector<16xi32>], vector<16xi32>,
        %gather3A_2073 = tpu.vector_load_idx %arg6[%broadcast_in_dim3A_2061, %add3A_598] : memref<16x4096xi32, #tpu.memory_space<vmem>>[vector<16xi32>, vector<16xi32>], vector<16xi32>,
        %gather3A_2074 = tpu.vector_load_idx %arg6[%broadcast_in_dim3A_2061, %add3A_699] : memref<16x4096xi32, #tpu.memory_space<vmem>>[vector<16xi32>, vector<16xi32>], vector<16xi32>,
        %gather3A_2075 = tpu.vector_load_idx %arg6[%broadcast_in_dim3A_2061, %add3A_726] : memref<16x4096xi32, #tpu.memory_space<vmem>>[vector<16xi32>, vector<16xi32>], vector<16xi32>,
        %gather3A_2076 = tpu.vector_load_idx %arg6[%broadcast_in_dim3A_2061, %add3A_769] : memref<16x4096xi32, #tpu.memory_space<vmem>>[vector<16xi32>, vector<16xi32>], vector<16xi32>,
        %gather3A_2077 = tpu.vector_load_idx %arg6[%broadcast_in_dim3A_2061, %add3A_796] : memref<16x4096xi32, #tpu.memory_space<vmem>>[vector<16xi32>, vector<16xi32>], vector<16xi32>,
        %broadcast_in_dim3A_2078 = arith.constant 0.000000e+00 : bf16
        %broadcast_in_dim3A_2079 = vector.broadcast %broadcast_in_dim3A_2078 : bf16 to vector<32xbf16>
        %broadcast_in_dim3A_2080 = arith.constant 0.000000e+00 : bf16
        %broadcast_in_dim3A_2081 = vector.broadcast %broadcast_in_dim3A_2080 : bf16 to vector<32xbf16>
        %broadcast_in_dim3A_2082 = arith.constant 0.000000e+00 : bf16
        %broadcast_in_dim3A_2083 = vector.broadcast %broadcast_in_dim3A_2082 : bf16 to vector<32xbf16>
        %broadcast_in_dim3A_2084 = arith.constant 0.000000e+00 : bf16
        %broadcast_in_dim3A_2085 = vector.broadcast %broadcast_in_dim3A_2084 : bf16 to vector<32xbf16>
        %bitcast3A_2086 = vector.bitcast %gather3A_2062 : vector<16xi32> to vector<32xbf16>
        %mul3A_2087 = arith.mulf %bitcast3A_2086, %pack3A : vector<32xbf16>
        %add3A_2088 = arith.addf %broadcast_in_dim3A_2079, %mul3A_2087 : vector<32xbf16>
        %bitcast3A_2089 = vector.bitcast %gather3A_2063 : vector<16xi32> to vector<32xbf16>
        %mul3A_2090 = arith.mulf %bitcast3A_2089, %pack3A_138 : vector<32xbf16>
        %add3A_2091 = arith.addf %broadcast_in_dim3A_2081, %mul3A_2090 : vector<32xbf16>
        %bitcast3A_2092 = vector.bitcast %gather3A_2064 : vector<16xi32> to vector<32xbf16>
        %mul3A_2093 = arith.mulf %bitcast3A_2092, %pack3A_181 : vector<32xbf16>
        %add3A_2094 = arith.addf %broadcast_in_dim3A_2083, %mul3A_2093 : vector<32xbf16>
        %bitcast3A_2095 = vector.bitcast %gather3A_2065 : vector<16xi32> to vector<32xbf16>
        %mul3A_2096 = arith.mulf %bitcast3A_2095, %pack3A_208 : vector<32xbf16>
        %add3A_2097 = arith.addf %broadcast_in_dim3A_2085, %mul3A_2096 : vector<32xbf16>
        %bitcast3A_2098 = vector.bitcast %gather3A_2066 : vector<16xi32> to vector<32xbf16>
        %mul3A_2099 = arith.mulf %bitcast3A_2098, %pack3A_309 : vector<32xbf16>
        %add3A_2100 = arith.addf %add3A_2088, %mul3A_2099 : vector<32xbf16>
        %bitcast3A_2101 = vector.bitcast %gather3A_2067 : vector<16xi32> to vector<32xbf16>
        %mul3A_2102 = arith.mulf %bitcast3A_2101, %pack3A_336 : vector<32xbf16>
        %add3A_2103 = arith.addf %add3A_2091, %mul3A_2102 : vector<32xbf16>
        %bitcast3A_2104 = vector.bitcast %gather3A_2068 : vector<16xi32> to vector<32xbf16>
        %mul3A_2105 = arith.mulf %bitcast3A_2104, %pack3A_379 : vector<32xbf16>
        %add3A_2106 = arith.addf %add3A_2094, %mul3A_2105 : vector<32xbf16>
        %bitcast3A_2107 = vector.bitcast %gather3A_2069 : vector<16xi32> to vector<32xbf16>
        %mul3A_2108 = arith.mulf %bitcast3A_2107, %pack3A_406 : vector<32xbf16>
        %add3A_2109 = arith.addf %add3A_2097, %mul3A_2108 : vector<32xbf16>
        %bitcast3A_2110 = vector.bitcast %gather3A_2070 : vector<16xi32> to vector<32xbf16>
        %mul3A_2111 = arith.mulf %bitcast3A_2110, %pack3A_507 : vector<32xbf16>
        %add3A_2112 = arith.addf %add3A_2100, %mul3A_2111 : vector<32xbf16>
        %bitcast3A_2113 = vector.bitcast %gather3A_2071 : vector<16xi32> to vector<32xbf16>
        %mul3A_2114 = arith.mulf %bitcast3A_2113, %pack3A_534 : vector<32xbf16>
        %add3A_2115 = arith.addf %add3A_2103, %mul3A_2114 : vector<32xbf16>
        %bitcast3A_2116 = vector.bitcast %gather3A_2072 : vector<16xi32> to vector<32xbf16>
        %mul3A_2117 = arith.mulf %bitcast3A_2116, %pack3A_577 : vector<32xbf16>
        %add3A_2118 = arith.addf %add3A_2106, %mul3A_2117 : vector<32xbf16>
        %bitcast3A_2119 = vector.bitcast %gather3A_2073 : vector<16xi32> to vector<32xbf16>
        %mul3A_2120 = arith.mulf %bitcast3A_2119, %pack3A_604 : vector<32xbf16>
        %add3A_2121 = arith.addf %add3A_2109, %mul3A_2120 : vector<32xbf16>
        %bitcast3A_2122 = vector.bitcast %gather3A_2074 : vector<16xi32> to vector<32xbf16>
        %mul3A_2123 = arith.mulf %bitcast3A_2122, %pack3A_705 : vector<32xbf16>
        %add3A_2124 = arith.addf %add3A_2112, %mul3A_2123 : vector<32xbf16>
        %bitcast3A_2125 = vector.bitcast %gather3A_2075 : vector<16xi32> to vector<32xbf16>
        %mul3A_2126 = arith.mulf %bitcast3A_2125, %pack3A_732 : vector<32xbf16>
        %add3A_2127 = arith.addf %add3A_2115, %mul3A_2126 : vector<32xbf16>
        %bitcast3A_2128 = vector.bitcast %gather3A_2076 : vector<16xi32> to vector<32xbf16>
        %mul3A_2129 = arith.mulf %bitcast3A_2128, %pack3A_775 : vector<32xbf16>
        %add3A_2130 = arith.addf %add3A_2118, %mul3A_2129 : vector<32xbf16>
        %bitcast3A_2131 = vector.bitcast %gather3A_2077 : vector<16xi32> to vector<32xbf16>
        %mul3A_2132 = arith.mulf %bitcast3A_2131, %pack3A_802 : vector<32xbf16>
        %add3A_2133 = arith.addf %add3A_2121, %mul3A_2132 : vector<32xbf16>
        %add3A_2134 = arith.addf %add3A_2124, %add3A_2127 : vector<32xbf16>
        %add3A_2135 = arith.addf %add3A_2130, %add3A_2133 : vector<32xbf16>
        %add3A_2136 = arith.addf %add3A_2134, %add3A_2135 : vector<32xbf16>
        %bitcast3A_2137 = vector.bitcast %add3A_2136 : vector<32xbf16> to vector<16xi32>
        %mul3A_2138 = arith.constant 16 : i32
        %mul3A_2139 = arith.muli %scan3A_22, %mul3A_2138 : i32
        %swap3A_2140 = arith.constant 15 : i32
        %swap3A_2141 = arith.index_cast %swap3A_2140 : i32 to index
        %swap3A_2142 = arith.index_cast %mul3A_2139 : i32 to index
        %swap3A_2143 = tpu.vector_load %arg9[%swap3A_2141, %swap3A_2142] {strides = array<i32>} : memref<16x128xi32, #tpu.memory_space<vmem>>, vector<16xi32>,
        tpu.vector_store %arg9[%swap3A_2141, %swap3A_2142], %bitcast3A_2137 {strides = array<i32>} : memref<16x128xi32, #tpu.memory_space<vmem>>, vector<16xi32>,
      }
      %scan3A_19 = arith.constant 8 : i32
      %mul3A_20 = arith.constant 128 : i32
      %mul3A_21 = arith.muli %scan3A_8, %mul3A_20 : i32
      "tpu.region"() ({
        %run_scoped3A_22 = tpu.sem_alloc : memref<!tpu.dma_semaphore, #tpu.memory_space<semaphore_mem>>
        %dma_start3A = arith.constant 0 : i32
        %dma_start3A_23 = tpu.memref_slice %arg5[%add3A, %dma_start3A, %mul3A_21] : memref<32x16x4096xi32, #tpu.memory_space<hbm>> -> memref<1x16x128xi32, #tpu.memory_space<hbm>>
        %dma_start3A_24 = tpu.memref_squeeze %dma_start3A_23 : memref<1x16x128xi32, #tpu.memory_space<hbm>> -> memref<16x128xi32, #tpu.memory_space<hbm>>
        %dma_start3A_25 = arith.constant 0 : i32
        %dma_start3A_26 = tpu.memref_slice %arg5[%add3A, %dma_start3A_25, %mul3A_21] : memref<32x16x4096xi32, #tpu.memory_space<hbm>> -> memref<1x16x128xi32, #tpu.memory_space<hbm>>
        %dma_start3A_27 = tpu.memref_squeeze %dma_start3A_26 : memref<1x16x128xi32, #tpu.memory_space<hbm>> -> memref<16x128xi32, #tpu.memory_space<hbm>>
        tpu.enqueue_dma source(%arg9 : memref<16x128xi32, #tpu.memory_space<vmem>>) target(%dma_start3A_27 : memref<16x128xi32, #tpu.memory_space<hbm>>) target_semaphore(%run_scoped3A_22 : memref<!tpu.dma_semaphore, #tpu.memory_space<semaphore_mem>>)
        %dma_wait3A = arith.constant 0 : i32
        %dma_wait3A_28 = tpu.memref_slice %arg5[%add3A, %dma_wait3A, %mul3A_21] : memref<32x16x4096xi32, #tpu.memory_space<hbm>> -> memref<1x16x128xi32, #tpu.memory_space<hbm>>
        %dma_wait3A_29 = tpu.memref_squeeze %dma_wait3A_28 : memref<1x16x128xi32, #tpu.memory_space<hbm>> -> memref<16x128xi32, #tpu.memory_space<hbm>>
        %dma_wait3A_30 = arith.constant 0 : i32
        %dma_wait3A_31 = tpu.memref_slice %arg5[%add3A, %dma_wait3A_30, %mul3A_21] : memref<32x16x4096xi32, #tpu.memory_space<hbm>> -> memref<1x16x128xi32, #tpu.memory_space<hbm>>
        %dma_wait3A_32 = tpu.memref_squeeze %dma_wait3A_31 : memref<1x16x128xi32, #tpu.memory_space<hbm>> -> memref<16x128xi32, #tpu.memory_space<hbm>>
        tpu.wait_dma2 semaphore(%run_scoped3A_22 : memref<!tpu.dma_semaphore, #tpu.memory_space<semaphore_mem>>) src(%arg9 : memref<16x128xi32, #tpu.memory_space<vmem>>) dst(%dma_wait3A_32 : memref<16x128xi32, #tpu.memory_space<hbm>>)
        tpu.yield
      }) : () -> ()
    }
    %scan3A_7 = arith.constant 32 : i32
    return
  }
}

</mosaic_0001>

<sc_bundles>
// kernel: _run.3.cloned.1.call-start
scs
__scs_entry_jumppad:
0x0: {  	(pc) =	sbr.rel $0x88, $3  }
0x1: {  	(tag) =	ssettag $0x0;
	lr =	simm.s32 $0x1  }
0x2: {  	[smem:$0x3F9E] =	sst lr;
	_ =	strace $0xD0000000  }
0x3: {  	_ = 	snop  }
0x4: {  	_ = 	snop  }
0x5: {  	_ = 	snop  }
0x6: {  	_ = 	snop  }
0x7: {  	_ = 	snop  }
__scs_overlays_trampoline_lowered:
0x8: {  	[smem:$0x3FAD] =	sst s0  }
0x9: {  	[smem:$0x3FAE] =	sst s1  }
0xa: {  	[smem:$0x3FAF] =	sst s2  }
0xb: {  	[smem:$0x3FB0] =	sst s3  }
0xc: {  	[smem:$0x3FB1] =	sst s4  }
0xd: {  	[smem:$0x3FB2] =	sst s5  }
0xe: {  	[smem:$0x3FB3] =	sst s6  }
0xf: {  	[smem:$0x3FB4] =	sst s7  }
0x10: {  	[smem:$0x3FB5] =	sst s8  }
0x11: {  	[smem:$0x3FB6] =	sst s9;
	s0 =	simm.s32 @!p0 $0x0  }
0x12: {  	s1 =	sld [smem:$0x3F9C];
	s0 =	simm.s32 @p0 $0x1  }
0x13: {  	[smem:$0x3FB7] =	sst s0;
	s0 =	simm.s32 @!p1 $0x0  }
0x14: {  	s2 =	sld [smem:$0x3F9B];
	s0 =	simm.s32 @p1 $0x1  }
0x15: {  	[smem:$0x3FB8] =	sst s0;
	s0 =	simm.s32 @!p2 $0x0  }
0x16: {  	s3 =	sld [smem:$0x3FDB];
	s0 =	simm.s32 @p2 $0x1  }
0x17: {  	s4 =	simm.s32 $0x1BF5;
	[smem:$0x3FBA] =	sst s0  }
0x18: {  	s0 =	sld [smem:$0x3F9D];
	_ =	swait.ge [sflag:s4], $0x0  }
0x19: {  	s7 =	sld [smem:$0x3F9E]  }
0x1a: {  	s8 =	sadd.s32 $0xFFFFE003, lr  }
0x1b: {  	s9 =	sadd.s32 $0xFFFFFEF7, lr;
	s5 =	simm.s32 $0xFFFFFFFF;
	p2 =	slt.u32 s8, $0xFFFFF086  }
0x1c: {  	p1 =	slt.u32 s9, $0xF7A;
	s5 =	simm.s32 @!p2 $0x0  }
0x1d: {  	s5 =	simm.s32 @p1 $0x1;
	p0 =	seq.s32 s7, s2  }
0x1e: {  	s7 =	smul.u32 @!p0 $0xF7A, s2;
	p2 =	seq.s32 @!p0 s5, $0x0  }
0x1f: {  	s9 =	smul.u32 $0xF7A, s1;
	s8 =	simm.s32 @!p0 $0x1BF5;
	p2 =	por !p2, p0  }
0x20: {  	[sflag:s8] =	ssyncset.s32 @!p0 $0xFFFFF086;
	s6 =	sadd.s32 @!p0 s3, s7;
	s7 =	simm.s32 @!p0 $0x108  }
0x21: {  	s3 =	sadd.s32 s3, s9;
	s6 =	sadd.s32 @!p0 $0x88, s6;
	s7 =	simm.s32 @p2 $0x1082  }
0x22: {  	[simem:s7], [sflag:s8] =	dma.local @!p0 [hbm:s6], $0xF7A  }
0x23: {  	s9 =	sor.u32 $0xD0000000, s2;
	s6 =	simm.s32 $0x108;
	_ =	swait.ge @!p0 [sflag:s8], $0x0  }
0x24: {  	s3 =	sadd.s32 $0x88, s3;
	s6 =	simm.s32 @!p1 $0x1082;
	[sflag:s4] =	ssyncset.s32 $0xFFFFF086  }
0x25: {  	[simem:s6], [sflag:s4] =	dma.local [hbm:s3], $0xF7A  }
0x26: {  	[smem:$0x3F9E] =	sst s1;
	(tag) =	ssettag s2;
	_ =	strace s9  }
0x27: {  	s1 =	sld [smem:$0x3FAE]  }
0x28: {  	s2 =	sld [smem:$0x3FAF]  }
0x29: {  	s4 =	sld [smem:$0x3FB1]  }
0x2a: {  	p0 =	seq.s32 s5, $0x0;
	s5 =	sld [smem:$0x3FB2]  }
0x2b: {  	s6 =	sld [smem:$0x3FB3]  }
0x2c: {  	s7 =	sld [smem:$0x3FB4]  }
0x2d: {  	s3 =	simm.s32 $0x108;
	s8 =	sld [smem:$0x3FB5]  }
0x2e: {  	s3 =	simm.s32 @!p0 $0x1082;
	s9 =	sld [smem:$0x3FB6]  }
0x2f: {  	lr =	sadd.s32 s0, s3;
	s0 =	sld [smem:$0x3FAD]  }
0x30: {  	s3 =	sld [smem:$0x3FB0]  }
0x31: {  	[smem:$0x3FB9] =	sst s10  }
0x32: {  	s10 =	sld [smem:$0x3FB7];
	_ =	sdelay $0x3  }
0x33: {  	p0 =	seq.s32 s10, $0x1;
	s10 =	sld [smem:$0x3FB9];
	_ =	sdelay $0x3  }
0x34: {  	[smem:$0x3FB9] =	sst s10  }
0x35: {  	s10 =	sld [smem:$0x3FB8];
	_ =	sdelay $0x3  }
0x36: {  	p1 =	seq.s32 s10, $0x1;
	s10 =	sld [smem:$0x3FB9];
	_ =	sdelay $0x3  }
0x37: {  	[smem:$0x3FB9] =	sst s10  }
0x38: {  	s10 =	sld [smem:$0x3FBA]  }
0x39: {  	_ = 	snop;
	(pc) =	sbr.ind lr, $3  }
0x3a: {  	_ = 	snop  }
0x3b: {  	_ = 	snop  }
0x3c: {  	p2 =	seq.s32 s10, $0x1;
	s10 =	sld [smem:$0x3FB9]  }
0x3d: {  	_ =	shalt  }
0x3e: {  	_ =	shalt  }
0x3f: {  	_ =	shalt  }
0x40: {  	_ =	shalt  }
0x41: {  	_ =	shalt  }
0x42: {  	_ =	shalt  }
0x43: {  	_ =	shalt  }
0x44: {  	_ =	shalt  }
0x45: {  	_ =	shalt  }
0x46: {  	_ =	shalt  }
0x47: {  	_ =	shalt  }
0x48: {  	_ =	shalt  }
0x49: {  	_ =	shalt  }
0x4a: {  	_ =	shalt  }
0x4b: {  	_ =	shalt  }
0x4c: {  	_ =	shalt  }
0x4d: {  	_ =	shalt  }
0x4e: {  	_ =	shalt  }
0x4f: {  	_ =	shalt  }
0x50: {  	_ =	shalt  }
0x51: {  	_ =	shalt  }
0x52: {  	_ =	shalt  }
0x53: {  	_ =	shalt  }
0x54: {  	_ =	shalt  }
0x55: {  	_ =	shalt  }
0x56: {  	_ =	shalt  }
0x57: {  	_ =	shalt  }
0x58: {  	_ =	shalt  }
0x59: {  	_ =	shalt  }
0x5a: {  	_ =	shalt  }
0x5b: {  	_ =	shalt  }
0x5c: {  	_ =	shalt  }
0x5d: {  	_ =	shalt  }
0x5e: {  	_ =	shalt  }
0x5f: {  	_ =	shalt  }
0x60: {  	_ =	shalt  }
0x61: {  	_ =	shalt  }
0x62: {  	_ =	shalt  }
0x63: {  	_ =	shalt  }
0x64: {  	_ =	shalt  }
0x65: {  	_ =	shalt  }
0x66: {  	_ =	shalt  }
0x67: {  	_ =	shalt  }
0x68: {  	_ =	shalt  }
0x69: {  	_ =	shalt  }
0x6a: {  	_ =	shalt  }
0x6b: {  	_ =	shalt  }
0x6c: {  	_ =	shalt  }
0x6d: {  	_ =	shalt  }
0x6e: {  	_ =	shalt  }
0x6f: {  	_ =	shalt  }
0x70: {  	_ =	shalt  }
0x71: {  	_ =	shalt  }
0x72: {  	_ =	shalt  }
0x73: {  	_ =	shalt  }
0x74: {  	_ =	shalt  }
0x75: {  	_ =	shalt  }
0x76: {  	_ =	shalt  }
0x77: {  	_ =	shalt  }
0x78: {  	_ =	shalt  }
0x79: {  	_ =	shalt  }
0x7a: {  	_ =	shalt  }
0x7b: {  	_ =	shalt  }
0x7c: {  	_ =	shalt  }
0x7d: {  	_ =	shalt  }
0x7e: {  	_ =	shalt  }
0x7f: {  	_ =	shalt  }
0x80: {  	_ =	shalt  }
0x81: {  	_ =	shalt  }
0x82: {  	_ =	shalt  }
0x83: {  	_ =	shalt  }
0x84: {  	_ =	shalt  }
0x85: {  	_ =	shalt  }
0x86: {  	_ =	shalt  }
0x87: {  	_ =	shalt  }
.Lfunc_end0:
.L_simem_size_0:
called_computation_lowered:
.L_overlay_start_0:
0x88: {  	s2 =	sld [smem:$0x3FD9]  }
0x89: {  	s3 =	sld [smem:$0x3FFE];
	_ =	sdelay $0x1  }
0x8a: {  	s1 =	srdreg.scid  }
0x8b: {  	s0 =	sand.u32 $0x1, s1  }
0x8c: {  	s17 =	sshll.u32 s0, $0xA;
	s2 =	sadd.s32 s3, s2  }
0x8d: {  	s2 =	sadd.s32 s2, s17  }
0x8e: {  	[smem:$0x3FC5] =	sst s2  }
0x8f: {  	_ = 	snop  }
0x90: {  	s2 =	sld [smem:$0x3FC8]  }
0x91: {  	s18 =	sld [smem:$0x3FC7]  }
0x92: {  	s4 =	sld [smem:$0x3FD0];
	(tm) =	ssettm $0x1  }
0x93: {  	s5 =	sld [smem:$0x3FFB];
	_ =	sdelay $0x3  }
0x94: {  	_ =	strace s5  }
0x95: {  	s5 =	sld [smem:$0x3FFC];
	_ =	sdelay $0x3  }
0x96: {  	_ =	strace s5  }
0x97: {  	s5 =	sld [smem:$0x3FFD];
	_ =	sdelay $0x3  }
0x98: {  	_ =	strace s5  }
0x99: {  	_ =	strace $0x8FFFFFFF  }
0x9a: {  	s19 =	sld [smem:$0x3FDB];
	_ =	sdelay $0x1  }
0x9b: {  	s6 =	simm.s32 $_scs_section_size  }
0x9c: {  	s7 =	simm.s32 $_size__tile_overlayer_lowered;
	s8 =	simm.s32 $_tile_overlayer_lowered  }
0x9d: {  	s22 =	simm.s32 $0x1BFF;
	s21 =	sshll.u32 s8, $0x1;
	s5 =	sadd.s32 s6, s19  }
0x9e: {  	s9 =	simm.s32 $0x0;
	s20 =	sshll.u32 s7, $0x1;
	s7 =	sadd.s32 s21, s5  }
0x9f: {  	[timem:s9], [sflag:s22] =	dma.local [hbm:s7], s20  }
0xa0: {  	_ =	swait.ge [sflag:s22], s20  }
0xa1: {  	s6 =	ssub.s32 $0x0, s20;
	[sflag:s22] =	ssyncset.done $0x0  }
0xa2: {  	[sflag:s22] =	ssyncadd.s32 s6;
	_ =	sdelay $0x1  }
0xa3: {  	s23 =	simm.s32 $0x1B8B  }
0xa4: {  	_ =	swait.ge [sflag:s23], $0x1  }
0xa5: {  	[sflag:s23] =	ssyncset.done $0x0  }
0xa6: {  	s25 =	simm.s32 $0x1B8E;
	s24 =	sld [smem:$0x3FFE];
	[sflag:s23] =	ssyncadd.s32 $0xFFFFFFFF  }
0xa7: {  	s26 =	simm.s32 $execute0_lowered;
	[smem:$0x3FD2] =	sst s25  }
0xa8: {  	s7 =	sshll.u32 s26, $0x1;
	_ =	strace $0x80000046;
	[dreg:$0x1] =	wrdreg $0xFFFFFFFF  }
0xa9: {  	s28 =	simm.s32 $_size_execute0_lowered;
	s5 =	sadd.s32 s5, s7;
	[dreg:$0x0] =	wrdreg $0x0  }
0xaa: {  	s7 =	sshll.u32 s28, $0x1;
	[dreg:$0x2] =	wrdreg s5  }
0xab: {  	[dreg:$0x3] =	wrdreg s7  }
0xac: {  	[dreg:$0x4] =	wrdreg $0xC0  }
0xad: {  	_ =	task [dreg:s9], $0x5FFFF  }
0xae: {  	[dreg:$0x1] =	wrdreg $0xFFFFFFFF  }
0xaf: {  	[dreg:$0x0] =	wrdreg $0x60  }
0xb0: {  	[dreg:$0x2] =	wrdreg s4  }
0xb1: {  	[dreg:$0x3] =	wrdreg s2  }
0xb2: {  	[dreg:$0x4] =	wrdreg s18  }
0xb3: {  	[dreg:$0x5] =	wrdreg s24  }
0xb4: {  	[dreg:$0x6] =	wrdreg $0x9  }
0xb5: {  	_ =	task.clear_ibuf [dreg:s9], $0x7FFFF;
	_ =	strace $0x90000046  }
0xb6: {  	s29 =	simm.s32 $0x9;
	_ =	strace $0x80000048  }
0xb7: {  	_ =	swait.ge [sflag:s29], $0x1  }
0xb8: {  	[sflag:s29] =	ssyncadd.s32 $0xFFFFFFFF  }
0xb9: {  	_ =	strace $0x90000048  }
0xba: {  	_ =	sfence  }
0xbb: {  	s30 =	sld [smem:$0x0];
	_ =	sdelay $0x2  }
0xbc: {  	s31 =	sshll.u32 s1, $0xD;
	s1 =	sshrl.u32 s1, $0x2  }
0xbd: {  	s3 =	sand.u32 $0x4000, s31;
	s1 =	sadd.s32 s1, s30  }
0xbe: {  	s0 =	sor.u32 s3, s0;
	s1 =	sshll.u32 s1, $0x11  }
0xbf: {  	s0 =	sor.u32 s1, s0  }
0xc0: {  	s0 =	sadd.s32 $0x8F2B, s0  }
0xc1: {  	[sflag:s0] =	ssyncadd.remote.s32 $0x1  }
0xc2: {  	_ =	sfence.sel $0xFFFF  }
0xc3: {  	[dreg:$0x0] =	wrdreg $0xFFFFFFFF;
	(pc) =	sbr.abs _section_cstart, $3  }
0xc4: {  	[dreg:$0x1] =	wrdreg $0xFFFFFFFF  }
0xc5: {  	_ =	task.clear_ibuf [dreg:s9], $0x2FFFF;
	_ =	strace $0x9FFFFFFF  }
0xc6: {  	(tm) =	ssettm $0x7FFFFFFF  }
0xc7: {  	_ =	shalt  }
tec
execute0_lowered:
.L_overlay_start_1:
0x0: {  	(tag) =	ssettag $0x1  }
0x1: {  	s3 =	rddreg [dreg:$0x0]  }
0x2: {  	s4 =	rddreg [dreg:$0x1]  }
0x3: {  	s5 =	rddreg [dreg:$0x2]  }
0x4: {  	s6 =	rddreg [dreg:$0x3]  }
0x5: {  	s1 =	srdreg.scid;
	s0 =	rddreg [dreg:$0x4];
	s2 =	simm.s32 $0x0  }
0x6: {  	s12 =	simm.s32 $0x10400;
	s13 =	simm.s32 $0x400;
	s14 =	simm.s32 $0x8000  }
0x7: {  	s15 =	simm.s32 $0x10600;
	s16 =	simm.s32 $0x0;
	s7 =	sand.u32 $0x1, s1  }
0x8: {  	s1 =	stileid.u32;
	[smem:$0x7FF] =	sst s2;
	s8 =	sshll.u32 s7, $0x4  }
0x9: {  	s7 =	ssub.s32 $0x2, s7;
	_ =	strace $0x80000047;
	s29 =	sand.u32 $0x7, s1  }
0xa: {  	s8 =	sor.u32 s1, s8;
	s10 =	sshrl.u32 s7, $0x1;
	s30 =	sshll.u32 s29, $0xC  }
0xb: {  	s31 =	sshll.u32 s29, $0xB;
	s9 =	sshll.u32 s8, $0xD;
	s7 =	ssub.s32 s7, s10  }
0xc: {  	s8 =	sshrl.u32 s8, $0x3;
	s4 =	sadd.s32 s4, s30;
	s5 =	sadd.s32 s5, s31  }
0xd: {  	s10 =	simm.s32 $0x2000;
	s6 =	sadd.s32 s9, s6;
	s3 =	sadd.s32 s3, s9  }
0xe: {  	s11 =	sshll.u32 s8, $0xF;
	s8 =	sshll.u32 s8, $0xE;
	s7 =	smax.u32 s7, $0x1  }
0xf: {  	s9 =	simm.s32 $0x100;
	s4 =	sadd.s32 s11, s4;
	s5 =	sadd.s32 s8, s5  }
0x10: {  	v0 =	vimm.s32 $0x0;
	v52 =	vimm.bf16 $0.0e+00;
	s6 =	sadd.s32 $0x400, s6;
	s8 =	simm.s32 $0x1;
	s11 =	simm.s32 $0x10000  }
.LBB2_1:
0x11: {  	[tilespmem:s2], [sflag:$0x1] =	stream.linear.gather [hbm4b:s3+s2], $0x10000, $0x38;
	[tilespmem:$0x10E00] =	vst v63  }
0x12: {  	_ =	swait.ge [sflag:s8], $0x10000  }
0x13: {  	[sflag:s8] =	ssyncset.done $0x0  }
0x14: {  	s17 =	simm.s32 $0x0;
	[sflag:s8] =	ssyncadd.s32 $0xFFFF0000  }
.LBB2_2:
0x15: {  	s18 =	sshll.u32 s17, $0x5  }
0x16: {  	s18 =	sadd.s32 s18, s4  }
0x17: {  	[tilespmem:s11], [sflag:$0x1] =	stream.strided.gather [hbm4b:s18+s9], $0x400, s10, s9, $0x38;
	[tilespmem:$0x10E00] =	vst v63  }
0x18: {  	_ =	swait.ge [sflag:s8], $0x400  }
0x19: {  	s31 =	sshll.u32 s17, $0x6;
	[sflag:s8] =	ssyncset.done $0x0  }
0x1a: {  	s18 =	sadd.s32 s31, s5;
	[sflag:s8] =	ssyncadd.s32 $0xFFFFFC00  }
0x1b: {  	[tilespmem:s12], [sflag:$0x1] =	stream.linear.gather [hbm4b:s18+s2], $0x200, $0x38;
	[tilespmem:$0x10E00] =	vst v63  }
0x1c: {  	_ =	swait.ge [sflag:s8], $0x200  }
0x1d: {  	[sflag:s8] =	ssyncset.done $0x0  }
0x1e: {  	s18 =	simm.s32 $0xFFFFFE00;
	[sflag:s8] =	ssyncadd.s32 $0xFFFFFE00  }
.LBB2_3:
0x1f: {  	s19 =	sshra.s32 s18, $0x2  }
0x20: {  	v2 =	vld [tilespmem:s19+$0x10080]  }
0x21: {  	v3 =	vld [tilespmem:s19+$0x10100]  }
0x22: {  	v10 =	vld [tilespmem:s19+$0x10180];
	_ =	sdelay $0x3  }
0x23: {  	v2 =	vmul.f32 $6.400000000e+01, v2;
	v3 =	vmul.f32 $6.400000000e+01, v3  }
0x24: {  	v10 =	vmul.f32 $6.400000000e+01, v10  }
0x25: {  	v2 =	vadd.f32 $-5.000000000e-01, v2;
	v3 =	vadd.f32 $-5.000000000e-01, v3  }
0x26: {  	v10 =	vadd.f32 $-5.000000000e-01, v10  }
0x27: {  	v4 =	vtrunc.f32 v2;
	v6 =	vtrunc.f32 v3  }
0x28: {  	v31 =	vtrunc.f32 v10;
	v5 =	vcvt.f32.s32 v4  }
0x29: {  	vm0 =	vlt.f32 v2, v4;
	v61 =	vcvt.f32.s32 v6;
	vm1 =	vlt.f32 v3, v6  }
0x2a: {  	v32 =	vcvt.f32.s32 v31;
	v62 =	vsel vm0, $0xFFFFFFFF, v0;
	v7 =	vsel vm1, $0xFFFFFFFF, v0  }
0x2b: {  	vm8 =	vlt.f32 v10, v31;
	v5 =	vadd.s32 v5, v62;
	v4 =	vadd.s32 v61, v7  }
0x2c: {  	v14 =	vsel vm8, $0xFFFFFFFF, v0;
	v6 =	vcvt.s32.f32 v5;
	v7 =	vcvt.s32.f32 v4  }
0x2d: {  	vm14 =	vgt.s32 v4, $0x0;
	v26 =	vor.u32 v5, v4;
	vm15 =	vgt.s32 v5, $0x0  }
0x2e: {  	v8 =	vld [tilespmem:s19+$0x10480];
	v28 =	vadd.s32 $0x1, v5;
	v9 =	vnsel vm14, $0x0, v4;
	vm4 =	vlt.u32 v26, $0x40  }
0x2f: {  	v27 =	vnsel vm15, $0x0, v5;
	v12 =	vor.u32 v28, v4;
	v2 =	vsub.f32 v2, v6  }
0x30: {  	vm5 =	vgt.s32 v28, $0x0;
	v4 =	vadd.s32 $0x1, v4;
	v63 =	vsub.f32 v3, v7  }
0x31: {  	v16 =	vmin.u32 v9, $0x3F;
	v17 =	vmin.u32 v27, $0x3F;
	v3 =	vsub.f32 $1.000000000e+00, v2  }
0x32: {  	v26 =	vld [tilespmem:s19+$0x10280];
	vm6 =	vlt.u32 v12, $0x40;
	v29 =	vnsel vm5, $0x0, v28;
	vm7 =	vgt.s32 v4, $0x0  }
0x33: {  	v44 =	vld [tilespmem:s19+$0x10300];
	v7 =	vsub.f32 $1.000000000e+00, v63;
	v11 =	vmul.f32 v3, v8;
	v8 =	vmul.f32 v2, v8  }
0x34: {  	v5 =	vor.u32 v5, v4;
	v15 =	vshll.u32 v16, $0x6;
	v19 =	vmin.u32 v29, $0x3F;
	v3 =	vld [tilespmem:s19+$0x10200]  }
0x35: {  	v33 =	vnsel vm7, $0x0, v4;
	v2 =	vmul.f32 v7, v11;
	v7 =	vmul.f32 v7, v8  }
0x36: {  	v4 =	vor.u32 v28, v4;
	v11 =	vmul.f32 v11, v63;
	v6 =	vmul.f32 v63, v8  }
0x37: {  	vm10 =	vlt.u32 v5, $0x40;
	vm11 =	vlt.u32 v4, $0x40;
	v49 =	vmul.f32 $6.400000000e+01, v26  }
0x38: {  	v7 =	vnsel vm6, $0x0, v7;
	v11 =	vnsel vm10, $0x0, v11;
	v39 =	vnsel vm11, $0x0, v6  }
0x39: {  	v13 =	vmul.f32 $6.400000000e+01, v3;
	v3 =	vpack.i.f32.bf16 v11, v11;
	v11 =	vmul.f32 $6.400000000e+01, v44  }
0x3a: {  	v2 =	vnsel vm4, $0x0, v2;
	v25 =	vpack.i.f32.bf16 v7, v7;
	v5 =	vpack.i.f32.bf16 v39, v39  }
0x3b: {  	v30 =	vadd.f32 $-5.000000000e-01, v13;
	v13 =	vadd.s32 v32, v14;
	v11 =	vadd.f32 $-5.000000000e-01, v11  }
0x3c: {  	v20 =	vcvt.s32.f32 v13;
	vm13 =	vgt.s32 v13, $0x0;
	v46 =	vadd.s32 $0x1, v13  }
0x3d: {  	v60 =	vld [tilespmem:s19+$0x10380];
	v18 =	vtrunc.f32 v30;
	v42 =	vnsel vm13, $0x0, v13;
	vm15 =	vgt.s32 v46, $0x0  }
0x3e: {  	v23 =	vld [tilespmem:s19+$0x10500];
	v54 =	vtrunc.f32 v11;
	v34 =	vcvt.f32.s32 v18;
	vm9 =	vlt.f32 v30, v18  }
0x3f: {  	v18 =	vmin.u32 v33, $0x3F;
	v10 =	vsub.f32 v10, v20;
	v22 =	vmin.u32 v42, $0x3F  }
0x40: {  	v48 =	vnsel vm15, $0x0, v46;
	v20 =	vadd.f32 $-5.000000000e-01, v49;
	vm8 =	vlt.f32 v11, v54  }
0x41: {  	v35 =	vsel vm9, $0xFFFFFFFF, v0;
	v21 =	vshll.u32 v18, $0x6;
	v4 =	vmin.u32 v48, $0x3F  }
0x42: {  	v55 =	vsel vm8, $0xFFFFFFFF, v0;
	v48 =	vmul.f32 $6.400000000e+01, v60;
	v12 =	vadd.s32 v34, v35  }
0x43: {  	v37 =	vsub.f32 $1.000000000e+00, v10;
	v10 =	vmul.f32 v10, v23;
	v51 =	vtrunc.f32 v20  }
0x44: {  	v36 =	vcvt.s32.f32 v12;
	vm12 =	vgt.s32 v12, $0x0;
	v41 =	vor.u32 v13, v12  }
0x45: {  	v47 =	vor.u32 v46, v12;
	v53 =	vcvt.f32.s32 v51;
	vm7 =	vlt.f32 v20, v51  }
0x46: {  	v8 =	vmul.f32 v37, v23;
	v40 =	vnsel vm12, $0x0, v12;
	vm14 =	vlt.u32 v41, $0x40  }
0x47: {  	vm4 =	vlt.u32 v47, $0x40;
	v12 =	vadd.s32 $0x1, v12;
	v27 =	vsel vm7, $0xFFFFFFFF, v0  }
0x48: {  	v37 =	vadd.f32 $-5.000000000e-01, v48;
	v38 =	vsub.f32 v30, v36;
	v24 =	vmin.u32 v40, $0x3F  }
0x49: {  	vm5 =	vgt.s32 v12, $0x0;
	v13 =	vor.u32 v13, v12;
	v30 =	vcvt.f32.s32 v54  }
0x4a: {  	v50 =	vnsel vm5, $0x0, v12;
	vm6 =	vlt.u32 v13, $0x40;
	v13 =	vadd.s32 v53, v27  }
0x4b: {  	v12 =	vor.u32 v46, v12;
	v54 =	vtrunc.f32 v37;
	v7 =	vsub.f32 $1.000000000e+00, v38  }
0x4c: {  	v28 =	vmin.u32 v50, $0x3F;
	v23 =	vadd.s32 v30, v55;
	v27 =	vcvt.s32.f32 v13  }
0x4d: {  	v9 =	vmul.f32 v38, v10;
	vm9 =	vlt.u32 v12, $0x40;
	vm11 =	vgt.s32 v13, $0x0  }
0x4e: {  	v62 =	vld [tilespmem:s19+$0x10400];
	v55 =	vcvt.f32.s32 v54;
	vm15 =	vlt.f32 v37, v54;
	v26 =	vshll.u32 v28, $0x6  }
0x4f: {  	v57 =	vcvt.s32.f32 v23;
	vm10 =	vgt.s32 v23, $0x0;
	v31 =	vor.u32 v13, v23  }
0x50: {  	v56 =	vld [tilespmem:s19+$0x10580];
	v32 =	vnsel vm11, $0x0, v13;
	v43 =	vmul.f32 v7, v8;
	v7 =	vmul.f32 v7, v10  }
0x51: {  	v8 =	vmul.f32 v8, v38;
	v58 =	vsub.f32 v20, v27;
	v9 =	vnsel vm9, $0x0, v9  }
0x52: {  	v30 =	vnsel vm10, $0x0, v23;
	vm12 =	vlt.u32 v31, $0x40;
	v29 =	vmin.u32 v32, $0x3F  }
0x53: {  	v14 =	vsub.f32 v11, v57;
	v34 =	vmin.u32 v30, $0x3F;
	v11 =	vmul.f32 $6.400000000e+01, v62  }
0x54: {  	v45 =	vnsel vm14, $0x0, v43;
	v7 =	vnsel vm4, $0x0, v7;
	v8 =	vnsel vm6, $0x0, v8  }
0x55: {  	v59 =	vsub.f32 $1.000000000e+00, v58;
	v31 =	vshll.u32 v34, $0x6;
	v12 =	vmul.f32 v58, v56  }
0x56: {  	v6 =	vpack.i.f32.bf16 v45, v45;
	v43 =	vpack.i.f32.bf16 v7, v7;
	v45 =	vpack.i.f32.bf16 v9, v9  }
0x57: {  	v61 =	vsub.f32 $1.000000000e+00, v14;
	v7 =	vadd.s32 $0x1, v13;
	v53 =	vadd.f32 $-5.000000000e-01, v11  }
0x58: {  	v11 =	vsel vm15, $0xFFFFFFFF, v0;
	v35 =	vand.u32 $0x40, v31;
	v33 =	vmul.f32 v59, v56  }
0x59: {  	vm13 =	vgt.s32 v7, $0x0;
	v50 =	vor.u32 v7, v23;
	v23 =	vadd.s32 $0x1, v23  }
0x5a: {  	v30 =	vadd.s32 v55, v11;
	v36 =	vnsel vm13, $0x0, v7;
	v27 =	vmul.f32 v61, v12  }
0x5b: {  	vm14 =	vlt.u32 v50, $0x40;
	vm4 =	vgt.s32 v23, $0x0;
	v38 =	vtrunc.f32 v53  }
0x5c: {  	v41 =	vcvt.s32.f32 v30;
	v13 =	vor.u32 v13, v23;
	v12 =	vmul.f32 v14, v12  }
0x5d: {  	vm9 =	vgt.s32 v30, $0x0;
	v63 =	vmul.f32 v61, v33;
	v36 =	vmin.u32 v36, $0x3F  }
0x5e: {  	v39 =	vcvt.f32.s32 v38;
	vm5 =	vlt.f32 v53, v38;
	v56 =	vnsel vm4, $0x0, v23  }
0x5f: {  	vm6 =	vlt.u32 v13, $0x40;
	v58 =	vmul.f32 v33, v14;
	v23 =	vor.u32 v7, v23  }
0x60: {  	v9 =	vnsel vm9, $0x0, v30;
	v51 =	vnsel vm14, $0x0, v27;
	v40 =	vsel vm5, $0xFFFFFFFF, v0  }
0x61: {  	v38 =	vmin.u32 v56, $0x3F;
	v37 =	vsub.f32 v37, v41;
	vm7 =	vlt.u32 v23, $0x40  }
0x62: {  	v57 =	vld [tilespmem:s19+$0x10600];
	v0 =	vshll.u32 v16, $0x9;
	v23 =	vor.u32 v29, v35;
	v32 =	vor.u32 v36, v35  }
0x63: {  	v49 =	vnsel vm12, $0x0, v63;
	v46 =	vpack.i.f32.bf16 v51, v51;
	v39 =	vadd.s32 v39, v40  }
0x64: {  	v33 =	vshll.u32 v38, $0x6;
	v13 =	vnsel vm6, $0x0, v58;
	v12 =	vnsel vm7, $0x0, v12  }
0x65: {  	v44 =	vpack.i.f32.bf16 v49, v49;
	v40 =	vcvt.s32.f32 v39;
	v59 =	vsub.f32 $1.000000000e+00, v37  }
0x66: {  	v11 =	vpack.i.f32.bf16 v12, v12;
	vm8 =	vgt.s32 v39, $0x0;
	v62 =	vor.u32 v30, v39  }
0x67: {  	v49 =	vmin.u32 v9, $0x3F;
	v12 =	vadd.s32 $0x1, v30;
	v50 =	vmul.f32 v37, v57  }
0x68: {  	v47 =	vadd.s32 $0x1, v39;
	v9 =	vand.u32 $0x40, v26;
	v7 =	vnsel vm8, $0x0, v39  }
0x69: {  	vm10 =	vlt.u32 v62, $0x40;
	v42 =	vor.u32 v12, v39;
	vm11 =	vgt.s32 v12, $0x0  }
0x6a: {  	vm13 =	vgt.s32 v47, $0x0;
	v30 =	vor.u32 v30, v47;
	v55 =	vor.u32 v12, v47  }
0x6b: {  	v26 =	vor.u32 v22, v9;
	v31 =	vor.u32 v4, v9;
	v9 =	vand.u32 $0x40, v33  }
0x6c: {  	v40 =	vsub.f32 v53, v40;
	v61 =	vmul.f32 v59, v57;
	v41 =	vmin.u32 v7, $0x3F  }
0x6d: {  	vm12 =	vlt.u32 v42, $0x40;
	v42 =	vnsel vm11, $0x0, v12;
	v58 =	vnsel vm13, $0x0, v47  }
0x6e: {  	vm14 =	vlt.u32 v30, $0x40;
	v59 =	vand.u32 $0x40, v15;
	v7 =	vand.u32 $0x7C00, v0  }
0x6f: {  	[tilespmem:$0x1FFA0] =	vst v0;
	v0 =	vshll.u32 v18, $0x9;
	v30 =	vshll.u32 v28, $0x9;
	v37 =	vor.u32 v36, v9  }
0x70: {  	v48 =	vshll.u32 v41, $0x6;
	v51 =	vmin.u32 v42, $0x3F;
	v39 =	vmin.u32 v58, $0x3F  }
0x71: {  	v20 =	vor.u32 v17, v59;
	v18 =	vor.u32 v19, v59;
	v12 =	vand.u32 $0x7C00, v0  }
0x72: {  	[tilespmem:$0x1FFB0] =	vst v0;
	v0 =	vshll.u32 v24, $0x9;
	v35 =	vshll.u32 v41, $0x9;
	v60 =	vsub.f32 $1.000000000e+00, v40  }
0x73: {  	v27 =	vmul.f32 v61, v40;
	[tilespmem:$0x1FFC0] =	vst v0;
	v15 =	vand.u32 $0x7C00, v0;
	v0 =	vshll.u32 v34, $0x9  }
0x74: {  	v53 =	vshll.u32 v39, $0x6;
	v62 =	vor.u32 v7, v18;
	v28 =	vand.u32 $0x7C00, v0  }
0x75: {  	[tilespmem:$0x1FFE0] =	vst v0;
	v0 =	vshll.u32 v38, $0x9;
	v38 =	vand.u32 $0x40, v48;
	v33 =	vand.u32 $0x40, v53  }
0x76: {  	v53 =	vshll.u32 v39, $0x9;
	v63 =	vmul.f32 v60, v61;
	v57 =	vmul.f32 v60, v50  }
0x77: {  	v60 =	vand.u32 $0x40, v21;
	v61 =	vor.u32 v7, v20;
	v36 =	vor.u32 v49, v38  }
0x78: {  	v38 =	vor.u32 v51, v38;
	v39 =	vor.u32 v49, v33;
	v49 =	vand.u32 $0x7C00, v53  }
0x79: {  	v41 =	vor.u32 v51, v33;
	v42 =	vor.u32 v17, v60;
	v51 =	vor.u32 v49, v39  }
0x7a: {  	v21 =	vor.u32 v19, v60;
	v47 =	vor.u32 v12, v42  }
0x7b: {  	v17 =	vand.u32 $0x7C00, v30;
	v19 =	vor.u32 v12, v21  }
0x7c: {  	v1 =	vshll.u32 v24, $0x6;
	v48 =	vand.u32 $0x7C00, v35;
	v16 =	vor.u32 v17, v26;
	v59 =	vld.idx.msk [tilespmem:v62+s2+$0x0], $0xffff  }
0x7d: {  	v10 =	vnsel vm10, $0x0, v63;
	v63 =	vand.u32 $0x40, v1;
	v60 =	vor.u32 v17, v31;
	v58 =	vld.idx.msk [tilespmem:v61+s2+$0x0], $0xffff  }
0x7e: {  	v1 =	vor.u32 v48, v38;
	v24 =	vor.u32 v22, v63;
	v51 =	vld.idx.msk [tilespmem:v51+s2+$0x0], $0xffff  }
0x7f: {  	v54 =	vnsel vm14, $0x0, v27;
	v27 =	vor.u32 v4, v63;
	v56 =	vor.u32 v15, v24;
	v62 =	vld.idx.msk [tilespmem:v47+s2+$0x0], $0xffff  }
0x80: {  	v14 =	vpack.i.f32.bf16 v10, v10;
	v10 =	vnsel vm12, $0x0, v57;
	v57 =	vor.u32 v15, v27;
	v63 =	vld.idx.msk [tilespmem:v19+s2+$0x0], $0xffff  }
0x81: {  	v4 =	vmul.f32 v40, v50;
	v61 =	vor.u32 v28, v23;
	v50 =	vld.idx.msk [tilespmem:v16+s2+$0x0], $0xffff  }
0x82: {  	v34 =	vor.u32 v29, v9;
	v19 =	vor.u32 v28, v32;
	v47 =	vand.u32 $0x7C00, v0;
	v60 =	vld.idx.msk [tilespmem:v60+s2+$0x0], $0xffff  }
0x83: {  	v29 =	vmov v0;
	v1 =	vld.idx.msk [tilespmem:v1+s2+$0x0], $0xffff;
	v0 =	vor.u32 v47, v34  }
0x84: {  	v2 =	vpack.i.f32.bf16 v2, v2;
	v8 =	vpack.i.f32.bf16 v8, v8;
	v9 =	vor.u32 v47, v37;
	v56 =	vld.idx.msk [tilespmem:v56+s2+$0x0], $0xffff  }
0x85: {  	v13 =	vpack.i.f32.bf16 v13, v13;
	vm15 =	vlt.u32 v55, $0x40;
	v16 =	vor.u32 v48, v36;
	v57 =	vld.idx.msk [tilespmem:v57+s2+$0x0], $0xffff  }
0x86: {  	v54 =	vpack.i.f32.bf16 v54, v54;
	v22 =	vnsel vm15, $0x0, v4;
	v4 =	vor.u32 v49, v41;
	v61 =	vld.idx.msk [tilespmem:v61+s2+$0x0], $0xffff  }
0x87: {  	v33 =	vpack.i.f32.bf16 v10, v10;
	v59 =	vmul.bf16 v59, v25;
	v58 =	vmul.bf16 v58, v2;
	v55 =	vld.idx.msk [tilespmem:v19+s2+$0x0], $0xffff  }
0x88: {  	v22 =	vpack.i.f32.bf16 v22, v22;
	v10 =	vmul.bf16 v51, v54;
	v62 =	vmul.bf16 v62, v3;
	v0 =	vld.idx.msk [tilespmem:v0+s2+$0x0], $0xffff  }
0x89: {  	v59 =	vadd.bf16 v52, v59;
	v63 =	vmul.bf16 v63, v5;
	v50 =	vmul.bf16 v50, v8;
	v40 =	vld.idx.msk [tilespmem:v9+s2+$0x0], $0xffff  }
0x8a: {  	v16 =	vld.idx.msk [tilespmem:v16+s2+$0x0], $0xffff;
	v58 =	vadd.bf16 v52, v58;
	v60 =	vmul.bf16 v60, v45;
	v56 =	vmul.bf16 v56, v6  }
0x8b: {  	v19 =	vld.idx.msk [tilespmem:v4+s2+$0x0], $0xffff;
	v1 =	vmul.bf16 v1, v33;
	v62 =	vadd.bf16 v52, v62;
	v57 =	vmul.bf16 v57, v43  }
0x8c: {  	v63 =	vadd.bf16 v52, v63;
	v4 =	vmul.bf16 v61, v44;
	v56 =	vadd.bf16 v56, v58  }
0x8d: {  	v57 =	vadd.bf16 v57, v59;
	v50 =	vadd.bf16 v50, v62;
	v55 =	vmul.bf16 v55, v46  }
0x8e: {  	v58 =	vadd.bf16 v60, v63;
	v0 =	vmul.bf16 v0, v13;
	v40 =	vmul.bf16 v40, v11  }
0x8f: {  	v16 =	vmul.bf16 v16, v14;
	v56 =	vadd.bf16 v4, v56;
	v55 =	vadd.bf16 v55, v57  }
0x90: {  	v19 =	vmul.bf16 v19, v22;
	v0 =	vadd.bf16 v0, v50;
	v40 =	vadd.bf16 v40, v58  }
0x91: {  	v16 =	vadd.bf16 v16, v56;
	v1 =	vadd.bf16 v1, v55  }
0x92: {  	v0 =	vadd.bf16 v10, v0;
	v19 =	vadd.bf16 v19, v40  }
0x93: {  	v56 =	vor.u32 $0x80, v7  }
0x94: {  	v57 =	vor.u32 v20, v56;
	v1 =	vadd.bf16 v1, v16;
	v0 =	vadd.bf16 v19, v0  }
0x95: {  	v59 =	vor.u32 $0x80, v12;
	v58 =	vor.u32 v18, v56  }
0x96: {  	v60 =	vor.u32 $0x80, v15;
	v40 =	vor.u32 v21, v59;
	v0 =	vadd.bf16 v0, v1  }
0x97: {  	v61 =	vor.u32 $0x80, v17;
	v50 =	vor.u32 v27, v60  }
0x98: {  	v62 =	vor.u32 v26, v61;
	[tilespmem:s19+$0x10680] =	vst v0  }
0x99: {  	v51 =	vor.u32 v31, v61;
	v63 =	vor.u32 $0x80, v28;
	v16 =	vld.idx.msk [tilespmem:v57+s2+$0x0], $0xffff  }
0x9a: {  	v56 =	vor.u32 v32, v63;
	v10 =	vor.u32 $0x80, v48;
	v19 =	vld.idx.msk [tilespmem:v58+s2+$0x0], $0xffff  }
0x9b: {  	v61 =	vor.u32 v36, v10;
	v40 =	vld.idx.msk [tilespmem:v40+s2+$0x0], $0xffff  }
0x9c: {  	v1 =	vor.u32 v42, v59;
	v50 =	vld.idx.msk [tilespmem:v50+s2+$0x0], $0xffff  }
0x9d: {  	v4 =	vor.u32 $0x80, v47;
	v0 =	vor.u32 v24, v60;
	v55 =	vld.idx.msk [tilespmem:v62+s2+$0x0], $0xffff  }
0x9e: {  	v59 =	vor.u32 v34, v4;
	v51 =	vld.idx.msk [tilespmem:v51+s2+$0x0], $0xffff  }
0x9f: {  	v57 =	vor.u32 v23, v63;
	v56 =	vld.idx.msk [tilespmem:v56+s2+$0x0], $0xffff  }
0xa0: {  	v58 =	vor.u32 v37, v4;
	v61 =	vld.idx.msk [tilespmem:v61+s2+$0x0], $0xffff  }
0xa1: {  	v60 =	vor.u32 v38, v10;
	v4 =	vor.u32 $0x80, v49;
	v1 =	vld.idx.msk [tilespmem:v1+s2+$0x0], $0xffff  }
0xa2: {  	v10 =	vor.u32 v39, v4;
	v0 =	vld.idx.msk [tilespmem:v0+s2+$0x0], $0xffff  }
0xa3: {  	v62 =	vor.u32 v41, v4;
	v59 =	vld.idx.msk [tilespmem:v59+s2+$0x0], $0xffff  }
0xa4: {  	v57 =	vld.idx.msk [tilespmem:v57+s2+$0x0], $0xffff;
	v16 =	vmul.bf16 v16, v2;
	v19 =	vmul.bf16 v19, v25  }
0xa5: {  	v58 =	vld.idx.msk [tilespmem:v58+s2+$0x0], $0xffff;
	v40 =	vmul.bf16 v40, v5;
	v50 =	vmul.bf16 v50, v43  }
0xa6: {  	v60 =	vld.idx.msk [tilespmem:v60+s2+$0x0], $0xffff;
	v51 =	vmul.bf16 v51, v45;
	v1 =	vmul.bf16 v1, v3;
	v19 =	vadd.bf16 v52, v19  }
0xa7: {  	v63 =	vld.idx.msk [tilespmem:v10+s2+$0x0], $0xffff;
	v16 =	vadd.bf16 v52, v16;
	v40 =	vadd.bf16 v52, v40;
	v0 =	vmul.bf16 v0, v6  }
0xa8: {  	v4 =	vmul.bf16 v56, v46;
	v62 =	vld.idx.msk [tilespmem:v62+s2+$0x0], $0xffff;
	v1 =	vadd.bf16 v52, v1;
	v19 =	vadd.bf16 v50, v19  }
0xa9: {  	v50 =	vmul.bf16 v57, v44;
	v0 =	vadd.bf16 v0, v16;
	v16 =	vmul.bf16 v55, v8  }
0xaa: {  	v56 =	vadd.bf16 v51, v40;
	v57 =	vmul.bf16 v59, v13;
	v58 =	vmul.bf16 v58, v11  }
0xab: {  	v59 =	vmul.bf16 v61, v14;
	v61 =	vmul.bf16 v60, v33;
	v1 =	vadd.bf16 v16, v1  }
0xac: {  	v19 =	vadd.bf16 v4, v19;
	v63 =	vmul.bf16 v63, v54;
	v0 =	vadd.bf16 v50, v0  }
0xad: {  	v4 =	vmul.bf16 v62, v22;
	v16 =	vadd.bf16 v58, v56;
	v1 =	vadd.bf16 v57, v1  }
0xae: {  	v19 =	vadd.bf16 v61, v19;
	v0 =	vadd.bf16 v59, v0  }
0xaf: {  	v16 =	vadd.bf16 v4, v16;
	v1 =	vadd.bf16 v63, v1  }
0xb0: {  	v56 =	vor.u32 $0x100, v7  }
0xb1: {  	v57 =	vor.u32 v20, v56;
	v0 =	vadd.bf16 v19, v0;
	v1 =	vadd.bf16 v16, v1  }
0xb2: {  	v58 =	vor.u32 v18, v56;
	v59 =	vor.u32 $0x100, v12  }
0xb3: {  	v60 =	vor.u32 $0x100, v15;
	v40 =	vor.u32 v21, v59;
	v0 =	vadd.bf16 v1, v0  }
0xb4: {  	[tilespmem:$0x1FF60] =	vst v7;
	v50 =	vor.u32 v27, v60;
	v61 =	vor.u32 $0x100, v17  }
0xb5: {  	v62 =	vor.u32 v26, v61;
	[tilespmem:s19+$0x10700] =	vst v0  }
0xb6: {  	[tilespmem:$0x1FF80] =	vst v15;
	v9 =	vmovc v2;
	v2 =	vmov v7;
	v7 =	vor.u32 $0x100, v28;
	v51 =	vor.u32 v31, v61;
	v16 =	vld.idx.msk [tilespmem:v57+s2+$0x0], $0xffff  }
0xb7: {  	[tilespmem:$0x1FF90] =	vst v17;
	v4 =	vmov v15;
	v15 =	vmov v17;
	v17 =	vor.u32 v23, v7;
	v19 =	vld.idx.msk [tilespmem:v58+s2+$0x0], $0xffff  }
0xb8: {  	v56 =	vor.u32 v32, v7;
	v7 =	vor.u32 $0x100, v48;
	v40 =	vld.idx.msk [tilespmem:v40+s2+$0x0], $0xffff  }
0xb9: {  	v61 =	vor.u32 v36, v7;
	v50 =	vld.idx.msk [tilespmem:v50+s2+$0x0], $0xffff  }
0xba: {  	v63 =	vor.u32 $0x100, v47;
	v1 =	vor.u32 v42, v59;
	v55 =	vld.idx.msk [tilespmem:v62+s2+$0x0], $0xffff  }
0xbb: {  	v59 =	vor.u32 v34, v63;
	v51 =	vld.idx.msk [tilespmem:v51+s2+$0x0], $0xffff  }
0xbc: {  	v0 =	vor.u32 v24, v60;
	v57 =	vld.idx.msk [tilespmem:v17+s2+$0x0], $0xffff  }
0xbd: {  	v60 =	vor.u32 v38, v7;
	v56 =	vld.idx.msk [tilespmem:v56+s2+$0x0], $0xffff  }
0xbe: {  	v58 =	vor.u32 v37, v63;
	v17 =	vor.u32 $0x100, v49;
	v61 =	vld.idx.msk [tilespmem:v61+s2+$0x0], $0xffff  }
0xbf: {  	v7 =	vor.u32 v39, v17;
	v1 =	vld.idx.msk [tilespmem:v1+s2+$0x0], $0xffff  }
0xc0: {  	v62 =	vor.u32 v41, v17;
	v59 =	vld.idx.msk [tilespmem:v59+s2+$0x0], $0xffff  }
0xc1: {  	v0 =	vld.idx.msk [tilespmem:v0+s2+$0x0], $0xffff;
	v16 =	vmul.bf16 v16, v9  }
0xc2: {  	v60 =	vld.idx.msk [tilespmem:v60+s2+$0x0], $0xffff;
	v19 =	vmul.bf16 v19, v25;
	v40 =	vmul.bf16 v40, v5  }
0xc3: {  	v58 =	vld.idx.msk [tilespmem:v58+s2+$0x0], $0xffff;
	v50 =	vmul.bf16 v50, v43;
	v51 =	vmul.bf16 v51, v45  }
0xc4: {  	v63 =	vld.idx.msk [tilespmem:v7+s2+$0x0], $0xffff;
	v7 =	vmul.bf16 v55, v8;
	v1 =	vmul.bf16 v1, v3  }
0xc5: {  	v62 =	vld.idx.msk [tilespmem:v62+s2+$0x0], $0xffff;
	v55 =	vmul.bf16 v56, v46;
	v16 =	vadd.bf16 v52, v16;
	v19 =	vadd.bf16 v52, v19  }
0xc6: {  	v40 =	vadd.bf16 v52, v40;
	v0 =	vmul.bf16 v0, v6;
	v1 =	vadd.bf16 v52, v1  }
0xc7: {  	v19 =	vadd.bf16 v50, v19;
	v50 =	vmul.bf16 v57, v44;
	v57 =	vmul.bf16 v59, v13  }
0xc8: {  	v56 =	vadd.bf16 v51, v40;
	v59 =	vmul.bf16 v61, v14;
	v58 =	vmul.bf16 v58, v11  }
0xc9: {  	v61 =	vmul.bf16 v60, v33;
	v0 =	vadd.bf16 v0, v16;
	v1 =	vadd.bf16 v7, v1;
	v7 =	vmovc v13  }
0xca: {  	v19 =	vadd.bf16 v55, v19;
	v13 =	vmovc v11;
	v11 =	vmul.bf16 v62, v22;
	v16 =	vadd.bf16 v58, v56  }
0xcb: {  	v63 =	vmul.bf16 v63, v54;
	v0 =	vadd.bf16 v50, v0;
	v1 =	vadd.bf16 v57, v1  }
0xcc: {  	v19 =	vadd.bf16 v61, v19;
	v16 =	vadd.bf16 v11, v16  }
0xcd: {  	v0 =	vadd.bf16 v59, v0;
	v1 =	vadd.bf16 v63, v1  }
0xce: {  	v56 =	vor.u32 $0x180, v2  }
0xcf: {  	v57 =	vor.u32 v20, v56;
	v0 =	vadd.bf16 v19, v0;
	v1 =	vadd.bf16 v16, v1  }
0xd0: {  	v58 =	vor.u32 v18, v56;
	v59 =	vor.u32 $0x180, v12  }
0xd1: {  	v60 =	vor.u32 $0x180, v4;
	v40 =	vor.u32 v21, v59;
	v0 =	vadd.bf16 v1, v0  }
0xd2: {  	v50 =	vor.u32 v27, v60;
	v61 =	vor.u32 $0x180, v15  }
0xd3: {  	v62 =	vor.u32 v26, v61;
	[tilespmem:s19+$0x10780] =	vst v0  }
0xd4: {  	v51 =	vor.u32 v31, v61;
	v63 =	vor.u32 $0x180, v28;
	v16 =	vld.idx.msk [tilespmem:v57+s2+$0x0], $0xffff  }
0xd5: {  	v4 =	vor.u32 v23, v63;
	v19 =	vld.idx.msk [tilespmem:v58+s2+$0x0], $0xffff  }
0xd6: {  	[tilespmem:$0x1FF70] =	vst v12;
	v12 =	vor.u32 $0x180, v47;
	v56 =	vor.u32 v32, v63;
	v40 =	vld.idx.msk [tilespmem:v40+s2+$0x0], $0xffff  }
0xd7: {  	v15 =	vor.u32 v34, v12;
	v50 =	vld.idx.msk [tilespmem:v50+s2+$0x0], $0xffff  }
0xd8: {  	v1 =	vor.u32 v42, v59;
	v55 =	vld.idx.msk [tilespmem:v62+s2+$0x0], $0xffff  }
0xd9: {  	v11 =	vor.u32 $0x180, v48;
	v0 =	vor.u32 v24, v60;
	v51 =	vld.idx.msk [tilespmem:v51+s2+$0x0], $0xffff  }
0xda: {  	v60 =	vor.u32 v38, v11;
	v57 =	vld.idx.msk [tilespmem:v4+s2+$0x0], $0xffff  }
0xdb: {  	v58 =	vor.u32 v37, v12;
	v56 =	vld.idx.msk [tilespmem:v56+s2+$0x0], $0xffff  }
0xdc: {  	v12 =	vor.u32 v36, v11;
	v4 =	vor.u32 $0x180, v49;
	v59 =	vld.idx.msk [tilespmem:v15+s2+$0x0], $0xffff  }
0xdd: {  	v62 =	vor.u32 v41, v4;
	v1 =	vld.idx.msk [tilespmem:v1+s2+$0x0], $0xffff  }
0xde: {  	v11 =	vor.u32 v39, v4;
	v0 =	vld.idx.msk [tilespmem:v0+s2+$0x0], $0xffff;
	v16 =	vmul.bf16 v16, v9  }
0xdf: {  	v60 =	vld.idx.msk [tilespmem:v60+s2+$0x0], $0xffff;
	v19 =	vmul.bf16 v19, v25;
	v40 =	vmul.bf16 v40, v5  }
0xe0: {  	v58 =	vld.idx.msk [tilespmem:v58+s2+$0x0], $0xffff;
	v50 =	vmul.bf16 v50, v43;
	v4 =	vmul.bf16 v55, v8  }
0xe1: {  	v61 =	vld.idx.msk [tilespmem:v12+s2+$0x0], $0xffff;
	v12 =	vmov v5;
	v51 =	vmul.bf16 v51, v45;
	v5 =	vmul.bf16 v57, v44  }
0xe2: {  	v57 =	vmul.bf16 v59, v7;
	v62 =	vld.idx.msk [tilespmem:v62+s2+$0x0], $0xffff;
	v1 =	vmul.bf16 v1, v3;
	v19 =	vadd.bf16 v52, v19  }
0xe3: {  	v63 =	vld.idx.msk [tilespmem:v11+s2+$0x0], $0xffff;
	v16 =	vadd.bf16 v52, v16;
	v40 =	vadd.bf16 v52, v40;
	v0 =	vmul.bf16 v0, v6  }
0xe4: {  	v11 =	vmovc v8;
	v8 =	vmul.bf16 v56, v46;
	v1 =	vadd.bf16 v52, v1;
	v19 =	vadd.bf16 v50, v19  }
0xe5: {  	v56 =	vadd.bf16 v51, v40;
	v59 =	vmul.bf16 v58, v13;
	v0 =	vadd.bf16 v0, v16  }
0xe6: {  	v2 =	vld [tilespmem:$0x1FFA0];
	v1 =	vadd.bf16 v4, v1;
	v19 =	vadd.bf16 v8, v19;
	v4 =	vmul.bf16 v61, v14  }
0xe7: {  	v10 =	vmovc v43;
	v43 =	vmul.bf16 v62, v22;
	v16 =	vadd.bf16 v59, v56;
	v0 =	vadd.bf16 v5, v0  }
0xe8: {  	v17 =	vmovc v3;
	v3 =	vld [tilespmem:$0x1FFB0];
	v8 =	vmul.bf16 v63, v54;
	v1 =	vadd.bf16 v57, v1;
	v5 =	vmul.bf16 v60, v33  }
0xe9: {  	v16 =	vadd.bf16 v43, v16;
	v0 =	vadd.bf16 v4, v0  }
0xea: {  	v19 =	vadd.bf16 v5, v19;
	v1 =	vadd.bf16 v8, v1  }
0xeb: {  	v55 =	vor.u32 $0x200, v2  }
0xec: {  	v56 =	vor.u32 v55, v20;
	v0 =	vadd.bf16 v19, v0;
	v1 =	vadd.bf16 v16, v1  }
0xed: {  	v58 =	vor.u32 $0x200, v3;
	v57 =	vor.u32 v55, v18  }
0xee: {  	v40 =	vor.u32 v58, v21;
	v60 =	vor.u32 $0x200, v30;
	v43 =	vld [tilespmem:$0x1FFC0];
	v0 =	vadd.bf16 v1, v0  }
0xef: {  	v61 =	vor.u32 v60, v26  }
0xf0: {  	v51 =	vor.u32 v60, v31;
	v8 =	vld [tilespmem:$0x1FFE0];
	v4 =	vor.u32 $0x200, v35;
	[tilespmem:s19+$0x10800] =	vst v0  }
0xf1: {  	v60 =	vor.u32 v4, v38;
	v16 =	vld.idx.msk [tilespmem:v56+s2+$0x0], $0xffff  }
0xf2: {  	v63 =	vor.u32 $0x200, v29;
	v1 =	vor.u32 v58, v42;
	v19 =	vld.idx.msk [tilespmem:v57+s2+$0x0], $0xffff  }
0xf3: {  	v59 =	vor.u32 $0x200, v43;
	v58 =	vor.u32 v63, v37;
	v40 =	vld.idx.msk [tilespmem:v40+s2+$0x0], $0xffff  }
0xf4: {  	v50 =	vor.u32 v59, v27;
	v55 =	vld.idx.msk [tilespmem:v61+s2+$0x0], $0xffff  }
0xf5: {  	v0 =	vor.u32 v59, v24;
	v51 =	vld.idx.msk [tilespmem:v51+s2+$0x0], $0xffff  }
0xf6: {  	v62 =	vor.u32 $0x200, v8;
	v59 =	vor.u32 v63, v34;
	v60 =	vld.idx.msk [tilespmem:v60+s2+$0x0], $0xffff  }
0xf7: {  	v57 =	vor.u32 v62, v23;
	v1 =	vld.idx.msk [tilespmem:v1+s2+$0x0], $0xffff  }
0xf8: {  	v56 =	vor.u32 v62, v32;
	v58 =	vld.idx.msk [tilespmem:v58+s2+$0x0], $0xffff  }
0xf9: {  	v61 =	vor.u32 v4, v36;
	v62 =	vor.u32 $0x200, v53;
	v50 =	vld.idx.msk [tilespmem:v50+s2+$0x0], $0xffff  }
0xfa: {  	v4 =	vor.u32 v62, v39;
	v0 =	vld.idx.msk [tilespmem:v0+s2+$0x0], $0xffff  }
0xfb: {  	v62 =	vor.u32 v62, v41;
	v59 =	vld.idx.msk [tilespmem:v59+s2+$0x0], $0xffff  }
0xfc: {  	v57 =	vld.idx.msk [tilespmem:v57+s2+$0x0], $0xffff;
	v16 =	vmul.bf16 v16, v9;
	v19 =	vmul.bf16 v19, v25  }
0xfd: {  	v56 =	vld.idx.msk [tilespmem:v56+s2+$0x0], $0xffff;
	v40 =	vmul.bf16 v40, v12;
	v51 =	vmul.bf16 v51, v45  }
0xfe: {  	v61 =	vld.idx.msk [tilespmem:v61+s2+$0x0], $0xffff;
	v1 =	vmul.bf16 v1, v17;
	v19 =	vadd.bf16 v52, v19;
	v50 =	vmul.bf16 v50, v10  }
0xff: {  	v63 =	vld.idx.msk [tilespmem:v4+s2+$0x0], $0xffff;
	v16 =	vadd.bf16 v52, v16;
	v40 =	vadd.bf16 v52, v40;
	v0 =	vmul.bf16 v0, v6  }
0x100: {  	v62 =	vld.idx.msk [tilespmem:v62+s2+$0x0], $0xffff;
	v58 =	vmul.bf16 v58, v13;
	v1 =	vadd.bf16 v52, v1;
	v19 =	vadd.bf16 v50, v19  }
0x101: {  	v50 =	vmul.bf16 v57, v44;
	v0 =	vadd.bf16 v0, v16;
	v16 =	vmul.bf16 v55, v11  }
0x102: {  	v4 =	vmul.bf16 v56, v46;
	v56 =	vadd.bf16 v51, v40;
	v57 =	vmul.bf16 v59, v7  }
0x103: {  	v59 =	vmul.bf16 v61, v14;
	v61 =	vmul.bf16 v60, v33;
	v1 =	vadd.bf16 v16, v1  }
0x104: {  	v63 =	vmul.bf16 v63, v54;
	v19 =	vadd.bf16 v4, v19;
	v0 =	vadd.bf16 v50, v0  }
0x105: {  	v4 =	vmul.bf16 v62, v22;
	v16 =	vadd.bf16 v58, v56;
	v1 =	vadd.bf16 v57, v1  }
0x106: {  	v19 =	vadd.bf16 v61, v19;
	v0 =	vadd.bf16 v59, v0  }
0x107: {  	v16 =	vadd.bf16 v4, v16;
	v1 =	vadd.bf16 v63, v1  }
0x108: {  	v56 =	vor.u32 $0x280, v2  }
0x109: {  	v57 =	vor.u32 v56, v20;
	v0 =	vadd.bf16 v19, v0;
	v1 =	vadd.bf16 v16, v1  }
0x10a: {  	v58 =	vor.u32 v56, v18;
	v59 =	vor.u32 $0x280, v3  }
0x10b: {  	v60 =	vor.u32 $0x280, v43;
	v40 =	vor.u32 v59, v21;
	v0 =	vadd.bf16 v1, v0  }
0x10c: {  	v50 =	vor.u32 v60, v27;
	v61 =	vor.u32 $0x280, v30  }
0x10d: {  	v62 =	vor.u32 v61, v26;
	[tilespmem:s19+$0x10880] =	vst v0  }
0x10e: {  	v51 =	vor.u32 v61, v31;
	v63 =	vor.u32 $0x280, v8;
	v16 =	vld.idx.msk [tilespmem:v57+s2+$0x0], $0xffff  }
0x10f: {  	v5 =	vmovc v29;
	v4 =	vor.u32 $0x280, v29;
	v29 =	vor.u32 $0x280, v35;
	v56 =	vor.u32 v63, v32;
	v19 =	vld.idx.msk [tilespmem:v58+s2+$0x0], $0xffff  }
0x110: {  	v61 =	vor.u32 v29, v36;
	v40 =	vld.idx.msk [tilespmem:v40+s2+$0x0], $0xffff  }
0x111: {  	v1 =	vor.u32 v59, v42;
	v50 =	vld.idx.msk [tilespmem:v50+s2+$0x0], $0xffff  }
0x112: {  	v0 =	vor.u32 v60, v24;
	v55 =	vld.idx.msk [tilespmem:v62+s2+$0x0], $0xffff  }
0x113: {  	v59 =	vor.u32 v4, v34;
	v51 =	vld.idx.msk [tilespmem:v51+s2+$0x0], $0xffff  }
0x114: {  	v57 =	vor.u32 v63, v23;
	v56 =	vld.idx.msk [tilespmem:v56+s2+$0x0], $0xffff  }
0x115: {  	v58 =	vor.u32 v4, v37;
	v61 =	vld.idx.msk [tilespmem:v61+s2+$0x0], $0xffff  }
0x116: {  	v60 =	vor.u32 v29, v38;
	v4 =	vor.u32 $0x280, v53;
	v1 =	vld.idx.msk [tilespmem:v1+s2+$0x0], $0xffff  }
0x117: {  	v62 =	vor.u32 v4, v41;
	v0 =	vld.idx.msk [tilespmem:v0+s2+$0x0], $0xffff  }
0x118: {  	v29 =	vor.u32 v4, v39;
	v59 =	vld.idx.msk [tilespmem:v59+s2+$0x0], $0xffff  }
0x119: {  	v57 =	vld.idx.msk [tilespmem:v57+s2+$0x0], $0xffff;
	v16 =	vmul.bf16 v16, v9;
	v19 =	vmul.bf16 v19, v25  }
0x11a: {  	v58 =	vld.idx.msk [tilespmem:v58+s2+$0x0], $0xffff;
	v40 =	vmul.bf16 v40, v12;
	v50 =	vmul.bf16 v50, v10  }
0x11b: {  	v60 =	vld.idx.msk [tilespmem:v60+s2+$0x0], $0xffff;
	v51 =	vmul.bf16 v51, v45;
	v1 =	vmul.bf16 v1, v17;
	v19 =	vadd.bf16 v52, v19  }
0x11c: {  	v62 =	vld.idx.msk [tilespmem:v62+s2+$0x0], $0xffff;
	v16 =	vadd.bf16 v52, v16;
	v40 =	vadd.bf16 v52, v40;
	v0 =	vmul.bf16 v0, v6  }
0x11d: {  	v63 =	vld.idx.msk [tilespmem:v29+s2+$0x0], $0xffff;
	v29 =	vmul.bf16 v56, v46;
	v1 =	vadd.bf16 v52, v1;
	v19 =	vadd.bf16 v50, v19  }
0x11e: {  	v4 =	vmul.bf16 v57, v44;
	v0 =	vadd.bf16 v0, v16;
	v16 =	vmul.bf16 v55, v11  }
0x11f: {  	v56 =	vadd.bf16 v51, v40;
	v57 =	vmul.bf16 v59, v7;
	v58 =	vmul.bf16 v58, v13  }
0x120: {  	v59 =	vmul.bf16 v61, v14;
	v61 =	vmul.bf16 v60, v33;
	v1 =	vadd.bf16 v16, v1  }
0x121: {  	v19 =	vadd.bf16 v29, v19;
	v29 =	vmul.bf16 v62, v22;
	v0 =	vadd.bf16 v4, v0  }
0x122: {  	v16 =	vadd.bf16 v58, v56;
	v4 =	vmul.bf16 v63, v54;
	v1 =	vadd.bf16 v57, v1  }
0x123: {  	v19 =	vadd.bf16 v61, v19;
	v0 =	vadd.bf16 v59, v0  }
0x124: {  	v16 =	vadd.bf16 v29, v16;
	v1 =	vadd.bf16 v4, v1  }
0x125: {  	v56 =	vor.u32 $0x300, v2  }
0x126: {  	v57 =	vor.u32 v56, v20;
	v0 =	vadd.bf16 v19, v0;
	v1 =	vadd.bf16 v16, v1  }
0x127: {  	v58 =	vor.u32 v56, v18;
	v59 =	vor.u32 $0x300, v3  }
0x128: {  	v60 =	vor.u32 $0x300, v43;
	v40 =	vor.u32 v59, v21;
	v0 =	vadd.bf16 v1, v0  }
0x129: {  	v50 =	vor.u32 v60, v27;
	v61 =	vor.u32 $0x300, v30  }
0x12a: {  	v62 =	vor.u32 v61, v26;
	[tilespmem:s19+$0x10900] =	vst v0  }
0x12b: {  	v51 =	vor.u32 v61, v31;
	v4 =	vor.u32 $0x300, v8;
	v16 =	vld.idx.msk [tilespmem:v57+s2+$0x0], $0xffff  }
0x12c: {  	v29 =	vmov v43;
	v43 =	vor.u32 v4, v23;
	v19 =	vld.idx.msk [tilespmem:v58+s2+$0x0], $0xffff  }
0x12d: {  	v56 =	vor.u32 v4, v32;
	v40 =	vld.idx.msk [tilespmem:v40+s2+$0x0], $0xffff  }
0x12e: {  	v1 =	vor.u32 v59, v42;
	v50 =	vld.idx.msk [tilespmem:v50+s2+$0x0], $0xffff  }
0x12f: {  	v4 =	vor.u32 $0x300, v35;
	v0 =	vor.u32 v60, v24;
	v55 =	vld.idx.msk [tilespmem:v62+s2+$0x0], $0xffff  }
0x130: {  	v63 =	vor.u32 $0x300, v5;
	v61 =	vor.u32 v4, v36;
	v51 =	vld.idx.msk [tilespmem:v51+s2+$0x0], $0xffff  }
0x131: {  	v59 =	vor.u32 v63, v34;
	v57 =	vld.idx.msk [tilespmem:v43+s2+$0x0], $0xffff  }
0x132: {  	v60 =	vor.u32 v4, v38;
	v56 =	vld.idx.msk [tilespmem:v56+s2+$0x0], $0xffff  }
0x133: {  	v58 =	vor.u32 v63, v37;
	v43 =	vor.u32 $0x300, v53;
	v1 =	vld.idx.msk [tilespmem:v1+s2+$0x0], $0xffff  }
0x134: {  	v4 =	vor.u32 v43, v39;
	v0 =	vld.idx.msk [tilespmem:v0+s2+$0x0], $0xffff  }
0x135: {  	v61 =	vld.idx.msk [tilespmem:v61+s2+$0x0], $0xffff;
	v62 =	vor.u32 v43, v41  }
0x136: {  	v59 =	vld.idx.msk [tilespmem:v59+s2+$0x0], $0xffff;
	v16 =	vmul.bf16 v16, v9;
	v19 =	vmul.bf16 v19, v25  }
0x137: {  	v60 =	vld.idx.msk [tilespmem:v60+s2+$0x0], $0xffff;
	v40 =	vmul.bf16 v40, v12;
	v50 =	vmul.bf16 v50, v10  }
0x138: {  	v58 =	vld.idx.msk [tilespmem:v58+s2+$0x0], $0xffff;
	v51 =	vmul.bf16 v51, v45;
	v1 =	vmul.bf16 v1, v17;
	v19 =	vadd.bf16 v52, v19  }
0x139: {  	v63 =	vld.idx.msk [tilespmem:v4+s2+$0x0], $0xffff;
	v16 =	vadd.bf16 v52, v16;
	v40 =	vadd.bf16 v52, v40;
	v0 =	vmul.bf16 v0, v6  }
0x13a: {  	v62 =	vld.idx.msk [tilespmem:v62+s2+$0x0], $0xffff;
	v4 =	vmul.bf16 v56, v46;
	v1 =	vadd.bf16 v52, v1;
	v19 =	vadd.bf16 v50, v19  }
0x13b: {  	v50 =	vmul.bf16 v57, v44;
	v0 =	vadd.bf16 v0, v16;
	v16 =	vmul.bf16 v55, v11  }
0x13c: {  	v56 =	vadd.bf16 v51, v40;
	v57 =	vmul.bf16 v59, v7;
	v59 =	vmul.bf16 v61, v14  }
0x13d: {  	v61 =	vmul.bf16 v60, v33;
	v58 =	vmul.bf16 v58, v13;
	v1 =	vadd.bf16 v16, v1  }
0x13e: {  	v19 =	vadd.bf16 v4, v19;
	v63 =	vmul.bf16 v63, v54;
	v0 =	vadd.bf16 v50, v0  }
0x13f: {  	v4 =	vmul.bf16 v62, v22;
	v16 =	vadd.bf16 v58, v56;
	v1 =	vadd.bf16 v57, v1  }
0x140: {  	v19 =	vadd.bf16 v61, v19;
	v0 =	vadd.bf16 v59, v0  }
0x141: {  	v16 =	vadd.bf16 v4, v16;
	v1 =	vadd.bf16 v63, v1  }
0x142: {  	v55 =	vor.u32 $0x380, v2  }
0x143: {  	v56 =	vor.u32 v55, v20;
	v0 =	vadd.bf16 v19, v0;
	v1 =	vadd.bf16 v16, v1  }
0x144: {  	v58 =	vor.u32 $0x380, v3;
	v57 =	vor.u32 v55, v18  }
0x145: {  	v40 =	vor.u32 v58, v21;
	v59 =	vor.u32 $0x380, v29;
	v0 =	vadd.bf16 v1, v0  }
0x146: {  	v60 =	vor.u32 $0x380, v30;
	v50 =	vor.u32 v59, v27  }
0x147: {  	v61 =	vor.u32 v60, v26;
	[tilespmem:s19+$0x10980] =	vst v0  }
0x148: {  	v51 =	vor.u32 v60, v31;
	v63 =	vor.u32 $0x380, v5;
	v16 =	vld.idx.msk [tilespmem:v56+s2+$0x0], $0xffff  }
0x149: {  	v4 =	vor.u32 v63, v34;
	v19 =	vld.idx.msk [tilespmem:v57+s2+$0x0], $0xffff  }
0x14a: {  	[tilespmem:$0x1FFF0] =	vst v5;
	v5 =	vor.u32 $0x380, v35;
	v1 =	vor.u32 v58, v42;
	v40 =	vld.idx.msk [tilespmem:v40+s2+$0x0], $0xffff  }
0x14b: {  	v62 =	vor.u32 $0x380, v8;
	v8 =	vor.u32 v5, v36;
	v50 =	vld.idx.msk [tilespmem:v50+s2+$0x0], $0xffff  }
0x14c: {  	v60 =	vor.u32 v5, v38;
	v55 =	vld.idx.msk [tilespmem:v61+s2+$0x0], $0xffff  }
0x14d: {  	v0 =	vor.u32 v59, v24;
	v51 =	vld.idx.msk [tilespmem:v51+s2+$0x0], $0xffff  }
0x14e: {  	v57 =	vor.u32 v62, v23;
	v59 =	vld.idx.msk [tilespmem:v4+s2+$0x0], $0xffff  }
0x14f: {  	v56 =	vor.u32 v62, v32;
	v1 =	vld.idx.msk [tilespmem:v1+s2+$0x0], $0xffff  }
0x150: {  	[tilespmem:$0x1FFD0] =	vst v30;
	v30 =	vor.u32 $0x380, v53;
	v58 =	vor.u32 v63, v37;
	v61 =	vld.idx.msk [tilespmem:v8+s2+$0x0], $0xffff  }
0x151: {  	v29 =	vmov v35;
	v35 =	vor.u32 v30, v39;
	v60 =	vld.idx.msk [tilespmem:v60+s2+$0x0], $0xffff  }
0x152: {  	v62 =	vor.u32 v30, v41;
	v0 =	vld.idx.msk [tilespmem:v0+s2+$0x0], $0xffff;
	v16 =	vmul.bf16 v16, v9  }
0x153: {  	v43 =	vmov v10;
	v57 =	vld.idx.msk [tilespmem:v57+s2+$0x0], $0xffff;
	v19 =	vmul.bf16 v19, v25;
	v40 =	vmul.bf16 v40, v12  }
0x154: {  	v56 =	vld.idx.msk [tilespmem:v56+s2+$0x0], $0xffff;
	v50 =	vmul.bf16 v50, v43;
	v1 =	vmul.bf16 v1, v17  }
0x155: {  	v58 =	vld.idx.msk [tilespmem:v58+s2+$0x0], $0xffff;
	v5 =	vmul.bf16 v55, v11;
	v51 =	vmul.bf16 v51, v45  }
0x156: {  	v63 =	vld.idx.msk [tilespmem:v35+s2+$0x0], $0xffff;
	v4 =	vmul.bf16 v59, v7;
	v19 =	vadd.bf16 v52, v19;
	v1 =	vadd.bf16 v52, v1  }
0x157: {  	v62 =	vld.idx.msk [tilespmem:v62+s2+$0x0], $0xffff;
	v16 =	vadd.bf16 v52, v16;
	v40 =	vadd.bf16 v52, v40;
	v0 =	vmul.bf16 v0, v6  }
0x158: {  	v2 =	vmovc v7;
	v7 =	vmul.bf16 v60, v33;
	v19 =	vadd.bf16 v50, v19;
	v1 =	vadd.bf16 v5, v1  }
0x159: {  	v15 =	vmovc v6;
	v6 =	vmul.bf16 v57, v44;
	v35 =	vmul.bf16 v56, v46;
	v0 =	vadd.bf16 v0, v16  }
0x15a: {  	v57 =	vadd.bf16 v51, v40;
	v5 =	vmul.bf16 v58, v13;
	v1 =	vadd.bf16 v4, v1;
	v4 =	vld [tilespmem:$0x1FF60]  }
0x15b: {  	v19 =	vadd.bf16 v35, v19;
	v0 =	vadd.bf16 v6, v0;
	v6 =	vmul.bf16 v61, v14  }
0x15c: {  	v8 =	vmul.bf16 v63, v54;
	v35 =	vmul.bf16 v62, v22;
	v16 =	vadd.bf16 v5, v57;
	v5 =	vld [tilespmem:$0x1FF70]  }
0x15d: {  	v19 =	vadd.bf16 v7, v19;
	v0 =	vadd.bf16 v6, v0  }
0x15e: {  	v1 =	vadd.bf16 v8, v1;
	v16 =	vadd.bf16 v35, v16  }
0x15f: {  	v56 =	vor.u32 $0x8000, v4  }
0x160: {  	v7 =	vld [tilespmem:$0x1FF80];
	v0 =	vadd.bf16 v19, v0;
	v1 =	vadd.bf16 v16, v1;
	v57 =	vor.u32 v20, v56  }
0x161: {  	v59 =	vor.u32 $0x8000, v5;
	v58 =	vor.u32 v18, v56  }
0x162: {  	v0 =	vadd.bf16 v1, v0;
	v1 =	vor.u32 v42, v59  }
0x163: {  	v63 =	vor.u32 $0x8000, v28;
	v40 =	vor.u32 v21, v59  }
0x164: {  	v8 =	vor.u32 $0x8000, v47;
	v6 =	vmovc v18;
	v18 =	vmov v42;
	v42 =	vld [tilespmem:$0x1FF90];
	v56 =	vor.u32 v32, v63;
	[tilespmem:s19+$0x10A00] =	vst v0  }
0x165: {  	v60 =	vor.u32 $0x8000, v7;
	v59 =	vor.u32 v34, v8;
	v16 =	vld.idx.msk [tilespmem:v57+s2+$0x0], $0xffff  }
0x166: {  	v50 =	vor.u32 v27, v60;
	v19 =	vld.idx.msk [tilespmem:v58+s2+$0x0], $0xffff  }
0x167: {  	v0 =	vor.u32 v24, v60;
	v1 =	vld.idx.msk [tilespmem:v1+s2+$0x0], $0xffff  }
0x168: {  	v40 =	vld.idx.msk [tilespmem:v40+s2+$0x0], $0xffff;
	v57 =	vor.u32 v23, v63  }
0x169: {  	v61 =	vor.u32 $0x8000, v42;
	v58 =	vor.u32 v37, v8;
	v56 =	vld.idx.msk [tilespmem:v56+s2+$0x0], $0xffff  }
0x16a: {  	v59 =	vld.idx.msk [tilespmem:v59+s2+$0x0], $0xffff;
	v62 =	vor.u32 v26, v61  }
0x16b: {  	v35 =	vor.u32 $0x8000, v48;
	v51 =	vor.u32 v31, v61;
	v50 =	vld.idx.msk [tilespmem:v50+s2+$0x0], $0xffff  }
0x16c: {  	v8 =	vor.u32 $0x8000, v49;
	v61 =	vor.u32 v36, v35;
	v0 =	vld.idx.msk [tilespmem:v0+s2+$0x0], $0xffff  }
0x16d: {  	v60 =	vor.u32 v38, v35;
	v35 =	vor.u32 v39, v8;
	v57 =	vld.idx.msk [tilespmem:v57+s2+$0x0], $0xffff  }
0x16e: {  	v58 =	vld.idx.msk [tilespmem:v58+s2+$0x0], $0xffff  }
0x16f: {  	v3 =	vmov v9;
	v55 =	vld.idx.msk [tilespmem:v62+s2+$0x0], $0xffff;
	v62 =	vor.u32 v41, v8  }
0x170: {  	v16 =	vmul.bf16 v16, v3;
	v19 =	vmul.bf16 v19, v25;
	v51 =	vld.idx.msk [tilespmem:v51+s2+$0x0], $0xffff  }
0x171: {  	v1 =	vmul.bf16 v1, v17;
	v40 =	vmul.bf16 v40, v12;
	v61 =	vld.idx.msk [tilespmem:v61+s2+$0x0], $0xffff  }
0x172: {  	v63 =	vld.idx.msk [tilespmem:v35+s2+$0x0], $0xffff;
	v50 =	vmul.bf16 v50, v43;
	v35 =	vmul.bf16 v56, v46;
	v19 =	vadd.bf16 v52, v19  }
0x173: {  	v60 =	vld.idx.msk [tilespmem:v60+s2+$0x0], $0xffff;
	v16 =	vadd.bf16 v52, v16;
	v0 =	vmul.bf16 v0, v15;
	v1 =	vadd.bf16 v52, v1  }
0x174: {  	v40 =	vadd.bf16 v52, v40;
	v19 =	vadd.bf16 v50, v19;
	v8 =	vmul.bf16 v57, v44;
	v62 =	vld.idx.msk [tilespmem:v62+s2+$0x0], $0xffff  }
0x175: {  	v0 =	vadd.bf16 v0, v16;
	v16 =	vmul.bf16 v55, v11;
	v51 =	vmul.bf16 v51, v45  }
0x176: {  	v57 =	vmul.bf16 v59, v2;
	v58 =	vmul.bf16 v58, v13;
	v19 =	vadd.bf16 v35, v19  }
0x177: {  	v59 =	vmul.bf16 v61, v14;
	v1 =	vadd.bf16 v16, v1;
	v56 =	vadd.bf16 v51, v40  }
0x178: {  	v61 =	vmul.bf16 v60, v33;
	v0 =	vadd.bf16 v8, v0;
	v8 =	vmul.bf16 v63, v54  }
0x179: {  	v1 =	vadd.bf16 v57, v1;
	v16 =	vadd.bf16 v58, v56;
	v35 =	vmul.bf16 v62, v22  }
0x17a: {  	v19 =	vadd.bf16 v61, v19;
	v0 =	vadd.bf16 v59, v0  }
0x17b: {  	v1 =	vadd.bf16 v8, v1;
	v16 =	vadd.bf16 v35, v16  }
0x17c: {  	v55 =	vor.u32 $0x8080, v4  }
0x17d: {  	v56 =	vor.u32 v20, v55;
	v0 =	vadd.bf16 v19, v0;
	v1 =	vadd.bf16 v16, v1  }
0x17e: {  	v57 =	vor.u32 v6, v55;
	v58 =	vor.u32 $0x8080, v5  }
0x17f: {  	v59 =	vor.u32 $0x8080, v7;
	v40 =	vor.u32 v21, v58;
	v0 =	vadd.bf16 v1, v0  }
0x180: {  	v60 =	vor.u32 $0x8080, v42;
	v50 =	vor.u32 v27, v59  }
0x181: {  	v61 =	vor.u32 v26, v60;
	[tilespmem:s19+$0x10A80] =	vst v0  }
0x182: {  	v51 =	vor.u32 v31, v60;
	v16 =	vld.idx.msk [tilespmem:v56+s2+$0x0], $0xffff  }
0x183: {  	v63 =	vor.u32 $0x8080, v47;
	v1 =	vor.u32 v18, v58;
	v19 =	vld.idx.msk [tilespmem:v57+s2+$0x0], $0xffff  }
0x184: {  	v58 =	vor.u32 v37, v63;
	v40 =	vld.idx.msk [tilespmem:v40+s2+$0x0], $0xffff  }
0x185: {  	v0 =	vor.u32 v24, v59;
	v50 =	vld.idx.msk [tilespmem:v50+s2+$0x0], $0xffff  }
0x186: {  	v62 =	vor.u32 $0x8080, v28;
	v59 =	vor.u32 v34, v63;
	v55 =	vld.idx.msk [tilespmem:v61+s2+$0x0], $0xffff  }
0x187: {  	v57 =	vor.u32 v23, v62;
	v51 =	vld.idx.msk [tilespmem:v51+s2+$0x0], $0xffff  }
0x188: {  	v60 =	vor.u32 $0x8080, v48;
	v56 =	vor.u32 v32, v62;
	v1 =	vld.idx.msk [tilespmem:v1+s2+$0x0], $0xffff  }
0x189: {  	v61 =	vor.u32 v36, v60;
	v58 =	vld.idx.msk [tilespmem:v58+s2+$0x0], $0xffff  }
0x18a: {  	v60 =	vor.u32 v38, v60;
	v62 =	vor.u32 $0x8080, v49;
	v0 =	vld.idx.msk [tilespmem:v0+s2+$0x0], $0xffff  }
0x18b: {  	v63 =	vor.u32 v39, v62;
	v59 =	vld.idx.msk [tilespmem:v59+s2+$0x0], $0xffff  }
0x18c: {  	v62 =	vor.u32 v41, v62;
	v57 =	vld.idx.msk [tilespmem:v57+s2+$0x0], $0xffff;
	v16 =	vmul.bf16 v16, v3  }
0x18d: {  	v56 =	vld.idx.msk [tilespmem:v56+s2+$0x0], $0xffff;
	v19 =	vmul.bf16 v19, v25;
	v40 =	vmul.bf16 v40, v12  }
0x18e: {  	v61 =	vld.idx.msk [tilespmem:v61+s2+$0x0], $0xffff;
	v50 =	vmul.bf16 v50, v43;
	v51 =	vmul.bf16 v51, v45  }
0x18f: {  	v60 =	vld.idx.msk [tilespmem:v60+s2+$0x0], $0xffff;
	v1 =	vmul.bf16 v1, v17;
	v16 =	vadd.bf16 v52, v16;
	v19 =	vadd.bf16 v52, v19  }
0x190: {  	v63 =	vld.idx.msk [tilespmem:v63+s2+$0x0], $0xffff;
	v40 =	vadd.bf16 v52, v40;
	v58 =	vmul.bf16 v58, v13;
	v0 =	vmul.bf16 v0, v15  }
0x191: {  	v62 =	vld.idx.msk [tilespmem:v62+s2+$0x0], $0xffff;
	v1 =	vadd.bf16 v52, v1;
	v19 =	vadd.bf16 v50, v19;
	v50 =	vmul.bf16 v57, v44  }
0x192: {  	v57 =	vmul.bf16 v59, v2;
	v0 =	vadd.bf16 v0, v16;
	v16 =	vmul.bf16 v55, v11  }
0x193: {  	v59 =	vmul.bf16 v61, v14;
	v55 =	vmul.bf16 v56, v46  }
0x194: {  	v60 =	vmul.bf16 v60, v33;
	v56 =	vadd.bf16 v51, v40;
	v1 =	vadd.bf16 v16, v1  }
0x195: {  	v61 =	vmul.bf16 v63, v54;
	v0 =	vadd.bf16 v50, v0;
	v19 =	vadd.bf16 v55, v19  }
0x196: {  	v63 =	vmul.bf16 v62, v22;
	v16 =	vadd.bf16 v58, v56;
	v1 =	vadd.bf16 v57, v1  }
0x197: {  	v0 =	vadd.bf16 v59, v0;
	v19 =	vadd.bf16 v60, v19  }
0x198: {  	v16 =	vadd.bf16 v63, v16;
	v1 =	vadd.bf16 v61, v1  }
0x199: {  	v35 =	vmov v20;
	v55 =	vor.u32 $0x8100, v4  }
0x19a: {  	v56 =	vor.u32 v35, v55;
	v0 =	vadd.bf16 v19, v0;
	v1 =	vadd.bf16 v16, v1  }
0x19b: {  	v58 =	vor.u32 $0x8100, v5;
	v57 =	vor.u32 v6, v55  }
0x19c: {  	v40 =	vor.u32 v21, v58;
	v59 =	vor.u32 $0x8100, v7;
	v0 =	vadd.bf16 v1, v0  }
0x19d: {  	v60 =	vor.u32 $0x8100, v42;
	v50 =	vor.u32 v27, v59  }
0x19e: {  	v61 =	vor.u32 v26, v60;
	[tilespmem:s19+$0x10B00] =	vst v0  }
0x19f: {  	v51 =	vor.u32 v31, v60;
	v16 =	vld.idx.msk [tilespmem:v56+s2+$0x0], $0xffff  }
0x1a0: {  	v1 =	vor.u32 v18, v58;
	v19 =	vld.idx.msk [tilespmem:v57+s2+$0x0], $0xffff  }
0x1a1: {  	v63 =	vor.u32 $0x8100, v47;
	v0 =	vor.u32 v24, v59;
	v40 =	vld.idx.msk [tilespmem:v40+s2+$0x0], $0xffff  }
0x1a2: {  	v58 =	vor.u32 v37, v63;
	v50 =	vld.idx.msk [tilespmem:v50+s2+$0x0], $0xffff  }
0x1a3: {  	v62 =	vor.u32 $0x8100, v28;
	v59 =	vor.u32 v34, v63;
	v55 =	vld.idx.msk [tilespmem:v61+s2+$0x0], $0xffff  }
0x1a4: {  	v57 =	vor.u32 v23, v62;
	v51 =	vld.idx.msk [tilespmem:v51+s2+$0x0], $0xffff  }
0x1a5: {  	v8 =	vmov v18;
	v18 =	vor.u32 $0x8100, v48;
	v56 =	vor.u32 v32, v62;
	v1 =	vld.idx.msk [tilespmem:v1+s2+$0x0], $0xffff  }
0x1a6: {  	v61 =	vor.u32 v36, v18;
	v62 =	vor.u32 $0x8100, v49;
	v0 =	vld.idx.msk [tilespmem:v0+s2+$0x0], $0xffff  }
0x1a7: {  	v63 =	vor.u32 v39, v62;
	v62 =	vor.u32 v41, v62;
	v58 =	vld.idx.msk [tilespmem:v58+s2+$0x0], $0xffff  }
0x1a8: {  	v60 =	vor.u32 v38, v18;
	v59 =	vld.idx.msk [tilespmem:v59+s2+$0x0], $0xffff  }
0x1a9: {  	v57 =	vld.idx.msk [tilespmem:v57+s2+$0x0], $0xffff;
	v16 =	vmul.bf16 v16, v3  }
0x1aa: {  	v56 =	vld.idx.msk [tilespmem:v56+s2+$0x0], $0xffff;
	v19 =	vmul.bf16 v19, v25  }
0x1ab: {  	v61 =	vld.idx.msk [tilespmem:v61+s2+$0x0], $0xffff;
	v40 =	vmul.bf16 v40, v12;
	v16 =	vadd.bf16 v52, v16;
	v0 =	vmul.bf16 v0, v15  }
0x1ac: {  	v50 =	vmul.bf16 v50, v43;
	v62 =	vld.idx.msk [tilespmem:v62+s2+$0x0], $0xffff;
	v1 =	vmul.bf16 v1, v17  }
0x1ad: {  	v55 =	vmul.bf16 v55, v11;
	v19 =	vadd.bf16 v52, v19;
	v0 =	vadd.bf16 v0, v16;
	v16 =	vld.idx.msk [tilespmem:v60+s2+$0x0], $0xffff  }
0x1ae: {  	v51 =	vmul.bf16 v51, v45;
	v40 =	vadd.bf16 v52, v40;
	v1 =	vadd.bf16 v52, v1;
	v60 =	vld.idx.msk [tilespmem:v63+s2+$0x0], $0xffff  }
0x1af: {  	v10 =	vmovc v45;
	v19 =	vadd.bf16 v50, v19;
	v45 =	vmul.bf16 v57, v44;
	v56 =	vmul.bf16 v56, v46  }
0x1b0: {  	v40 =	vadd.bf16 v51, v40;
	v57 =	vmul.bf16 v59, v2;
	v59 =	vmul.bf16 v58, v13  }
0x1b1: {  	v61 =	vmul.bf16 v61, v14;
	v1 =	vadd.bf16 v55, v1;
	v19 =	vadd.bf16 v56, v19  }
0x1b2: {  	v30 =	vmovc v44;
	v44 =	vmul.bf16 v62, v22;
	v40 =	vadd.bf16 v59, v40;
	v0 =	vadd.bf16 v45, v0  }
0x1b3: {  	v1 =	vadd.bf16 v57, v1;
	v16 =	vmul.bf16 v16, v33;
	v63 =	vmul.bf16 v60, v54  }
0x1b4: {  	v45 =	vadd.bf16 v44, v40;
	v0 =	vadd.bf16 v61, v0  }
0x1b5: {  	v16 =	vadd.bf16 v16, v19;
	v1 =	vadd.bf16 v63, v1  }
0x1b6: {  	v9 =	vmov v46;
	v46 =	vor.u32 $0x8180, v4  }
0x1b7: {  	v50 =	vor.u32 v35, v46;
	v0 =	vadd.bf16 v16, v0;
	v1 =	vadd.bf16 v45, v1  }
0x1b8: {  	v51 =	vor.u32 v6, v46;
	v55 =	vor.u32 $0x8180, v5  }
0x1b9: {  	v18 =	vor.u32 v21, v55;
	v56 =	vor.u32 $0x8180, v7;
	v0 =	vadd.bf16 v1, v0  }
0x1ba: {  	v42 =	vor.u32 $0x8180, v42;
	v40 =	vor.u32 v27, v56  }
0x1bb: {  	v57 =	vor.u32 v26, v42;
	[tilespmem:s19+$0x10B80] =	vst v0  }
0x1bc: {  	v58 =	vor.u32 $0x8180, v28;
	v42 =	vor.u32 v31, v42;
	v16 =	vld.idx.msk [tilespmem:v50+s2+$0x0], $0xffff  }
0x1bd: {  	v59 =	vor.u32 v23, v58;
	v19 =	vld.idx.msk [tilespmem:v51+s2+$0x0], $0xffff  }
0x1be: {  	v47 =	vor.u32 $0x8180, v47;
	v45 =	vor.u32 v32, v58;
	v18 =	vld.idx.msk [tilespmem:v18+s2+$0x0], $0xffff  }
0x1bf: {  	v60 =	vor.u32 v34, v47;
	v40 =	vld.idx.msk [tilespmem:v40+s2+$0x0], $0xffff  }
0x1c0: {  	v48 =	vor.u32 $0x8180, v48;
	v47 =	vor.u32 v37, v47;
	v44 =	vld.idx.msk [tilespmem:v57+s2+$0x0], $0xffff  }
0x1c1: {  	v61 =	vor.u32 v36, v48;
	v42 =	vld.idx.msk [tilespmem:v42+s2+$0x0], $0xffff  }
0x1c2: {  	v1 =	vor.u32 v8, v55;
	v46 =	vld.idx.msk [tilespmem:v59+s2+$0x0], $0xffff  }
0x1c3: {  	v0 =	vor.u32 v24, v56;
	v45 =	vld.idx.msk [tilespmem:v45+s2+$0x0], $0xffff  }
0x1c4: {  	v48 =	vor.u32 v38, v48;
	v50 =	vld.idx.msk [tilespmem:v60+s2+$0x0], $0xffff  }
0x1c5: {  	v49 =	vor.u32 $0x8180, v49;
	v47 =	vld.idx.msk [tilespmem:v47+s2+$0x0], $0xffff  }
0x1c6: {  	v62 =	vor.u32 v39, v49;
	v51 =	vld.idx.msk [tilespmem:v61+s2+$0x0], $0xffff  }
0x1c7: {  	v49 =	vor.u32 v41, v49;
	v1 =	vld.idx.msk [tilespmem:v1+s2+$0x0], $0xffff;
	v16 =	vmul.bf16 v16, v3  }
0x1c8: {  	v0 =	vld.idx.msk [tilespmem:v0+s2+$0x0], $0xffff;
	v19 =	vmul.bf16 v19, v25;
	v18 =	vmul.bf16 v18, v12  }
0x1c9: {  	v48 =	vld.idx.msk [tilespmem:v48+s2+$0x0], $0xffff;
	v40 =	vmul.bf16 v40, v43;
	v63 =	vmul.bf16 v44, v11  }
0x1ca: {  	v5 =	vmov v12;
	v57 =	vld [tilespmem:$0x1FFA0];
	v42 =	vmul.bf16 v42, v10;
	v12 =	vmul.bf16 v46, v30  }
0x1cb: {  	v55 =	vld.idx.msk [tilespmem:v62+s2+$0x0], $0xffff;
	v28 =	vmul.bf16 v45, v9;
	v61 =	vmul.bf16 v50, v2  }
0x1cc: {  	v49 =	vld.idx.msk [tilespmem:v49+s2+$0x0], $0xffff;
	v62 =	vmul.bf16 v47, v13;
	v1 =	vmul.bf16 v1, v17;
	v19 =	vadd.bf16 v52, v19  }
0x1cd: {  	v58 =	vmovc v10;
	v16 =	vadd.bf16 v52, v16;
	v18 =	vadd.bf16 v52, v18;
	v0 =	vmul.bf16 v0, v15  }
0x1ce: {  	v10 =	vmovc v9;
	v9 =	vmul.bf16 v48, v33;
	v1 =	vadd.bf16 v52, v1;
	v19 =	vadd.bf16 v40, v19  }
0x1cf: {  	v20 =	vmovc v6;
	v46 =	vor.u32 $0x8200, v57;
	v60 =	vadd.bf16 v42, v18;
	v0 =	vadd.bf16 v0, v16  }
0x1d0: {  	v48 =	vor.u32 v46, v20;
	v1 =	vadd.bf16 v63, v1;
	v19 =	vadd.bf16 v28, v19  }
0x1d1: {  	v4 =	vmovc v17;
	v56 =	vld [tilespmem:$0x1FFB0];
	v63 =	vmul.bf16 v51, v14;
	v16 =	vadd.bf16 v62, v60;
	v28 =	vmul.bf16 v49, v22  }
0x1d2: {  	v17 =	vmovc v20;
	v20 =	vld [tilespmem:$0x1FFC0];
	v0 =	vadd.bf16 v12, v0;
	v1 =	vadd.bf16 v61, v1;
	v12 =	vmul.bf16 v55, v54  }
0x1d3: {  	v45 =	vadd.bf16 v9, v19;
	v16 =	vadd.bf16 v28, v16  }
0x1d4: {  	v0 =	vadd.bf16 v63, v0;
	v1 =	vadd.bf16 v12, v1  }
0x1d5: {  	v9 =	vld [tilespmem:$0x1FFD0]  }
0x1d6: {  	v47 =	vor.u32 v46, v35;
	v0 =	vadd.bf16 v45, v0;
	v1 =	vadd.bf16 v16, v1  }
0x1d7: {  	v49 =	vor.u32 $0x8200, v56;
	v50 =	vor.u32 $0x8200, v20;
	v28 =	vld [tilespmem:$0x1FFF0]  }
0x1d8: {  	v19 =	vor.u32 v49, v21;
	v12 =	vmovc v8;
	v0 =	vadd.bf16 v1, v0;
	v1 =	vor.u32 v49, v8;
	v8 =	vld [tilespmem:$0x1FFE0]  }
0x1d9: {  	v40 =	vor.u32 v50, v27  }
0x1da: {  	v51 =	vor.u32 $0x8200, v9;
	[tilespmem:s19+$0x10C00] =	vst v0  }
0x1db: {  	v55 =	vor.u32 v51, v26;
	v16 =	vld.idx.msk [tilespmem:v47+s2+$0x0], $0xffff  }
0x1dc: {  	v62 =	vor.u32 $0x8200, v28;
	v42 =	vor.u32 v51, v31;
	v18 =	vld.idx.msk [tilespmem:v48+s2+$0x0], $0xffff  }
0x1dd: {  	v63 =	vor.u32 v62, v34;
	v19 =	vld.idx.msk [tilespmem:v19+s2+$0x0], $0xffff;
	v60 =	vor.u32 $0x8200, v8  }
0x1de: {  	v40 =	vld.idx.msk [tilespmem:v40+s2+$0x0], $0xffff;
	v61 =	vor.u32 v60, v23  }
0x1df: {  	v0 =	vor.u32 v50, v24;
	v1 =	vld.idx.msk [tilespmem:v1+s2+$0x0], $0xffff  }
0x1e0: {  	v47 =	vor.u32 v62, v37;
	v44 =	vld.idx.msk [tilespmem:v55+s2+$0x0], $0xffff  }
0x1e1: {  	v55 =	vor.u32 $0x8200, v29;
	v42 =	vld.idx.msk [tilespmem:v42+s2+$0x0], $0xffff;
	v45 =	vor.u32 v60, v32  }
0x1e2: {  	v48 =	vld.idx.msk [tilespmem:v63+s2+$0x0], $0xffff;
	v60 =	vor.u32 v55, v36  }
0x1e3: {  	v49 =	vor.u32 v55, v38;
	v46 =	vld.idx.msk [tilespmem:v61+s2+$0x0], $0xffff;
	v61 =	vor.u32 $0x8200, v53  }
0x1e4: {  	v0 =	vld.idx.msk [tilespmem:v0+s2+$0x0], $0xffff;
	v62 =	vor.u32 v61, v39  }
0x1e5: {  	v47 =	vld.idx.msk [tilespmem:v47+s2+$0x0], $0xffff;
	v16 =	vmul.bf16 v16, v3;
	v51 =	vor.u32 v61, v41  }
0x1e6: {  	v18 =	vmul.bf16 v18, v25;
	v19 =	vmul.bf16 v19, v5;
	v45 =	vld.idx.msk [tilespmem:v45+s2+$0x0], $0xffff  }
0x1e7: {  	v40 =	vmul.bf16 v40, v43;
	v1 =	vmul.bf16 v1, v4;
	v50 =	vld.idx.msk [tilespmem:v60+s2+$0x0], $0xffff  }
0x1e8: {  	v7 =	vmovc v43;
	v43 =	vmov v11;
	v16 =	vadd.bf16 v52, v16;
	v19 =	vadd.bf16 v52, v19;
	v49 =	vld.idx.msk [tilespmem:v49+s2+$0x0], $0xffff  }
0x1e9: {  	v63 =	vmul.bf16 v44, v11;
	v42 =	vmul.bf16 v42, v58;
	v1 =	vadd.bf16 v52, v1;
	v55 =	vld.idx.msk [tilespmem:v62+s2+$0x0], $0xffff  }
0x1ea: {  	v18 =	vadd.bf16 v52, v18;
	v0 =	vmul.bf16 v0, v15;
	v11 =	vmul.bf16 v46, v30;
	v51 =	vld.idx.msk [tilespmem:v51+s2+$0x0], $0xffff  }
0x1eb: {  	v61 =	vadd.bf16 v42, v19;
	v1 =	vadd.bf16 v63, v1;
	v63 =	vmul.bf16 v47, v13  }
0x1ec: {  	v59 =	vmovc v2;
	v18 =	vadd.bf16 v40, v18;
	v0 =	vadd.bf16 v0, v16;
	v60 =	vmul.bf16 v45, v10  }
0x1ed: {  	v16 =	vadd.bf16 v63, v61;
	v62 =	vmul.bf16 v48, v59;
	v48 =	vmul.bf16 v49, v33  }
0x1ee: {  	v0 =	vadd.bf16 v11, v0;
	v18 =	vadd.bf16 v60, v18;
	v11 =	vmovc v13;
	v13 =	vmul.bf16 v50, v14  }
0x1ef: {  	v1 =	vadd.bf16 v62, v1;
	v49 =	vmul.bf16 v55, v54;
	v50 =	vmul.bf16 v51, v22  }
0x1f0: {  	v18 =	vadd.bf16 v48, v18;
	v0 =	vadd.bf16 v13, v0  }
0x1f1: {  	v1 =	vadd.bf16 v49, v1;
	v16 =	vadd.bf16 v50, v16  }
0x1f2: {  	v51 =	vor.u32 $0x8280, v57  }
0x1f3: {  	v55 =	vor.u32 v51, v35;
	v0 =	vadd.bf16 v18, v0;
	v1 =	vadd.bf16 v16, v1  }
0x1f4: {  	v61 =	vor.u32 $0x8280, v56;
	v60 =	vor.u32 v51, v17  }
0x1f5: {  	v19 =	vor.u32 v61, v21;
	v62 =	vor.u32 $0x8280, v20;
	v0 =	vadd.bf16 v1, v0  }
0x1f6: {  	v63 =	vor.u32 $0x8280, v9;
	v40 =	vor.u32 v62, v27  }
0x1f7: {  	v13 =	vor.u32 v63, v26;
	[tilespmem:s19+$0x10C80] =	vst v0  }
0x1f8: {  	v42 =	vor.u32 v63, v31;
	v63 =	vor.u32 $0x8280, v29;
	v16 =	vld.idx.msk [tilespmem:v55+s2+$0x0], $0xffff  }
0x1f9: {  	v49 =	vor.u32 v63, v38;
	v18 =	vld.idx.msk [tilespmem:v60+s2+$0x0], $0xffff  }
0x1fa: {  	v1 =	vor.u32 v61, v12;
	v55 =	vor.u32 $0x8280, v8;
	v19 =	vld.idx.msk [tilespmem:v19+s2+$0x0], $0xffff  }
0x1fb: {  	v40 =	vld.idx.msk [tilespmem:v40+s2+$0x0], $0xffff;
	v60 =	vor.u32 v55, v23  }
0x1fc: {  	v61 =	vor.u32 $0x8280, v28;
	v0 =	vor.u32 v62, v24;
	v44 =	vld.idx.msk [tilespmem:v13+s2+$0x0], $0xffff  }
0x1fd: {  	v47 =	vor.u32 v61, v37;
	v42 =	vld.idx.msk [tilespmem:v42+s2+$0x0], $0xffff  }
0x1fe: {  	v62 =	vor.u32 v61, v34;
	v49 =	vld.idx.msk [tilespmem:v49+s2+$0x0], $0xffff  }
0x1ff: {  	v45 =	vor.u32 v55, v32;
	v1 =	vld.idx.msk [tilespmem:v1+s2+$0x0], $0xffff  }
0x200: {  	v13 =	vor.u32 v63, v36;
	v46 =	vld.idx.msk [tilespmem:v60+s2+$0x0], $0xffff;
	v60 =	vor.u32 $0x8280, v53  }
0x201: {  	v0 =	vld.idx.msk [tilespmem:v0+s2+$0x0], $0xffff;
	v61 =	vor.u32 v60, v39  }
0x202: {  	v47 =	vld.idx.msk [tilespmem:v47+s2+$0x0], $0xffff;
	v16 =	vmul.bf16 v16, v3;
	v51 =	vor.u32 v60, v41  }
0x203: {  	v48 =	vld.idx.msk [tilespmem:v62+s2+$0x0], $0xffff;
	v18 =	vmul.bf16 v18, v25;
	v19 =	vmul.bf16 v19, v5  }
0x204: {  	v40 =	vmul.bf16 v40, v7;
	v62 =	vmul.bf16 v44, v43;
	v45 =	vld.idx.msk [tilespmem:v45+s2+$0x0], $0xffff  }
0x205: {  	v50 =	vld.idx.msk [tilespmem:v13+s2+$0x0], $0xffff;
	v42 =	vmul.bf16 v42, v58;
	v1 =	vmul.bf16 v1, v4  }
0x206: {  	v16 =	vadd.bf16 v52, v16;
	v18 =	vadd.bf16 v52, v18;
	v0 =	vmul.bf16 v0, v15;
	v55 =	vld.idx.msk [tilespmem:v61+s2+$0x0], $0xffff  }
0x207: {  	v19 =	vadd.bf16 v52, v19;
	v60 =	vmul.bf16 v47, v11;
	v1 =	vadd.bf16 v52, v1;
	v51 =	vld.idx.msk [tilespmem:v51+s2+$0x0], $0xffff  }
0x208: {  	v18 =	vadd.bf16 v40, v18;
	v0 =	vadd.bf16 v0, v16;
	v63 =	vmul.bf16 v46, v30  }
0x209: {  	v48 =	vmul.bf16 v48, v59;
	v13 =	vmul.bf16 v45, v10;
	v1 =	vadd.bf16 v62, v1  }
0x20a: {  	v46 =	vadd.bf16 v42, v19;
	v62 =	vmul.bf16 v49, v33;
	v0 =	vadd.bf16 v63, v0  }
0x20b: {  	v61 =	vmul.bf16 v50, v14;
	v18 =	vadd.bf16 v13, v18;
	v1 =	vadd.bf16 v48, v1  }
0x20c: {  	v16 =	vadd.bf16 v60, v46;
	v63 =	vmul.bf16 v55, v54;
	v13 =	vmul.bf16 v51, v22  }
0x20d: {  	v0 =	vadd.bf16 v61, v0;
	v18 =	vadd.bf16 v62, v18  }
0x20e: {  	v1 =	vadd.bf16 v63, v1;
	v16 =	vadd.bf16 v13, v16  }
0x20f: {  	v47 =	vor.u32 $0x8300, v57  }
0x210: {  	v48 =	vor.u32 v47, v35;
	v0 =	vadd.bf16 v18, v0;
	v1 =	vadd.bf16 v16, v1  }
0x211: {  	v49 =	vor.u32 v47, v17;
	v50 =	vor.u32 $0x8300, v56  }
0x212: {  	v19 =	vor.u32 v50, v21;
	v51 =	vor.u32 $0x8300, v20;
	v0 =	vadd.bf16 v1, v0  }
0x213: {  	v55 =	vor.u32 $0x8300, v9;
	v40 =	vor.u32 v51, v27  }
0x214: {  	v60 =	vor.u32 v55, v26;
	[tilespmem:s19+$0x10D00] =	vst v0  }
0x215: {  	v61 =	vor.u32 $0x8300, v8;
	v42 =	vor.u32 v55, v31;
	v16 =	vld.idx.msk [tilespmem:v48+s2+$0x0], $0xffff  }
0x216: {  	v62 =	vor.u32 v61, v23;
	v18 =	vld.idx.msk [tilespmem:v49+s2+$0x0], $0xffff  }
0x217: {  	v45 =	vor.u32 v61, v32;
	v63 =	vor.u32 $0x8300, v28;
	v19 =	vld.idx.msk [tilespmem:v19+s2+$0x0], $0xffff  }
0x218: {  	v13 =	vor.u32 v63, v34;
	v40 =	vld.idx.msk [tilespmem:v40+s2+$0x0], $0xffff  }
0x219: {  	v1 =	vor.u32 v50, v12;
	v44 =	vld.idx.msk [tilespmem:v60+s2+$0x0], $0xffff  }
0x21a: {  	v47 =	vor.u32 v63, v37;
	v42 =	vld.idx.msk [tilespmem:v42+s2+$0x0], $0xffff  }
0x21b: {  	v55 =	vor.u32 $0x8300, v29;
	v0 =	vor.u32 v51, v24;
	v46 =	vld.idx.msk [tilespmem:v62+s2+$0x0], $0xffff  }
0x21c: {  	v61 =	vor.u32 $0x8300, v53;
	v60 =	vor.u32 v55, v36;
	v45 =	vld.idx.msk [tilespmem:v45+s2+$0x0], $0xffff  }
0x21d: {  	v51 =	vor.u32 v61, v41;
	v48 =	vld.idx.msk [tilespmem:v13+s2+$0x0], $0xffff  }
0x21e: {  	v49 =	vor.u32 v55, v38;
	v1 =	vld.idx.msk [tilespmem:v1+s2+$0x0], $0xffff  }
0x21f: {  	v62 =	vor.u32 v61, v39;
	v47 =	vld.idx.msk [tilespmem:v47+s2+$0x0], $0xffff;
	v16 =	vmul.bf16 v16, v3;
	v18 =	vmul.bf16 v18, v25  }
0x220: {  	v0 =	vld.idx.msk [tilespmem:v0+s2+$0x0], $0xffff;
	v19 =	vmul.bf16 v19, v5;
	v40 =	vmul.bf16 v40, v7  }
0x221: {  	v50 =	vld.idx.msk [tilespmem:v60+s2+$0x0], $0xffff;
	v44 =	vmul.bf16 v44, v43;
	v42 =	vmul.bf16 v42, v58  }
0x222: {  	v2 =	vmov v25;
	v51 =	vld.idx.msk [tilespmem:v51+s2+$0x0], $0xffff;
	v25 =	vmul.bf16 v46, v30;
	v45 =	vmul.bf16 v45, v10  }
0x223: {  	v63 =	vld.idx.msk [tilespmem:v49+s2+$0x0], $0xffff;
	v46 =	vmul.bf16 v48, v59;
	v1 =	vmul.bf16 v1, v4  }
0x224: {  	v13 =	vld.idx.msk [tilespmem:v62+s2+$0x0], $0xffff;
	v47 =	vmul.bf16 v47, v11;
	v18 =	vadd.bf16 v52, v18;
	v19 =	vadd.bf16 v52, v19  }
0x225: {  	v16 =	vadd.bf16 v52, v16;
	v0 =	vmul.bf16 v0, v15;
	v1 =	vadd.bf16 v52, v1  }
0x226: {  	v18 =	vadd.bf16 v40, v18;
	v19 =	vadd.bf16 v42, v19;
	v48 =	vmul.bf16 v50, v14  }
0x227: {  	v50 =	vmul.bf16 v51, v22;
	v0 =	vadd.bf16 v0, v16;
	v1 =	vadd.bf16 v44, v1  }
0x228: {  	v18 =	vadd.bf16 v45, v18;
	v16 =	vmul.bf16 v63, v33;
	v19 =	vadd.bf16 v47, v19  }
0x229: {  	v49 =	vmul.bf16 v13, v54;
	v0 =	vadd.bf16 v25, v0;
	v1 =	vadd.bf16 v46, v1  }
0x22a: {  	v16 =	vadd.bf16 v16, v18;
	v51 =	vadd.bf16 v50, v19  }
0x22b: {  	v0 =	vadd.bf16 v48, v0;
	v1 =	vadd.bf16 v49, v1  }
0x22c: {  	v55 =	vor.u32 $0x8380, v57  }
0x22d: {  	v57 =	vor.u32 v55, v35;
	v0 =	vadd.bf16 v16, v0;
	v1 =	vadd.bf16 v51, v1  }
0x22e: {  	v61 =	vor.u32 $0x8380, v56;
	v60 =	vor.u32 v55, v17  }
0x22f: {  	v62 =	vor.u32 v61, v21;
	v63 =	vor.u32 $0x8380, v20;
	v0 =	vadd.bf16 v1, v0  }
0x230: {  	v35 =	vor.u32 $0x8380, v28;
	v18 =	vor.u32 v63, v27  }
0x231: {  	v40 =	vor.u32 v35, v34;
	v42 =	vor.u32 $0x8380, v29;
	[tilespmem:s19+$0x10D80] =	vst v0  }
0x232: {  	v6 =	vmov v15;
	v44 =	vor.u32 v42, v36;
	v45 =	vor.u32 $0x8380, v53;
	v15 =	vld.idx.msk [tilespmem:v57+s2+$0x0], $0xffff  }
0x233: {  	v47 =	vor.u32 v45, v39;
	v16 =	vld.idx.msk [tilespmem:v60+s2+$0x0], $0xffff  }
0x234: {  	v1 =	vor.u32 v61, v12;
	v17 =	vld.idx.msk [tilespmem:v62+s2+$0x0], $0xffff  }
0x235: {  	v12 =	vor.u32 $0x8380, v9;
	v0 =	vor.u32 v63, v24;
	v18 =	vld.idx.msk [tilespmem:v18+s2+$0x0], $0xffff  }
0x236: {  	v13 =	vor.u32 v12, v26;
	v25 =	vld.idx.msk [tilespmem:v40+s2+$0x0], $0xffff  }
0x237: {  	v19 =	vor.u32 v12, v31;
	v31 =	vor.u32 $0x8380, v8;
	v49 =	vld.idx.msk [tilespmem:v44+s2+$0x0], $0xffff  }
0x238: {  	v23 =	vor.u32 v31, v23;
	v55 =	vld.idx.msk [tilespmem:v47+s2+$0x0], $0xffff  }
0x239: {  	v21 =	vor.u32 v31, v32;
	v1 =	vld.idx.msk [tilespmem:v1+s2+$0x0], $0xffff  }
0x23a: {  	v24 =	vor.u32 v35, v37;
	v0 =	vld.idx.msk [tilespmem:v0+s2+$0x0], $0xffff  }
0x23b: {  	v28 =	vor.u32 v45, v41;
	v20 =	vld.idx.msk [tilespmem:v13+s2+$0x0], $0xffff  }
0x23c: {  	v26 =	vor.u32 v42, v38;
	v19 =	vld.idx.msk [tilespmem:v19+s2+$0x0], $0xffff  }
0x23d: {  	v23 =	vld.idx.msk [tilespmem:v23+s2+$0x0], $0xffff;
	v3 =	vmul.bf16 v15, v3;
	v2 =	vmul.bf16 v16, v2  }
0x23e: {  	v46 =	vld.idx.msk [tilespmem:v21+s2+$0x0], $0xffff;
	v50 =	vmul.bf16 v17, v5;
	v51 =	vmul.bf16 v18, v7  }
0x23f: {  	v48 =	vld.idx.msk [tilespmem:v24+s2+$0x0], $0xffff;
	v3 =	vadd.bf16 v52, v3;
	v1 =	vmul.bf16 v1, v4;
	v0 =	vmul.bf16 v0, v6  }
0x240: {  	v57 =	vld.idx.msk [tilespmem:v28+s2+$0x0], $0xffff;
	v59 =	vmul.bf16 v25, v59;
	v61 =	vmul.bf16 v49, v14;
	v2 =	vadd.bf16 v52, v2  }
0x241: {  	v53 =	vmul.bf16 v20, v43;
	v1 =	vadd.bf16 v52, v1;
	v0 =	vadd.bf16 v0, v3;
	v3 =	vld.idx.msk [tilespmem:v26+s2+$0x0], $0xffff  }
0x242: {  	v62 =	vmul.bf16 v55, v54;
	v4 =	vadd.bf16 v52, v50;
	v56 =	vmul.bf16 v19, v58  }
0x243: {  	v2 =	vadd.bf16 v51, v2;
	v58 =	vmul.bf16 v23, v30;
	v1 =	vadd.bf16 v53, v1  }
0x244: {  	v10 =	vmul.bf16 v46, v10;
	v60 =	vmul.bf16 v48, v11;
	v4 =	vadd.bf16 v56, v4  }
0x245: {  	v63 =	vmul.bf16 v57, v22;
	v0 =	vadd.bf16 v58, v0;
	v1 =	vadd.bf16 v59, v1  }
0x246: {  	v2 =	vadd.bf16 v10, v2;
	v4 =	vadd.bf16 v60, v4;
	v3 =	vmul.bf16 v3, v33  }
0x247: {  	v0 =	vadd.bf16 v61, v0;
	v1 =	vadd.bf16 v62, v1  }
0x248: {  	v2 =	vadd.bf16 v3, v2;
	v3 =	vadd.bf16 v63, v4  }
0x249: {  	p0 =	sne.s32 s18, $0xFFFFFFC0  }
.Ltmp0:
0x24a: {  	v0 =	vadd.bf16 v2, v0;
	v1 =	vadd.bf16 v3, v1;
	(pc) =	sbr.rel @p0 .LBB2_3-.Ltmp0, $3  }
0x24b: {  	_ = 	snop  }
0x24c: {  	v0 =	vadd.bf16 v1, v0;
	_ =	sdelay $0x1  }
0x24d: {  	s18 =	sadd.s32 $0x40, s18;
	[tilespmem:s19+$0x10E00] =	vst v0;
	v0 =	vimm.s32 $0x0  }
0x24e: {  	s18 =	sshll.u32 s17, $0x7;
	s17 =	sadd.s32 $0x1, s17  }
0x24f: {  	p0 =	sne.s32 s17, $0x20  }
.Ltmp1:
0x250: {  	s18 =	sadd.s32 s18, s6;
	(pc) =	sbr.rel @p0 .LBB2_2-.Ltmp1, $4  }
0x251: {  	[hbm4b:s18+s13] =	stream.strided.scatter [tilespmem:s15], [sflag:$0x1], $0x800, s14, s13, $0x38;
	[tilespmem:$0x10E00] =	vst v63  }
0x252: {  	_ =	swait.ge [sflag:s8], $0x800  }
0x253: {  	[sflag:s8] =	ssyncset.done $0x0  }
0x254: {  	[sflag:s8] =	ssyncadd.s32 $0xFFFFF800  }
0x255: {  	s16 =	sadd.s32 $0x1, s16  }
0x256: {  	p0 =	sne.s32 s16, s7  }
.Ltmp2:
0x257: {  	_ = 	snop;
	(pc) =	sbr.rel @p0 .LBB2_1-.Ltmp2, $1  }
0x258: {  	_ =	sdelay $0x3  }
0x259: {  	_ =	sfence.sel $0x180000  }
0x25a: {  	[bflag:$0x0] =	sbarrier.arrive $0xFFFF  }
0x25b: {  	p0 =	sne.s32 s1, $0x0;
	_ =	strace $0x90000047  }
0x25c: {  	s0 =	sadd.s32 @!p0 $0x100000, s0;
	[bflag:$0x2] =	sbarrier.arrive $0xFFFF  }
0x25d: {  	[sflag:s0] =	ssyncadd.tile.s32 @!p0 $0x1;
	_ =	shalt  }
.Lfunc_end2:
_tile_overlayer_lowered:
.L_overlay_start_2:
0x25e: {  	(tag) =	ssettag $0x2  }
0x25f: {  	s0 =	rddreg [dreg:$0x0];
	s2 =	stileid.u32  }
0x260: {  	s1 =	rddreg [dreg:$0x1];
	p0 =	sne.s32 s2, $0x0  }
0x261: {  	s3 =	rddreg [dreg:$0x2];
	[bflag:$0x3] =	sbarrier.arrive $0xFFFF;
	s2 =	simm.s32 @!p0 $0x1C01  }
0x262: {  	[timem:s3], [sflag:s2] =	dma.local @!p0 [hbm:s0], s1  }
0x263: {  	s0 =	simm.s32 @!p0 $0x1  }
0x264: {  	_ =	swait.ge @!p0 [sflag:s0], s1  }
0x265: {  	s1 =	ssub.s32 @!p0 $0x0, s1;
	[sflag:s0] =	ssyncset.done @!p0 $0x0  }
0x266: {  	[sflag:s0] =	ssyncadd.s32 @!p0 s1  }
0x267: {  	[bflag:$0x3] =	sbarrier.arrive $0xFFFF  }
0x268: {  	_ =	shalt  }

</sc_bundles>
